<compile_context>
chip_gen: v7x
topology: tpu7x:2x2x1
jax: 0.10.2.dev20260603
libtpu: 0.0.44.dev20260713+nightly
codegen_flags: <defaults>
</compile_context>

<pallas_src>
import functools

import jax
import jax.numpy as jnp
from jax import lax
from jax.experimental import pallas as pl
from jax.experimental.pallas import tpu as pltpu
from jax.experimental.pallas import tpu_sc as plsc

NC = 2
NS = 16
NW = NC * NS
L = 16

IDXW = 128
CHUNK = 1280
NSUB = CHUNK // IDXW

BRT = 1000


def _repack_kernel(q_ref, out_ref):
    qf = (q_ref[...].astype(jnp.int32) & 255).astype(jnp.float32)
    c = jax.lax.broadcasted_iota(jnp.int32, (512, 128), 0)
    m4 = jax.lax.broadcasted_iota(jnp.int32, (512, 128), 1) * 4
    wlow = ((c == m4) + (c == m4 + 1) * 256).astype(jnp.float32)
    whigh = ((c == m4 + 2) + (c == m4 + 3) * 256).astype(jnp.float32)
    low = jnp.dot(qf, wlow, preferred_element_type=jnp.float32)
    high = jnp.dot(qf, whigh, preferred_element_type=jnp.float32)
    out_ref[...] = low.astype(jnp.int32) | (high.astype(jnp.int32) << 16)


def _repack(q2):
    R = q2.shape[0]
    return pl.pallas_call(
        _repack_kernel,
        out_shape=jax.ShapeDtypeStruct((R, 128), jnp.int32),
        grid=(R // BRT,),
        in_specs=[pl.BlockSpec((BRT, 512), lambda i: (i, 0))],
        out_specs=pl.BlockSpec((BRT, 128), lambda i: (i, 0)),
    )(q2)


def _dequant_chunk(rows_v, amax_v, out_v, iota16):
    inv127 = jnp.float32(1.0 / 127.0)

    def grp(g, _):
        r0 = g * L
        scale16 = amax_v[pl.ds(r0, L)] * inv127
        for rr in range(L):
            r = r0 + rr
            words = rows_v[r]
            scale_b = jnp.broadcast_to(scale16[rr], (L,))
            obase = r * 64
            for j in range(4):
                if j < 3:
                    b = (words << (24 - 8 * j)) >> 24
                else:
                    b = words >> 24
                f = b.astype(jnp.float32) * scale_b
                plsc.store_scatter(out_v, [obase + 4 * iota16 + j], f)
        return 0

    lax.fori_loop(0, CHUNK // L, grp, 0)


def _make_sc_kernel(N, V):
    per_w = N // NW
    nchunks = per_w // CHUNK
    mesh = plsc.VectorSubcoreMesh(
        core_axis_name="c", subcore_axis_name="s", num_cores=NC, num_subcores=NS)

    @functools.partial(
        pl.kernel,
        out_type=jax.ShapeDtypeStruct((N * 64,), jnp.float32),
        mesh=mesh,
        compiler_params=pltpu.CompilerParams(
            use_tc_tiling_on_sc=False, needs_layout_passes=False),
        scratch_types=[
            pltpu.VMEM((CHUNK,), jnp.int32),
            pltpu.VMEM((CHUNK, 16), jnp.int32),
            pltpu.VMEM((CHUNK,), jnp.float32),
            pltpu.VMEM((CHUNK * 64,), jnp.float32),
            pltpu.SemaphoreType.DMA,
            pltpu.SemaphoreType.DMA,
        ],
    )
    def k(idx_hbm, wtab_hbm, amax_hbm, out_hbm,
          idx_v, rows_v, amax_v, out_v, sem_r, sem_a):
        wid = lax.axis_index("s") * NC + lax.axis_index("c")
        iota16 = lax.iota(jnp.int32, L)

        def body(ci, _):
            base = wid * per_w + ci * CHUNK
            pltpu.sync_copy(idx_hbm.at[pl.ds(base, CHUNK)], idx_v)
            for s in range(NSUB):
                pltpu.async_copy(
                    wtab_hbm.at[idx_v.at[pl.ds(s * IDXW, IDXW)]],
                    rows_v.at[pl.ds(s * IDXW, IDXW)], sem_r)
                pltpu.async_copy(
                    amax_hbm.at[idx_v.at[pl.ds(s * IDXW, IDXW)]],
                    amax_v.at[pl.ds(s * IDXW, IDXW)], sem_a)
            for s in range(NSUB):
                pltpu.make_async_copy(
                    wtab_hbm.at[idx_v.at[pl.ds(s * IDXW, IDXW)]],
                    rows_v.at[pl.ds(s * IDXW, IDXW)], sem_r).wait()
                pltpu.make_async_copy(
                    amax_hbm.at[idx_v.at[pl.ds(s * IDXW, IDXW)]],
                    amax_v.at[pl.ds(s * IDXW, IDXW)], sem_a).wait()
            _dequant_chunk(rows_v, amax_v, out_v, iota16)
            pltpu.sync_copy(out_v, out_hbm.at[pl.ds(base * 64, CHUNK * 64)])
            return 0

        lax.fori_loop(0, nchunks, body, 0)

    return k


def kernel(x, q_weight, absmax):
    B, S = x.shape
    V, D = q_weight.shape
    N = B * S
    idx = x.reshape(N).astype(jnp.int32)
    wtab = _repack(q_weight.reshape(V // 8, 8 * D)).reshape(V, 16)
    out = _make_sc_kernel(N, V)(idx, wtab, absmax)
    return out.reshape(B, S, D)

# --- scband reference (transcript-rebuilt; emitter-appended) ---
"""Pipeline reference for scband-bnb8bit-embedding-77068893159748 (READ-ONLY COPY).

The authoritative reference and input builder live on the scoring server;
editing this copy changes nothing except your own understanding.
"""

import jax, jax.numpy as jnp
import numpy as np

NUM_EMBEDDINGS = 1000000
EMBEDDING_DIM = 64
CHUNK_SIZE = 2048  # chunking does not change the math: quantization is per-row


def setup_inputs(seed: int = 0) -> dict:
    key = jax.random.key(seed)
    k_w, k_idx = jax.random.split(key)
    # Source embedding table (fp32), then per-row int8 absmax quantization
    w = jax.random.normal(k_w, (NUM_EMBEDDINGS, EMBEDDING_DIM), dtype=jnp.float32)
    absmax = jnp.abs(w).max(axis=1) + 1e-08  # [V]
    normed = w / absmax[:, None]
    q_weight = jnp.clip(jnp.round(normed * 127.0), -128, 127).astype(jnp.int8)  # [V, d]
    indices = jax.random.randint(k_idx, (4096, 50), 0, NUM_EMBEDDINGS, dtype=jnp.int64)
    return {"x": indices, "q_weight": q_weight, "absmax": absmax}


def reference(x, q_weight, absmax):
    # Equivalent to the chunked torch loop: per-row dequantized gather.
    # For each index i: out = float(q_weight[i]) * (absmax[i] / 127)
    selected_qw = jnp.take(q_weight, x, axis=0).astype(jnp.float32)  # [B, L, d]
    selected_absmax = jnp.take(absmax, x, axis=0)[..., None]         # [B, L, 1]
    out = selected_qw * (selected_absmax / 127.0)
    return out

if __name__ == "__main__":
    import jax
    _d = setup_inputs()
    print(jax.jit(kernel)(*tuple(_d.values())))

</pallas_src>

<mosaic_0001>
#map = affine_map<(d0, d1) -> (0)>
#map1 = affine_map<(d0, d1) -> (0, 0)>
module attributes {stable_mosaic.version = 14 : i64} {
  func.func @k(%arg0: i32, %arg1: i32, %arg2: memref<204800xi32, #tpu.memory_space<hbm>>, %arg3: memref<1000000x16xi32, #tpu.memory_space<hbm>>, %arg4: memref<1000000xf32, #tpu.memory_space<hbm>>, %arg5: memref<13107200xf32, #tpu.memory_space<hbm>>, %arg6: memref<1280xi32, #tpu.memory_space<vmem>>, %arg7: memref<1280x16xi32, #tpu.memory_space<vmem>>, %arg8: memref<1280xf32, #tpu.memory_space<vmem>>, %arg9: memref<81920xf32, #tpu.memory_space<vmem>>, %arg10: memref<!tpu.dma_semaphore, #tpu.memory_space<semaphore_mem>>, %arg11: memref<!tpu.dma_semaphore, #tpu.memory_space<semaphore_mem>>) attributes {dimension_semantics = [#tpu.dimension_semantics<core_parallel>, #tpu.dimension_semantics<subcore_parallel>], iteration_bounds = array<i64: 2, 16>, scalar_prefetch = 0 : i64, scratch_operands = 6 : i64, tpu.core_type = #tpu.core_type<sc_vector_subcore>, window_params = [{transform_indices = #map}, {transform_indices = #map1}, {transform_indices = #map}, {transform_indices = #map}]} {
    %mul3A = arith.constant 2 : i32
    %mul3A_0 = arith.muli %arg1, %mul3A : i32
    %add3A = arith.addi %mul3A_0, %arg0 : i32
    %iota3A = tpu.iota {dimensions = array<i32: 0>} : vector<16xi32>
    %scan3A = arith.constant 0 : i32
    %scan3A_1 = arith.constant 0 : i32
    %scan3A_2 = arith.constant 5 : i32
    %scan3A_3 = arith.addi %scan3A_1, %scan3A_2 : i32
    %scan3A_4 = arith.constant 1 : i32
    %scan3A_5 = scf.for %scan3A_7 = %scan3A_1 to %scan3A_3 step %scan3A_4 iter_args(%scan3A_8 = %scan3A) -> (i32)  : i32 {
      %mul3A_9 = arith.constant 6400 : i32
      %mul3A_10 = arith.muli %add3A, %mul3A_9 : i32
      %mul3A_11 = arith.constant 1280 : i32
      %mul3A_12 = arith.muli %scan3A_7, %mul3A_11 : i32
      %add3A_13 = arith.addi %mul3A_10, %mul3A_12 : i32
      "tpu.region"() ({
        %run_scoped3A = tpu.sem_alloc : memref<!tpu.dma_semaphore, #tpu.memory_space<semaphore_mem>>
        %dma_start3A_303 = tpu.memref_slice %arg2[%add3A_13] : memref<204800xi32, #tpu.memory_space<hbm>> -> memref<1280xi32, #tpu.memory_space<hbm>>
        %dma_start3A_304 = tpu.memref_slice %arg2[%add3A_13] : memref<204800xi32, #tpu.memory_space<hbm>> -> memref<1280xi32, #tpu.memory_space<hbm>>
        tpu.enqueue_dma source(%dma_start3A_304 : memref<1280xi32, #tpu.memory_space<hbm>>) target(%arg6 : memref<1280xi32, #tpu.memory_space<vmem>>) target_semaphore(%run_scoped3A : memref<!tpu.dma_semaphore, #tpu.memory_space<semaphore_mem>>)
        %dma_wait3A_305 = tpu.memref_slice %arg2[%add3A_13] : memref<204800xi32, #tpu.memory_space<hbm>> -> memref<1280xi32, #tpu.memory_space<hbm>>
        %dma_wait3A_306 = tpu.memref_slice %arg2[%add3A_13] : memref<204800xi32, #tpu.memory_space<hbm>> -> memref<1280xi32, #tpu.memory_space<hbm>>
        tpu.wait_dma2 semaphore(%run_scoped3A : memref<!tpu.dma_semaphore, #tpu.memory_space<semaphore_mem>>) src(%dma_wait3A_306 : memref<1280xi32, #tpu.memory_space<hbm>>) dst(%arg6 : memref<1280xi32, #tpu.memory_space<vmem>>)
        tpu.yield
      }) : () -> ()
      %dma_start3A = arith.constant 0 : i32
      %dma_start3A_14 = arith.constant 0 : i32
      %dma_start3A_15 = tpu.memref_slice %arg7[%dma_start3A, %dma_start3A_14] : memref<1280x16xi32, #tpu.memory_space<vmem>> -> memref<128x16xi32, #tpu.memory_space<vmem>>
      %dma_start3A_16 = arith.constant 0 : i32
      %dma_start3A_17 = tpu.memref_slice %arg6[%dma_start3A_16] : memref<1280xi32, #tpu.memory_space<vmem>> -> memref<128xi32, #tpu.memory_space<vmem>>
      %dma_start3A_18 = arith.constant 0 : i32
      %dma_start3A_19 = arith.constant 0 : i32
      %dma_start3A_20 = tpu.memref_slice %arg3[%dma_start3A_18, %dma_start3A_19] : memref<1000000x16xi32, #tpu.memory_space<hbm>> -> memref<1000000x16xi32, #tpu.memory_space<hbm>>
      tpu.enqueue_indirect_dma source(%dma_start3A_20 : memref<1000000x16xi32, #tpu.memory_space<hbm>>) target(%dma_start3A_15 : memref<128x16xi32, #tpu.memory_space<vmem>>) offsets(%dma_start3A_17 : memref<128xi32, #tpu.memory_space<vmem>>) semaphore(%arg10 : memref<!tpu.dma_semaphore, #tpu.memory_space<semaphore_mem>>)
      %dma_start3A_21 = arith.constant 0 : i32
      %dma_start3A_22 = tpu.memref_slice %arg8[%dma_start3A_21] : memref<1280xf32, #tpu.memory_space<vmem>> -> memref<128xf32, #tpu.memory_space<vmem>>
      %dma_start3A_23 = arith.constant 0 : i32
      %dma_start3A_24 = tpu.memref_slice %arg6[%dma_start3A_23] : memref<1280xi32, #tpu.memory_space<vmem>> -> memref<128xi32, #tpu.memory_space<vmem>>
      %dma_start3A_25 = arith.constant 0 : i32
      %dma_start3A_26 = tpu.memref_slice %arg4[%dma_start3A_25] : memref<1000000xf32, #tpu.memory_space<hbm>> -> memref<1000000xf32, #tpu.memory_space<hbm>>
      tpu.enqueue_indirect_dma source(%dma_start3A_26 : memref<1000000xf32, #tpu.memory_space<hbm>>) target(%dma_start3A_22 : memref<128xf32, #tpu.memory_space<vmem>>) offsets(%dma_start3A_24 : memref<128xi32, #tpu.memory_space<vmem>>) semaphore(%arg11 : memref<!tpu.dma_semaphore, #tpu.memory_space<semaphore_mem>>)
      %dma_start3A_27 = arith.constant 128 : i32
      %dma_start3A_28 = arith.constant 0 : i32
      %dma_start3A_29 = tpu.memref_slice %arg7[%dma_start3A_27, %dma_start3A_28] : memref<1280x16xi32, #tpu.memory_space<vmem>> -> memref<128x16xi32, #tpu.memory_space<vmem>>
      %dma_start3A_30 = arith.constant 128 : i32
      %dma_start3A_31 = tpu.memref_slice %arg6[%dma_start3A_30] : memref<1280xi32, #tpu.memory_space<vmem>> -> memref<128xi32, #tpu.memory_space<vmem>>
      %dma_start3A_32 = arith.constant 0 : i32
      %dma_start3A_33 = arith.constant 0 : i32
      %dma_start3A_34 = tpu.memref_slice %arg3[%dma_start3A_32, %dma_start3A_33] : memref<1000000x16xi32, #tpu.memory_space<hbm>> -> memref<1000000x16xi32, #tpu.memory_space<hbm>>
      tpu.enqueue_indirect_dma source(%dma_start3A_34 : memref<1000000x16xi32, #tpu.memory_space<hbm>>) target(%dma_start3A_29 : memref<128x16xi32, #tpu.memory_space<vmem>>) offsets(%dma_start3A_31 : memref<128xi32, #tpu.memory_space<vmem>>) semaphore(%arg10 : memref<!tpu.dma_semaphore, #tpu.memory_space<semaphore_mem>>)
      %dma_start3A_35 = arith.constant 128 : i32
      %dma_start3A_36 = tpu.memref_slice %arg8[%dma_start3A_35] : memref<1280xf32, #tpu.memory_space<vmem>> -> memref<128xf32, #tpu.memory_space<vmem>>
      %dma_start3A_37 = arith.constant 128 : i32
      %dma_start3A_38 = tpu.memref_slice %arg6[%dma_start3A_37] : memref<1280xi32, #tpu.memory_space<vmem>> -> memref<128xi32, #tpu.memory_space<vmem>>
      %dma_start3A_39 = arith.constant 0 : i32
      %dma_start3A_40 = tpu.memref_slice %arg4[%dma_start3A_39] : memref<1000000xf32, #tpu.memory_space<hbm>> -> memref<1000000xf32, #tpu.memory_space<hbm>>
      tpu.enqueue_indirect_dma source(%dma_start3A_40 : memref<1000000xf32, #tpu.memory_space<hbm>>) target(%dma_start3A_36 : memref<128xf32, #tpu.memory_space<vmem>>) offsets(%dma_start3A_38 : memref<128xi32, #tpu.memory_space<vmem>>) semaphore(%arg11 : memref<!tpu.dma_semaphore, #tpu.memory_space<semaphore_mem>>)
      %dma_start3A_41 = arith.constant 256 : i32
      %dma_start3A_42 = arith.constant 0 : i32
      %dma_start3A_43 = tpu.memref_slice %arg7[%dma_start3A_41, %dma_start3A_42] : memref<1280x16xi32, #tpu.memory_space<vmem>> -> memref<128x16xi32, #tpu.memory_space<vmem>>
      %dma_start3A_44 = arith.constant 256 : i32
      %dma_start3A_45 = tpu.memref_slice %arg6[%dma_start3A_44] : memref<1280xi32, #tpu.memory_space<vmem>> -> memref<128xi32, #tpu.memory_space<vmem>>
      %dma_start3A_46 = arith.constant 0 : i32
      %dma_start3A_47 = arith.constant 0 : i32
      %dma_start3A_48 = tpu.memref_slice %arg3[%dma_start3A_46, %dma_start3A_47] : memref<1000000x16xi32, #tpu.memory_space<hbm>> -> memref<1000000x16xi32, #tpu.memory_space<hbm>>
      tpu.enqueue_indirect_dma source(%dma_start3A_48 : memref<1000000x16xi32, #tpu.memory_space<hbm>>) target(%dma_start3A_43 : memref<128x16xi32, #tpu.memory_space<vmem>>) offsets(%dma_start3A_45 : memref<128xi32, #tpu.memory_space<vmem>>) semaphore(%arg10 : memref<!tpu.dma_semaphore, #tpu.memory_space<semaphore_mem>>)
      %dma_start3A_49 = arith.constant 256 : i32
      %dma_start3A_50 = tpu.memref_slice %arg8[%dma_start3A_49] : memref<1280xf32, #tpu.memory_space<vmem>> -> memref<128xf32, #tpu.memory_space<vmem>>
      %dma_start3A_51 = arith.constant 256 : i32
      %dma_start3A_52 = tpu.memref_slice %arg6[%dma_start3A_51] : memref<1280xi32, #tpu.memory_space<vmem>> -> memref<128xi32, #tpu.memory_space<vmem>>
      %dma_start3A_53 = arith.constant 0 : i32
      %dma_start3A_54 = tpu.memref_slice %arg4[%dma_start3A_53] : memref<1000000xf32, #tpu.memory_space<hbm>> -> memref<1000000xf32, #tpu.memory_space<hbm>>
      tpu.enqueue_indirect_dma source(%dma_start3A_54 : memref<1000000xf32, #tpu.memory_space<hbm>>) target(%dma_start3A_50 : memref<128xf32, #tpu.memory_space<vmem>>) offsets(%dma_start3A_52 : memref<128xi32, #tpu.memory_space<vmem>>) semaphore(%arg11 : memref<!tpu.dma_semaphore, #tpu.memory_space<semaphore_mem>>)
      %dma_start3A_55 = arith.constant 384 : i32
      %dma_start3A_56 = arith.constant 0 : i32
      %dma_start3A_57 = tpu.memref_slice %arg7[%dma_start3A_55, %dma_start3A_56] : memref<1280x16xi32, #tpu.memory_space<vmem>> -> memref<128x16xi32, #tpu.memory_space<vmem>>
      %dma_start3A_58 = arith.constant 384 : i32
      %dma_start3A_59 = tpu.memref_slice %arg6[%dma_start3A_58] : memref<1280xi32, #tpu.memory_space<vmem>> -> memref<128xi32, #tpu.memory_space<vmem>>
      %dma_start3A_60 = arith.constant 0 : i32
      %dma_start3A_61 = arith.constant 0 : i32
      %dma_start3A_62 = tpu.memref_slice %arg3[%dma_start3A_60, %dma_start3A_61] : memref<1000000x16xi32, #tpu.memory_space<hbm>> -> memref<1000000x16xi32, #tpu.memory_space<hbm>>
      tpu.enqueue_indirect_dma source(%dma_start3A_62 : memref<1000000x16xi32, #tpu.memory_space<hbm>>) target(%dma_start3A_57 : memref<128x16xi32, #tpu.memory_space<vmem>>) offsets(%dma_start3A_59 : memref<128xi32, #tpu.memory_space<vmem>>) semaphore(%arg10 : memref<!tpu.dma_semaphore, #tpu.memory_space<semaphore_mem>>)
      %dma_start3A_63 = arith.constant 384 : i32
      %dma_start3A_64 = tpu.memref_slice %arg8[%dma_start3A_63] : memref<1280xf32, #tpu.memory_space<vmem>> -> memref<128xf32, #tpu.memory_space<vmem>>
      %dma_start3A_65 = arith.constant 384 : i32
      %dma_start3A_66 = tpu.memref_slice %arg6[%dma_start3A_65] : memref<1280xi32, #tpu.memory_space<vmem>> -> memref<128xi32, #tpu.memory_space<vmem>>
      %dma_start3A_67 = arith.constant 0 : i32
      %dma_start3A_68 = tpu.memref_slice %arg4[%dma_start3A_67] : memref<1000000xf32, #tpu.memory_space<hbm>> -> memref<1000000xf32, #tpu.memory_space<hbm>>
      tpu.enqueue_indirect_dma source(%dma_start3A_68 : memref<1000000xf32, #tpu.memory_space<hbm>>) target(%dma_start3A_64 : memref<128xf32, #tpu.memory_space<vmem>>) offsets(%dma_start3A_66 : memref<128xi32, #tpu.memory_space<vmem>>) semaphore(%arg11 : memref<!tpu.dma_semaphore, #tpu.memory_space<semaphore_mem>>)
      %dma_start3A_69 = arith.constant 512 : i32
      %dma_start3A_70 = arith.constant 0 : i32
      %dma_start3A_71 = tpu.memref_slice %arg7[%dma_start3A_69, %dma_start3A_70] : memref<1280x16xi32, #tpu.memory_space<vmem>> -> memref<128x16xi32, #tpu.memory_space<vmem>>
      %dma_start3A_72 = arith.constant 512 : i32
      %dma_start3A_73 = tpu.memref_slice %arg6[%dma_start3A_72] : memref<1280xi32, #tpu.memory_space<vmem>> -> memref<128xi32, #tpu.memory_space<vmem>>
      %dma_start3A_74 = arith.constant 0 : i32
      %dma_start3A_75 = arith.constant 0 : i32
      %dma_start3A_76 = tpu.memref_slice %arg3[%dma_start3A_74, %dma_start3A_75] : memref<1000000x16xi32, #tpu.memory_space<hbm>> -> memref<1000000x16xi32, #tpu.memory_space<hbm>>
      tpu.enqueue_indirect_dma source(%dma_start3A_76 : memref<1000000x16xi32, #tpu.memory_space<hbm>>) target(%dma_start3A_71 : memref<128x16xi32, #tpu.memory_space<vmem>>) offsets(%dma_start3A_73 : memref<128xi32, #tpu.memory_space<vmem>>) semaphore(%arg10 : memref<!tpu.dma_semaphore, #tpu.memory_space<semaphore_mem>>)
      %dma_start3A_77 = arith.constant 512 : i32
      %dma_start3A_78 = tpu.memref_slice %arg8[%dma_start3A_77] : memref<1280xf32, #tpu.memory_space<vmem>> -> memref<128xf32, #tpu.memory_space<vmem>>
      %dma_start3A_79 = arith.constant 512 : i32
      %dma_start3A_80 = tpu.memref_slice %arg6[%dma_start3A_79] : memref<1280xi32, #tpu.memory_space<vmem>> -> memref<128xi32, #tpu.memory_space<vmem>>
      %dma_start3A_81 = arith.constant 0 : i32
      %dma_start3A_82 = tpu.memref_slice %arg4[%dma_start3A_81] : memref<1000000xf32, #tpu.memory_space<hbm>> -> memref<1000000xf32, #tpu.memory_space<hbm>>
      tpu.enqueue_indirect_dma source(%dma_start3A_82 : memref<1000000xf32, #tpu.memory_space<hbm>>) target(%dma_start3A_78 : memref<128xf32, #tpu.memory_space<vmem>>) offsets(%dma_start3A_80 : memref<128xi32, #tpu.memory_space<vmem>>) semaphore(%arg11 : memref<!tpu.dma_semaphore, #tpu.memory_space<semaphore_mem>>)
      %dma_start3A_83 = arith.constant 640 : i32
      %dma_start3A_84 = arith.constant 0 : i32
      %dma_start3A_85 = tpu.memref_slice %arg7[%dma_start3A_83, %dma_start3A_84] : memref<1280x16xi32, #tpu.memory_space<vmem>> -> memref<128x16xi32, #tpu.memory_space<vmem>>
      %dma_start3A_86 = arith.constant 640 : i32
      %dma_start3A_87 = tpu.memref_slice %arg6[%dma_start3A_86] : memref<1280xi32, #tpu.memory_space<vmem>> -> memref<128xi32, #tpu.memory_space<vmem>>
      %dma_start3A_88 = arith.constant 0 : i32
      %dma_start3A_89 = arith.constant 0 : i32
      %dma_start3A_90 = tpu.memref_slice %arg3[%dma_start3A_88, %dma_start3A_89] : memref<1000000x16xi32, #tpu.memory_space<hbm>> -> memref<1000000x16xi32, #tpu.memory_space<hbm>>
      tpu.enqueue_indirect_dma source(%dma_start3A_90 : memref<1000000x16xi32, #tpu.memory_space<hbm>>) target(%dma_start3A_85 : memref<128x16xi32, #tpu.memory_space<vmem>>) offsets(%dma_start3A_87 : memref<128xi32, #tpu.memory_space<vmem>>) semaphore(%arg10 : memref<!tpu.dma_semaphore, #tpu.memory_space<semaphore_mem>>)
      %dma_start3A_91 = arith.constant 640 : i32
      %dma_start3A_92 = tpu.memref_slice %arg8[%dma_start3A_91] : memref<1280xf32, #tpu.memory_space<vmem>> -> memref<128xf32, #tpu.memory_space<vmem>>
      %dma_start3A_93 = arith.constant 640 : i32
      %dma_start3A_94 = tpu.memref_slice %arg6[%dma_start3A_93] : memref<1280xi32, #tpu.memory_space<vmem>> -> memref<128xi32, #tpu.memory_space<vmem>>
      %dma_start3A_95 = arith.constant 0 : i32
      %dma_start3A_96 = tpu.memref_slice %arg4[%dma_start3A_95] : memref<1000000xf32, #tpu.memory_space<hbm>> -> memref<1000000xf32, #tpu.memory_space<hbm>>
      tpu.enqueue_indirect_dma source(%dma_start3A_96 : memref<1000000xf32, #tpu.memory_space<hbm>>) target(%dma_start3A_92 : memref<128xf32, #tpu.memory_space<vmem>>) offsets(%dma_start3A_94 : memref<128xi32, #tpu.memory_space<vmem>>) semaphore(%arg11 : memref<!tpu.dma_semaphore, #tpu.memory_space<semaphore_mem>>)
      %dma_start3A_97 = arith.constant 768 : i32
      %dma_start3A_98 = arith.constant 0 : i32
      %dma_start3A_99 = tpu.memref_slice %arg7[%dma_start3A_97, %dma_start3A_98] : memref<1280x16xi32, #tpu.memory_space<vmem>> -> memref<128x16xi32, #tpu.memory_space<vmem>>
      %dma_start3A_100 = arith.constant 768 : i32
      %dma_start3A_101 = tpu.memref_slice %arg6[%dma_start3A_100] : memref<1280xi32, #tpu.memory_space<vmem>> -> memref<128xi32, #tpu.memory_space<vmem>>
      %dma_start3A_102 = arith.constant 0 : i32
      %dma_start3A_103 = arith.constant 0 : i32
      %dma_start3A_104 = tpu.memref_slice %arg3[%dma_start3A_102, %dma_start3A_103] : memref<1000000x16xi32, #tpu.memory_space<hbm>> -> memref<1000000x16xi32, #tpu.memory_space<hbm>>
      tpu.enqueue_indirect_dma source(%dma_start3A_104 : memref<1000000x16xi32, #tpu.memory_space<hbm>>) target(%dma_start3A_99 : memref<128x16xi32, #tpu.memory_space<vmem>>) offsets(%dma_start3A_101 : memref<128xi32, #tpu.memory_space<vmem>>) semaphore(%arg10 : memref<!tpu.dma_semaphore, #tpu.memory_space<semaphore_mem>>)
      %dma_start3A_105 = arith.constant 768 : i32
      %dma_start3A_106 = tpu.memref_slice %arg8[%dma_start3A_105] : memref<1280xf32, #tpu.memory_space<vmem>> -> memref<128xf32, #tpu.memory_space<vmem>>
      %dma_start3A_107 = arith.constant 768 : i32
      %dma_start3A_108 = tpu.memref_slice %arg6[%dma_start3A_107] : memref<1280xi32, #tpu.memory_space<vmem>> -> memref<128xi32, #tpu.memory_space<vmem>>
      %dma_start3A_109 = arith.constant 0 : i32
      %dma_start3A_110 = tpu.memref_slice %arg4[%dma_start3A_109] : memref<1000000xf32, #tpu.memory_space<hbm>> -> memref<1000000xf32, #tpu.memory_space<hbm>>
      tpu.enqueue_indirect_dma source(%dma_start3A_110 : memref<1000000xf32, #tpu.memory_space<hbm>>) target(%dma_start3A_106 : memref<128xf32, #tpu.memory_space<vmem>>) offsets(%dma_start3A_108 : memref<128xi32, #tpu.memory_space<vmem>>) semaphore(%arg11 : memref<!tpu.dma_semaphore, #tpu.memory_space<semaphore_mem>>)
      %dma_start3A_111 = arith.constant 896 : i32
      %dma_start3A_112 = arith.constant 0 : i32
      %dma_start3A_113 = tpu.memref_slice %arg7[%dma_start3A_111, %dma_start3A_112] : memref<1280x16xi32, #tpu.memory_space<vmem>> -> memref<128x16xi32, #tpu.memory_space<vmem>>
      %dma_start3A_114 = arith.constant 896 : i32
      %dma_start3A_115 = tpu.memref_slice %arg6[%dma_start3A_114] : memref<1280xi32, #tpu.memory_space<vmem>> -> memref<128xi32, #tpu.memory_space<vmem>>
      %dma_start3A_116 = arith.constant 0 : i32
      %dma_start3A_117 = arith.constant 0 : i32
      %dma_start3A_118 = tpu.memref_slice %arg3[%dma_start3A_116, %dma_start3A_117] : memref<1000000x16xi32, #tpu.memory_space<hbm>> -> memref<1000000x16xi32, #tpu.memory_space<hbm>>
      tpu.enqueue_indirect_dma source(%dma_start3A_118 : memref<1000000x16xi32, #tpu.memory_space<hbm>>) target(%dma_start3A_113 : memref<128x16xi32, #tpu.memory_space<vmem>>) offsets(%dma_start3A_115 : memref<128xi32, #tpu.memory_space<vmem>>) semaphore(%arg10 : memref<!tpu.dma_semaphore, #tpu.memory_space<semaphore_mem>>)
      %dma_start3A_119 = arith.constant 896 : i32
      %dma_start3A_120 = tpu.memref_slice %arg8[%dma_start3A_119] : memref<1280xf32, #tpu.memory_space<vmem>> -> memref<128xf32, #tpu.memory_space<vmem>>
      %dma_start3A_121 = arith.constant 896 : i32
      %dma_start3A_122 = tpu.memref_slice %arg6[%dma_start3A_121] : memref<1280xi32, #tpu.memory_space<vmem>> -> memref<128xi32, #tpu.memory_space<vmem>>
      %dma_start3A_123 = arith.constant 0 : i32
      %dma_start3A_124 = tpu.memref_slice %arg4[%dma_start3A_123] : memref<1000000xf32, #tpu.memory_space<hbm>> -> memref<1000000xf32, #tpu.memory_space<hbm>>
      tpu.enqueue_indirect_dma source(%dma_start3A_124 : memref<1000000xf32, #tpu.memory_space<hbm>>) target(%dma_start3A_120 : memref<128xf32, #tpu.memory_space<vmem>>) offsets(%dma_start3A_122 : memref<128xi32, #tpu.memory_space<vmem>>) semaphore(%arg11 : memref<!tpu.dma_semaphore, #tpu.memory_space<semaphore_mem>>)
      %dma_start3A_125 = arith.constant 1024 : i32
      %dma_start3A_126 = arith.constant 0 : i32
      %dma_start3A_127 = tpu.memref_slice %arg7[%dma_start3A_125, %dma_start3A_126] : memref<1280x16xi32, #tpu.memory_space<vmem>> -> memref<128x16xi32, #tpu.memory_space<vmem>>
      %dma_start3A_128 = arith.constant 1024 : i32
      %dma_start3A_129 = tpu.memref_slice %arg6[%dma_start3A_128] : memref<1280xi32, #tpu.memory_space<vmem>> -> memref<128xi32, #tpu.memory_space<vmem>>
      %dma_start3A_130 = arith.constant 0 : i32
      %dma_start3A_131 = arith.constant 0 : i32
      %dma_start3A_132 = tpu.memref_slice %arg3[%dma_start3A_130, %dma_start3A_131] : memref<1000000x16xi32, #tpu.memory_space<hbm>> -> memref<1000000x16xi32, #tpu.memory_space<hbm>>
      tpu.enqueue_indirect_dma source(%dma_start3A_132 : memref<1000000x16xi32, #tpu.memory_space<hbm>>) target(%dma_start3A_127 : memref<128x16xi32, #tpu.memory_space<vmem>>) offsets(%dma_start3A_129 : memref<128xi32, #tpu.memory_space<vmem>>) semaphore(%arg10 : memref<!tpu.dma_semaphore, #tpu.memory_space<semaphore_mem>>)
      %dma_start3A_133 = arith.constant 1024 : i32
      %dma_start3A_134 = tpu.memref_slice %arg8[%dma_start3A_133] : memref<1280xf32, #tpu.memory_space<vmem>> -> memref<128xf32, #tpu.memory_space<vmem>>
      %dma_start3A_135 = arith.constant 1024 : i32
      %dma_start3A_136 = tpu.memref_slice %arg6[%dma_start3A_135] : memref<1280xi32, #tpu.memory_space<vmem>> -> memref<128xi32, #tpu.memory_space<vmem>>
      %dma_start3A_137 = arith.constant 0 : i32
      %dma_start3A_138 = tpu.memref_slice %arg4[%dma_start3A_137] : memref<1000000xf32, #tpu.memory_space<hbm>> -> memref<1000000xf32, #tpu.memory_space<hbm>>
      tpu.enqueue_indirect_dma source(%dma_start3A_138 : memref<1000000xf32, #tpu.memory_space<hbm>>) target(%dma_start3A_134 : memref<128xf32, #tpu.memory_space<vmem>>) offsets(%dma_start3A_136 : memref<128xi32, #tpu.memory_space<vmem>>) semaphore(%arg11 : memref<!tpu.dma_semaphore, #tpu.memory_space<semaphore_mem>>)
      %dma_start3A_139 = arith.constant 1152 : i32
      %dma_start3A_140 = arith.constant 0 : i32
      %dma_start3A_141 = tpu.memref_slice %arg7[%dma_start3A_139, %dma_start3A_140] : memref<1280x16xi32, #tpu.memory_space<vmem>> -> memref<128x16xi32, #tpu.memory_space<vmem>>
      %dma_start3A_142 = arith.constant 1152 : i32
      %dma_start3A_143 = tpu.memref_slice %arg6[%dma_start3A_142] : memref<1280xi32, #tpu.memory_space<vmem>> -> memref<128xi32, #tpu.memory_space<vmem>>
      %dma_start3A_144 = arith.constant 0 : i32
      %dma_start3A_145 = arith.constant 0 : i32
      %dma_start3A_146 = tpu.memref_slice %arg3[%dma_start3A_144, %dma_start3A_145] : memref<1000000x16xi32, #tpu.memory_space<hbm>> -> memref<1000000x16xi32, #tpu.memory_space<hbm>>
      tpu.enqueue_indirect_dma source(%dma_start3A_146 : memref<1000000x16xi32, #tpu.memory_space<hbm>>) target(%dma_start3A_141 : memref<128x16xi32, #tpu.memory_space<vmem>>) offsets(%dma_start3A_143 : memref<128xi32, #tpu.memory_space<vmem>>) semaphore(%arg10 : memref<!tpu.dma_semaphore, #tpu.memory_space<semaphore_mem>>)
      %dma_start3A_147 = arith.constant 1152 : i32
      %dma_start3A_148 = tpu.memref_slice %arg8[%dma_start3A_147] : memref<1280xf32, #tpu.memory_space<vmem>> -> memref<128xf32, #tpu.memory_space<vmem>>
      %dma_start3A_149 = arith.constant 1152 : i32
      %dma_start3A_150 = tpu.memref_slice %arg6[%dma_start3A_149] : memref<1280xi32, #tpu.memory_space<vmem>> -> memref<128xi32, #tpu.memory_space<vmem>>
      %dma_start3A_151 = arith.constant 0 : i32
      %dma_start3A_152 = tpu.memref_slice %arg4[%dma_start3A_151] : memref<1000000xf32, #tpu.memory_space<hbm>> -> memref<1000000xf32, #tpu.memory_space<hbm>>
      tpu.enqueue_indirect_dma source(%dma_start3A_152 : memref<1000000xf32, #tpu.memory_space<hbm>>) target(%dma_start3A_148 : memref<128xf32, #tpu.memory_space<vmem>>) offsets(%dma_start3A_150 : memref<128xi32, #tpu.memory_space<vmem>>) semaphore(%arg11 : memref<!tpu.dma_semaphore, #tpu.memory_space<semaphore_mem>>)
      %dma_wait3A = arith.constant 0 : i32
      %dma_wait3A_153 = arith.constant 0 : i32
      %dma_wait3A_154 = tpu.memref_slice %arg7[%dma_wait3A, %dma_wait3A_153] : memref<1280x16xi32, #tpu.memory_space<vmem>> -> memref<128x16xi32, #tpu.memory_space<vmem>>
      %dma_wait3A_155 = arith.constant 0 : i32
      %dma_wait3A_156 = tpu.memref_slice %arg6[%dma_wait3A_155] : memref<1280xi32, #tpu.memory_space<vmem>> -> memref<128xi32, #tpu.memory_space<vmem>>
      %dma_wait3A_157 = arith.constant 0 : i32
      %dma_wait3A_158 = arith.constant 0 : i32
      %dma_wait3A_159 = tpu.memref_slice %arg3[%dma_wait3A_157, %dma_wait3A_158] : memref<1000000x16xi32, #tpu.memory_space<hbm>> -> memref<1000000x16xi32, #tpu.memory_space<hbm>>
      tpu.wait_indirect_dma semaphore(%arg10 : memref<!tpu.dma_semaphore, #tpu.memory_space<semaphore_mem>>) src(%dma_wait3A_159 : memref<1000000x16xi32, #tpu.memory_space<hbm>>) dst(%dma_wait3A_154 : memref<128x16xi32, #tpu.memory_space<vmem>>)
      %dma_wait3A_160 = arith.constant 0 : i32
      %dma_wait3A_161 = tpu.memref_slice %arg8[%dma_wait3A_160] : memref<1280xf32, #tpu.memory_space<vmem>> -> memref<128xf32, #tpu.memory_space<vmem>>
      %dma_wait3A_162 = arith.constant 0 : i32
      %dma_wait3A_163 = tpu.memref_slice %arg6[%dma_wait3A_162] : memref<1280xi32, #tpu.memory_space<vmem>> -> memref<128xi32, #tpu.memory_space<vmem>>
      %dma_wait3A_164 = arith.constant 0 : i32
      %dma_wait3A_165 = tpu.memref_slice %arg4[%dma_wait3A_164] : memref<1000000xf32, #tpu.memory_space<hbm>> -> memref<1000000xf32, #tpu.memory_space<hbm>>
      tpu.wait_indirect_dma semaphore(%arg11 : memref<!tpu.dma_semaphore, #tpu.memory_space<semaphore_mem>>) src(%dma_wait3A_165 : memref<1000000xf32, #tpu.memory_space<hbm>>) dst(%dma_wait3A_161 : memref<128xf32, #tpu.memory_space<vmem>>)
      %dma_wait3A_166 = arith.constant 128 : i32
      %dma_wait3A_167 = arith.constant 0 : i32
      %dma_wait3A_168 = tpu.memref_slice %arg7[%dma_wait3A_166, %dma_wait3A_167] : memref<1280x16xi32, #tpu.memory_space<vmem>> -> memref<128x16xi32, #tpu.memory_space<vmem>>
      %dma_wait3A_169 = arith.constant 128 : i32
      %dma_wait3A_170 = tpu.memref_slice %arg6[%dma_wait3A_169] : memref<1280xi32, #tpu.memory_space<vmem>> -> memref<128xi32, #tpu.memory_space<vmem>>
      %dma_wait3A_171 = arith.constant 0 : i32
      %dma_wait3A_172 = arith.constant 0 : i32
      %dma_wait3A_173 = tpu.memref_slice %arg3[%dma_wait3A_171, %dma_wait3A_172] : memref<1000000x16xi32, #tpu.memory_space<hbm>> -> memref<1000000x16xi32, #tpu.memory_space<hbm>>
      tpu.wait_indirect_dma semaphore(%arg10 : memref<!tpu.dma_semaphore, #tpu.memory_space<semaphore_mem>>) src(%dma_wait3A_173 : memref<1000000x16xi32, #tpu.memory_space<hbm>>) dst(%dma_wait3A_168 : memref<128x16xi32, #tpu.memory_space<vmem>>)
      %dma_wait3A_174 = arith.constant 128 : i32
      %dma_wait3A_175 = tpu.memref_slice %arg8[%dma_wait3A_174] : memref<1280xf32, #tpu.memory_space<vmem>> -> memref<128xf32, #tpu.memory_space<vmem>>
      %dma_wait3A_176 = arith.constant 128 : i32
      %dma_wait3A_177 = tpu.memref_slice %arg6[%dma_wait3A_176] : memref<1280xi32, #tpu.memory_space<vmem>> -> memref<128xi32, #tpu.memory_space<vmem>>
      %dma_wait3A_178 = arith.constant 0 : i32
      %dma_wait3A_179 = tpu.memref_slice %arg4[%dma_wait3A_178] : memref<1000000xf32, #tpu.memory_space<hbm>> -> memref<1000000xf32, #tpu.memory_space<hbm>>
      tpu.wait_indirect_dma semaphore(%arg11 : memref<!tpu.dma_semaphore, #tpu.memory_space<semaphore_mem>>) src(%dma_wait3A_179 : memref<1000000xf32, #tpu.memory_space<hbm>>) dst(%dma_wait3A_175 : memref<128xf32, #tpu.memory_space<vmem>>)
      %dma_wait3A_180 = arith.constant 256 : i32
      %dma_wait3A_181 = arith.constant 0 : i32
      %dma_wait3A_182 = tpu.memref_slice %arg7[%dma_wait3A_180, %dma_wait3A_181] : memref<1280x16xi32, #tpu.memory_space<vmem>> -> memref<128x16xi32, #tpu.memory_space<vmem>>
      %dma_wait3A_183 = arith.constant 256 : i32
      %dma_wait3A_184 = tpu.memref_slice %arg6[%dma_wait3A_183] : memref<1280xi32, #tpu.memory_space<vmem>> -> memref<128xi32, #tpu.memory_space<vmem>>
      %dma_wait3A_185 = arith.constant 0 : i32
      %dma_wait3A_186 = arith.constant 0 : i32
      %dma_wait3A_187 = tpu.memref_slice %arg3[%dma_wait3A_185, %dma_wait3A_186] : memref<1000000x16xi32, #tpu.memory_space<hbm>> -> memref<1000000x16xi32, #tpu.memory_space<hbm>>
      tpu.wait_indirect_dma semaphore(%arg10 : memref<!tpu.dma_semaphore, #tpu.memory_space<semaphore_mem>>) src(%dma_wait3A_187 : memref<1000000x16xi32, #tpu.memory_space<hbm>>) dst(%dma_wait3A_182 : memref<128x16xi32, #tpu.memory_space<vmem>>)
      %dma_wait3A_188 = arith.constant 256 : i32
      %dma_wait3A_189 = tpu.memref_slice %arg8[%dma_wait3A_188] : memref<1280xf32, #tpu.memory_space<vmem>> -> memref<128xf32, #tpu.memory_space<vmem>>
      %dma_wait3A_190 = arith.constant 256 : i32
      %dma_wait3A_191 = tpu.memref_slice %arg6[%dma_wait3A_190] : memref<1280xi32, #tpu.memory_space<vmem>> -> memref<128xi32, #tpu.memory_space<vmem>>
      %dma_wait3A_192 = arith.constant 0 : i32
      %dma_wait3A_193 = tpu.memref_slice %arg4[%dma_wait3A_192] : memref<1000000xf32, #tpu.memory_space<hbm>> -> memref<1000000xf32, #tpu.memory_space<hbm>>
      tpu.wait_indirect_dma semaphore(%arg11 : memref<!tpu.dma_semaphore, #tpu.memory_space<semaphore_mem>>) src(%dma_wait3A_193 : memref<1000000xf32, #tpu.memory_space<hbm>>) dst(%dma_wait3A_189 : memref<128xf32, #tpu.memory_space<vmem>>)
      %dma_wait3A_194 = arith.constant 384 : i32
      %dma_wait3A_195 = arith.constant 0 : i32
      %dma_wait3A_196 = tpu.memref_slice %arg7[%dma_wait3A_194, %dma_wait3A_195] : memref<1280x16xi32, #tpu.memory_space<vmem>> -> memref<128x16xi32, #tpu.memory_space<vmem>>
      %dma_wait3A_197 = arith.constant 384 : i32
      %dma_wait3A_198 = tpu.memref_slice %arg6[%dma_wait3A_197] : memref<1280xi32, #tpu.memory_space<vmem>> -> memref<128xi32, #tpu.memory_space<vmem>>
      %dma_wait3A_199 = arith.constant 0 : i32
      %dma_wait3A_200 = arith.constant 0 : i32
      %dma_wait3A_201 = tpu.memref_slice %arg3[%dma_wait3A_199, %dma_wait3A_200] : memref<1000000x16xi32, #tpu.memory_space<hbm>> -> memref<1000000x16xi32, #tpu.memory_space<hbm>>
      tpu.wait_indirect_dma semaphore(%arg10 : memref<!tpu.dma_semaphore, #tpu.memory_space<semaphore_mem>>) src(%dma_wait3A_201 : memref<1000000x16xi32, #tpu.memory_space<hbm>>) dst(%dma_wait3A_196 : memref<128x16xi32, #tpu.memory_space<vmem>>)
      %dma_wait3A_202 = arith.constant 384 : i32
      %dma_wait3A_203 = tpu.memref_slice %arg8[%dma_wait3A_202] : memref<1280xf32, #tpu.memory_space<vmem>> -> memref<128xf32, #tpu.memory_space<vmem>>
      %dma_wait3A_204 = arith.constant 384 : i32
      %dma_wait3A_205 = tpu.memref_slice %arg6[%dma_wait3A_204] : memref<1280xi32, #tpu.memory_space<vmem>> -> memref<128xi32, #tpu.memory_space<vmem>>
      %dma_wait3A_206 = arith.constant 0 : i32
      %dma_wait3A_207 = tpu.memref_slice %arg4[%dma_wait3A_206] : memref<1000000xf32, #tpu.memory_space<hbm>> -> memref<1000000xf32, #tpu.memory_space<hbm>>
      tpu.wait_indirect_dma semaphore(%arg11 : memref<!tpu.dma_semaphore, #tpu.memory_space<semaphore_mem>>) src(%dma_wait3A_207 : memref<1000000xf32, #tpu.memory_space<hbm>>) dst(%dma_wait3A_203 : memref<128xf32, #tpu.memory_space<vmem>>)
      %dma_wait3A_208 = arith.constant 512 : i32
      %dma_wait3A_209 = arith.constant 0 : i32
      %dma_wait3A_210 = tpu.memref_slice %arg7[%dma_wait3A_208, %dma_wait3A_209] : memref<1280x16xi32, #tpu.memory_space<vmem>> -> memref<128x16xi32, #tpu.memory_space<vmem>>
      %dma_wait3A_211 = arith.constant 512 : i32
      %dma_wait3A_212 = tpu.memref_slice %arg6[%dma_wait3A_211] : memref<1280xi32, #tpu.memory_space<vmem>> -> memref<128xi32, #tpu.memory_space<vmem>>
      %dma_wait3A_213 = arith.constant 0 : i32
      %dma_wait3A_214 = arith.constant 0 : i32
      %dma_wait3A_215 = tpu.memref_slice %arg3[%dma_wait3A_213, %dma_wait3A_214] : memref<1000000x16xi32, #tpu.memory_space<hbm>> -> memref<1000000x16xi32, #tpu.memory_space<hbm>>
      tpu.wait_indirect_dma semaphore(%arg10 : memref<!tpu.dma_semaphore, #tpu.memory_space<semaphore_mem>>) src(%dma_wait3A_215 : memref<1000000x16xi32, #tpu.memory_space<hbm>>) dst(%dma_wait3A_210 : memref<128x16xi32, #tpu.memory_space<vmem>>)
      %dma_wait3A_216 = arith.constant 512 : i32
      %dma_wait3A_217 = tpu.memref_slice %arg8[%dma_wait3A_216] : memref<1280xf32, #tpu.memory_space<vmem>> -> memref<128xf32, #tpu.memory_space<vmem>>
      %dma_wait3A_218 = arith.constant 512 : i32
      %dma_wait3A_219 = tpu.memref_slice %arg6[%dma_wait3A_218] : memref<1280xi32, #tpu.memory_space<vmem>> -> memref<128xi32, #tpu.memory_space<vmem>>
      %dma_wait3A_220 = arith.constant 0 : i32
      %dma_wait3A_221 = tpu.memref_slice %arg4[%dma_wait3A_220] : memref<1000000xf32, #tpu.memory_space<hbm>> -> memref<1000000xf32, #tpu.memory_space<hbm>>
      tpu.wait_indirect_dma semaphore(%arg11 : memref<!tpu.dma_semaphore, #tpu.memory_space<semaphore_mem>>) src(%dma_wait3A_221 : memref<1000000xf32, #tpu.memory_space<hbm>>) dst(%dma_wait3A_217 : memref<128xf32, #tpu.memory_space<vmem>>)
      %dma_wait3A_222 = arith.constant 640 : i32
      %dma_wait3A_223 = arith.constant 0 : i32
      %dma_wait3A_224 = tpu.memref_slice %arg7[%dma_wait3A_222, %dma_wait3A_223] : memref<1280x16xi32, #tpu.memory_space<vmem>> -> memref<128x16xi32, #tpu.memory_space<vmem>>
      %dma_wait3A_225 = arith.constant 640 : i32
      %dma_wait3A_226 = tpu.memref_slice %arg6[%dma_wait3A_225] : memref<1280xi32, #tpu.memory_space<vmem>> -> memref<128xi32, #tpu.memory_space<vmem>>
      %dma_wait3A_227 = arith.constant 0 : i32
      %dma_wait3A_228 = arith.constant 0 : i32
      %dma_wait3A_229 = tpu.memref_slice %arg3[%dma_wait3A_227, %dma_wait3A_228] : memref<1000000x16xi32, #tpu.memory_space<hbm>> -> memref<1000000x16xi32, #tpu.memory_space<hbm>>
      tpu.wait_indirect_dma semaphore(%arg10 : memref<!tpu.dma_semaphore, #tpu.memory_space<semaphore_mem>>) src(%dma_wait3A_229 : memref<1000000x16xi32, #tpu.memory_space<hbm>>) dst(%dma_wait3A_224 : memref<128x16xi32, #tpu.memory_space<vmem>>)
      %dma_wait3A_230 = arith.constant 640 : i32
      %dma_wait3A_231 = tpu.memref_slice %arg8[%dma_wait3A_230] : memref<1280xf32, #tpu.memory_space<vmem>> -> memref<128xf32, #tpu.memory_space<vmem>>
      %dma_wait3A_232 = arith.constant 640 : i32
      %dma_wait3A_233 = tpu.memref_slice %arg6[%dma_wait3A_232] : memref<1280xi32, #tpu.memory_space<vmem>> -> memref<128xi32, #tpu.memory_space<vmem>>
      %dma_wait3A_234 = arith.constant 0 : i32
      %dma_wait3A_235 = tpu.memref_slice %arg4[%dma_wait3A_234] : memref<1000000xf32, #tpu.memory_space<hbm>> -> memref<1000000xf32, #tpu.memory_space<hbm>>
      tpu.wait_indirect_dma semaphore(%arg11 : memref<!tpu.dma_semaphore, #tpu.memory_space<semaphore_mem>>) src(%dma_wait3A_235 : memref<1000000xf32, #tpu.memory_space<hbm>>) dst(%dma_wait3A_231 : memref<128xf32, #tpu.memory_space<vmem>>)
      %dma_wait3A_236 = arith.constant 768 : i32
      %dma_wait3A_237 = arith.constant 0 : i32
      %dma_wait3A_238 = tpu.memref_slice %arg7[%dma_wait3A_236, %dma_wait3A_237] : memref<1280x16xi32, #tpu.memory_space<vmem>> -> memref<128x16xi32, #tpu.memory_space<vmem>>
      %dma_wait3A_239 = arith.constant 768 : i32
      %dma_wait3A_240 = tpu.memref_slice %arg6[%dma_wait3A_239] : memref<1280xi32, #tpu.memory_space<vmem>> -> memref<128xi32, #tpu.memory_space<vmem>>
      %dma_wait3A_241 = arith.constant 0 : i32
      %dma_wait3A_242 = arith.constant 0 : i32
      %dma_wait3A_243 = tpu.memref_slice %arg3[%dma_wait3A_241, %dma_wait3A_242] : memref<1000000x16xi32, #tpu.memory_space<hbm>> -> memref<1000000x16xi32, #tpu.memory_space<hbm>>
      tpu.wait_indirect_dma semaphore(%arg10 : memref<!tpu.dma_semaphore, #tpu.memory_space<semaphore_mem>>) src(%dma_wait3A_243 : memref<1000000x16xi32, #tpu.memory_space<hbm>>) dst(%dma_wait3A_238 : memref<128x16xi32, #tpu.memory_space<vmem>>)
      %dma_wait3A_244 = arith.constant 768 : i32
      %dma_wait3A_245 = tpu.memref_slice %arg8[%dma_wait3A_244] : memref<1280xf32, #tpu.memory_space<vmem>> -> memref<128xf32, #tpu.memory_space<vmem>>
      %dma_wait3A_246 = arith.constant 768 : i32
      %dma_wait3A_247 = tpu.memref_slice %arg6[%dma_wait3A_246] : memref<1280xi32, #tpu.memory_space<vmem>> -> memref<128xi32, #tpu.memory_space<vmem>>
      %dma_wait3A_248 = arith.constant 0 : i32
      %dma_wait3A_249 = tpu.memref_slice %arg4[%dma_wait3A_248] : memref<1000000xf32, #tpu.memory_space<hbm>> -> memref<1000000xf32, #tpu.memory_space<hbm>>
      tpu.wait_indirect_dma semaphore(%arg11 : memref<!tpu.dma_semaphore, #tpu.memory_space<semaphore_mem>>) src(%dma_wait3A_249 : memref<1000000xf32, #tpu.memory_space<hbm>>) dst(%dma_wait3A_245 : memref<128xf32, #tpu.memory_space<vmem>>)
      %dma_wait3A_250 = arith.constant 896 : i32
      %dma_wait3A_251 = arith.constant 0 : i32
      %dma_wait3A_252 = tpu.memref_slice %arg7[%dma_wait3A_250, %dma_wait3A_251] : memref<1280x16xi32, #tpu.memory_space<vmem>> -> memref<128x16xi32, #tpu.memory_space<vmem>>
      %dma_wait3A_253 = arith.constant 896 : i32
      %dma_wait3A_254 = tpu.memref_slice %arg6[%dma_wait3A_253] : memref<1280xi32, #tpu.memory_space<vmem>> -> memref<128xi32, #tpu.memory_space<vmem>>
      %dma_wait3A_255 = arith.constant 0 : i32
      %dma_wait3A_256 = arith.constant 0 : i32
      %dma_wait3A_257 = tpu.memref_slice %arg3[%dma_wait3A_255, %dma_wait3A_256] : memref<1000000x16xi32, #tpu.memory_space<hbm>> -> memref<1000000x16xi32, #tpu.memory_space<hbm>>
      tpu.wait_indirect_dma semaphore(%arg10 : memref<!tpu.dma_semaphore, #tpu.memory_space<semaphore_mem>>) src(%dma_wait3A_257 : memref<1000000x16xi32, #tpu.memory_space<hbm>>) dst(%dma_wait3A_252 : memref<128x16xi32, #tpu.memory_space<vmem>>)
      %dma_wait3A_258 = arith.constant 896 : i32
      %dma_wait3A_259 = tpu.memref_slice %arg8[%dma_wait3A_258] : memref<1280xf32, #tpu.memory_space<vmem>> -> memref<128xf32, #tpu.memory_space<vmem>>
      %dma_wait3A_260 = arith.constant 896 : i32
      %dma_wait3A_261 = tpu.memref_slice %arg6[%dma_wait3A_260] : memref<1280xi32, #tpu.memory_space<vmem>> -> memref<128xi32, #tpu.memory_space<vmem>>
      %dma_wait3A_262 = arith.constant 0 : i32
      %dma_wait3A_263 = tpu.memref_slice %arg4[%dma_wait3A_262] : memref<1000000xf32, #tpu.memory_space<hbm>> -> memref<1000000xf32, #tpu.memory_space<hbm>>
      tpu.wait_indirect_dma semaphore(%arg11 : memref<!tpu.dma_semaphore, #tpu.memory_space<semaphore_mem>>) src(%dma_wait3A_263 : memref<1000000xf32, #tpu.memory_space<hbm>>) dst(%dma_wait3A_259 : memref<128xf32, #tpu.memory_space<vmem>>)
      %dma_wait3A_264 = arith.constant 1024 : i32
      %dma_wait3A_265 = arith.constant 0 : i32
      %dma_wait3A_266 = tpu.memref_slice %arg7[%dma_wait3A_264, %dma_wait3A_265] : memref<1280x16xi32, #tpu.memory_space<vmem>> -> memref<128x16xi32, #tpu.memory_space<vmem>>
      %dma_wait3A_267 = arith.constant 1024 : i32
      %dma_wait3A_268 = tpu.memref_slice %arg6[%dma_wait3A_267] : memref<1280xi32, #tpu.memory_space<vmem>> -> memref<128xi32, #tpu.memory_space<vmem>>
      %dma_wait3A_269 = arith.constant 0 : i32
      %dma_wait3A_270 = arith.constant 0 : i32
      %dma_wait3A_271 = tpu.memref_slice %arg3[%dma_wait3A_269, %dma_wait3A_270] : memref<1000000x16xi32, #tpu.memory_space<hbm>> -> memref<1000000x16xi32, #tpu.memory_space<hbm>>
      tpu.wait_indirect_dma semaphore(%arg10 : memref<!tpu.dma_semaphore, #tpu.memory_space<semaphore_mem>>) src(%dma_wait3A_271 : memref<1000000x16xi32, #tpu.memory_space<hbm>>) dst(%dma_wait3A_266 : memref<128x16xi32, #tpu.memory_space<vmem>>)
      %dma_wait3A_272 = arith.constant 1024 : i32
      %dma_wait3A_273 = tpu.memref_slice %arg8[%dma_wait3A_272] : memref<1280xf32, #tpu.memory_space<vmem>> -> memref<128xf32, #tpu.memory_space<vmem>>
      %dma_wait3A_274 = arith.constant 1024 : i32
      %dma_wait3A_275 = tpu.memref_slice %arg6[%dma_wait3A_274] : memref<1280xi32, #tpu.memory_space<vmem>> -> memref<128xi32, #tpu.memory_space<vmem>>
      %dma_wait3A_276 = arith.constant 0 : i32
      %dma_wait3A_277 = tpu.memref_slice %arg4[%dma_wait3A_276] : memref<1000000xf32, #tpu.memory_space<hbm>> -> memref<1000000xf32, #tpu.memory_space<hbm>>
      tpu.wait_indirect_dma semaphore(%arg11 : memref<!tpu.dma_semaphore, #tpu.memory_space<semaphore_mem>>) src(%dma_wait3A_277 : memref<1000000xf32, #tpu.memory_space<hbm>>) dst(%dma_wait3A_273 : memref<128xf32, #tpu.memory_space<vmem>>)
      %dma_wait3A_278 = arith.constant 1152 : i32
      %dma_wait3A_279 = arith.constant 0 : i32
      %dma_wait3A_280 = tpu.memref_slice %arg7[%dma_wait3A_278, %dma_wait3A_279] : memref<1280x16xi32, #tpu.memory_space<vmem>> -> memref<128x16xi32, #tpu.memory_space<vmem>>
      %dma_wait3A_281 = arith.constant 1152 : i32
      %dma_wait3A_282 = tpu.memref_slice %arg6[%dma_wait3A_281] : memref<1280xi32, #tpu.memory_space<vmem>> -> memref<128xi32, #tpu.memory_space<vmem>>
      %dma_wait3A_283 = arith.constant 0 : i32
      %dma_wait3A_284 = arith.constant 0 : i32
      %dma_wait3A_285 = tpu.memref_slice %arg3[%dma_wait3A_283, %dma_wait3A_284] : memref<1000000x16xi32, #tpu.memory_space<hbm>> -> memref<1000000x16xi32, #tpu.memory_space<hbm>>
      tpu.wait_indirect_dma semaphore(%arg10 : memref<!tpu.dma_semaphore, #tpu.memory_space<semaphore_mem>>) src(%dma_wait3A_285 : memref<1000000x16xi32, #tpu.memory_space<hbm>>) dst(%dma_wait3A_280 : memref<128x16xi32, #tpu.memory_space<vmem>>)
      %dma_wait3A_286 = arith.constant 1152 : i32
      %dma_wait3A_287 = tpu.memref_slice %arg8[%dma_wait3A_286] : memref<1280xf32, #tpu.memory_space<vmem>> -> memref<128xf32, #tpu.memory_space<vmem>>
      %dma_wait3A_288 = arith.constant 1152 : i32
      %dma_wait3A_289 = tpu.memref_slice %arg6[%dma_wait3A_288] : memref<1280xi32, #tpu.memory_space<vmem>> -> memref<128xi32, #tpu.memory_space<vmem>>
      %dma_wait3A_290 = arith.constant 0 : i32
      %dma_wait3A_291 = tpu.memref_slice %arg4[%dma_wait3A_290] : memref<1000000xf32, #tpu.memory_space<hbm>> -> memref<1000000xf32, #tpu.memory_space<hbm>>
      tpu.wait_indirect_dma semaphore(%arg11 : memref<!tpu.dma_semaphore, #tpu.memory_space<semaphore_mem>>) src(%dma_wait3A_291 : memref<1000000xf32, #tpu.memory_space<hbm>>) dst(%dma_wait3A_287 : memref<128xf32, #tpu.memory_space<vmem>>)
      %scan3A_292 = arith.constant 0.00787401571 : f32
      %scan3A_293 = arith.constant 0 : i32
      %scan3A_294 = arith.constant 0 : i32
      %scan3A_295 = arith.constant 80 : i32
      %scan3A_296 = arith.addi %scan3A_294, %scan3A_295 : i32
      %scan3A_297 = arith.constant 1 : i32
      %scan3A_298 = scf.for %scan3A_303 = %scan3A_294 to %scan3A_296 step %scan3A_297 iter_args(%scan3A_304 = %scan3A_293) -> (i32)  : i32 {
        %mul3A_305 = arith.constant 16 : i32
        %mul3A_306 = arith.muli %scan3A_303, %mul3A_305 : i32
        %get3A = arith.index_cast %mul3A_306 : i32 to index
        %get3A_307 = tpu.vector_load %arg8[%get3A] {strides = array<i32>} : memref<1280xf32, #tpu.memory_space<vmem>>, vector<16xf32>,
        %mul3A_308 = vector.broadcast %scan3A_292 : f32 to vector<16xf32>
        %mul3A_309 = arith.mulf %get3A_307, %mul3A_308 : vector<16xf32>
        %add3A_310 = arith.constant 0 : i32
        %add3A_311 = arith.addi %mul3A_306, %add3A_310 : i32
        %get3A_312 = arith.index_cast %add3A_311 : i32 to index
        %get3A_313 = arith.constant 0 : index
        %get3A_314 = tpu.vector_load %arg7[%get3A_312, %get3A_313] {strides = array<i32>} : memref<1280x16xi32, #tpu.memory_space<vmem>>, vector<16xi32>,
        %slice3A = vector.extract_strided_slice %mul3A_309 {offsets = [0], sizes = [1], strides = [1]} : vector<16xf32> to vector<1xf32>
        %squeeze3A = vector.extract %slice3A[0] : f32 from vector<1xf32>
        %broadcast_in_dim3A = vector.broadcast %squeeze3A : f32 to vector<16xf32>
        %mul3A_315 = arith.constant 64 : i32
        %mul3A_316 = arith.muli %add3A_311, %mul3A_315 : i32
        %shift_left3A = arith.constant 24 : i32
        %shift_left3A_317 = vector.broadcast %shift_left3A : i32 to vector<16xi32>
        %shift_left3A_318 = arith.shli %get3A_314, %shift_left3A_317 : vector<16xi32>
        %shift_right_arithmetic3A = arith.constant 24 : i32
        %shift_right_arithmetic3A_319 = vector.broadcast %shift_right_arithmetic3A : i32 to vector<16xi32>
        %shift_right_arithmetic3A_320 = arith.shrsi %shift_left3A_318, %shift_right_arithmetic3A_319 : vector<16xi32>
        %convert_element_type3A = arith.sitofp %shift_right_arithmetic3A_320 : vector<16xi32> to vector<16xf32>
        %mul3A_321 = arith.mulf %convert_element_type3A, %broadcast_in_dim3A : vector<16xf32>
        %mul3A_322 = arith.constant 4 : i32
        %mul3A_323 = vector.broadcast %mul3A_322 : i32 to vector<16xi32>
        %mul3A_324 = arith.muli %mul3A_323, %iota3A : vector<16xi32>
        %add3A_325 = vector.broadcast %mul3A_316 : i32 to vector<16xi32>
        %add3A_326 = arith.addi %add3A_325, %mul3A_324 : vector<16xi32>
        %add3A_327 = arith.constant 0 : i32
        %add3A_328 = vector.broadcast %add3A_327 : i32 to vector<16xi32>
        %add3A_329 = arith.addi %add3A_326, %add3A_328 : vector<16xi32>
        tpu.vector_store_idx %arg9[%add3A_329], %mul3A_321 : memref<81920xf32, #tpu.memory_space<vmem>>[vector<16xi32>], vector<16xf32>,
        %shift_left3A_330 = arith.constant 16 : i32
        %shift_left3A_331 = vector.broadcast %shift_left3A_330 : i32 to vector<16xi32>
        %shift_left3A_332 = arith.shli %get3A_314, %shift_left3A_331 : vector<16xi32>
        %shift_right_arithmetic3A_333 = arith.constant 24 : i32
        %shift_right_arithmetic3A_334 = vector.broadcast %shift_right_arithmetic3A_333 : i32 to vector<16xi32>
        %shift_right_arithmetic3A_335 = arith.shrsi %shift_left3A_332, %shift_right_arithmetic3A_334 : vector<16xi32>
        %convert_element_type3A_336 = arith.sitofp %shift_right_arithmetic3A_335 : vector<16xi32> to vector<16xf32>
        %mul3A_337 = arith.mulf %convert_element_type3A_336, %broadcast_in_dim3A : vector<16xf32>
        %mul3A_338 = arith.constant 4 : i32
        %mul3A_339 = vector.broadcast %mul3A_338 : i32 to vector<16xi32>
        %mul3A_340 = arith.muli %mul3A_339, %iota3A : vector<16xi32>
        %add3A_341 = vector.broadcast %mul3A_316 : i32 to vector<16xi32>
        %add3A_342 = arith.addi %add3A_341, %mul3A_340 : vector<16xi32>
        %add3A_343 = arith.constant 1 : i32
        %add3A_344 = vector.broadcast %add3A_343 : i32 to vector<16xi32>
        %add3A_345 = arith.addi %add3A_342, %add3A_344 : vector<16xi32>
        tpu.vector_store_idx %arg9[%add3A_345], %mul3A_337 : memref<81920xf32, #tpu.memory_space<vmem>>[vector<16xi32>], vector<16xf32>,
        %shift_left3A_346 = arith.constant 8 : i32
        %shift_left3A_347 = vector.broadcast %shift_left3A_346 : i32 to vector<16xi32>
        %shift_left3A_348 = arith.shli %get3A_314, %shift_left3A_347 : vector<16xi32>
        %shift_right_arithmetic3A_349 = arith.constant 24 : i32
        %shift_right_arithmetic3A_350 = vector.broadcast %shift_right_arithmetic3A_349 : i32 to vector<16xi32>
        %shift_right_arithmetic3A_351 = arith.shrsi %shift_left3A_348, %shift_right_arithmetic3A_350 : vector<16xi32>
        %convert_element_type3A_352 = arith.sitofp %shift_right_arithmetic3A_351 : vector<16xi32> to vector<16xf32>
        %mul3A_353 = arith.mulf %convert_element_type3A_352, %broadcast_in_dim3A : vector<16xf32>
        %mul3A_354 = arith.constant 4 : i32
        %mul3A_355 = vector.broadcast %mul3A_354 : i32 to vector<16xi32>
        %mul3A_356 = arith.muli %mul3A_355, %iota3A : vector<16xi32>
        %add3A_357 = vector.broadcast %mul3A_316 : i32 to vector<16xi32>
        %add3A_358 = arith.addi %add3A_357, %mul3A_356 : vector<16xi32>
        %add3A_359 = arith.constant 2 : i32
        %add3A_360 = vector.broadcast %add3A_359 : i32 to vector<16xi32>
        %add3A_361 = arith.addi %add3A_358, %add3A_360 : vector<16xi32>
        tpu.vector_store_idx %arg9[%add3A_361], %mul3A_353 : memref<81920xf32, #tpu.memory_space<vmem>>[vector<16xi32>], vector<16xf32>,
        %shift_right_arithmetic3A_362 = arith.constant 24 : i32
        %shift_right_arithmetic3A_363 = vector.broadcast %shift_right_arithmetic3A_362 : i32 to vector<16xi32>
        %shift_right_arithmetic3A_364 = arith.shrsi %get3A_314, %shift_right_arithmetic3A_363 : vector<16xi32>
        %convert_element_type3A_365 = arith.sitofp %shift_right_arithmetic3A_364 : vector<16xi32> to vector<16xf32>
        %mul3A_366 = arith.mulf %convert_element_type3A_365, %broadcast_in_dim3A : vector<16xf32>
        %mul3A_367 = arith.constant 4 : i32
        %mul3A_368 = vector.broadcast %mul3A_367 : i32 to vector<16xi32>
        %mul3A_369 = arith.muli %mul3A_368, %iota3A : vector<16xi32>
        %add3A_370 = vector.broadcast %mul3A_316 : i32 to vector<16xi32>
        %add3A_371 = arith.addi %add3A_370, %mul3A_369 : vector<16xi32>
        %add3A_372 = arith.constant 3 : i32
        %add3A_373 = vector.broadcast %add3A_372 : i32 to vector<16xi32>
        %add3A_374 = arith.addi %add3A_371, %add3A_373 : vector<16xi32>
        tpu.vector_store_idx %arg9[%add3A_374], %mul3A_366 : memref<81920xf32, #tpu.memory_space<vmem>>[vector<16xi32>], vector<16xf32>,
        %add3A_375 = arith.constant 1 : i32
        %add3A_376 = arith.addi %mul3A_306, %add3A_375 : i32
        %get3A_377 = arith.index_cast %add3A_376 : i32 to index
        %get3A_378 = arith.constant 0 : index
        %get3A_379 = tpu.vector_load %arg7[%get3A_377, %get3A_378] {strides = array<i32>} : memref<1280x16xi32, #tpu.memory_space<vmem>>, vector<16xi32>,
        %slice3A_380 = vector.extract_strided_slice %mul3A_309 {offsets = [1], sizes = [1], strides = [1]} : vector<16xf32> to vector<1xf32>
        %squeeze3A_381 = vector.extract %slice3A_380[0] : f32 from vector<1xf32>
        %broadcast_in_dim3A_382 = vector.broadcast %squeeze3A_381 : f32 to vector<16xf32>
        %mul3A_383 = arith.constant 64 : i32
        %mul3A_384 = arith.muli %add3A_376, %mul3A_383 : i32
        %shift_left3A_385 = arith.constant 24 : i32
        %shift_left3A_386 = vector.broadcast %shift_left3A_385 : i32 to vector<16xi32>
        %shift_left3A_387 = arith.shli %get3A_379, %shift_left3A_386 : vector<16xi32>
        %shift_right_arithmetic3A_388 = arith.constant 24 : i32
        %shift_right_arithmetic3A_389 = vector.broadcast %shift_right_arithmetic3A_388 : i32 to vector<16xi32>
        %shift_right_arithmetic3A_390 = arith.shrsi %shift_left3A_387, %shift_right_arithmetic3A_389 : vector<16xi32>
        %convert_element_type3A_391 = arith.sitofp %shift_right_arithmetic3A_390 : vector<16xi32> to vector<16xf32>
        %mul3A_392 = arith.mulf %convert_element_type3A_391, %broadcast_in_dim3A_382 : vector<16xf32>
        %mul3A_393 = arith.constant 4 : i32
        %mul3A_394 = vector.broadcast %mul3A_393 : i32 to vector<16xi32>
        %mul3A_395 = arith.muli %mul3A_394, %iota3A : vector<16xi32>
        %add3A_396 = vector.broadcast %mul3A_384 : i32 to vector<16xi32>
        %add3A_397 = arith.addi %add3A_396, %mul3A_395 : vector<16xi32>
        %add3A_398 = arith.constant 0 : i32
        %add3A_399 = vector.broadcast %add3A_398 : i32 to vector<16xi32>
        %add3A_400 = arith.addi %add3A_397, %add3A_399 : vector<16xi32>
        tpu.vector_store_idx %arg9[%add3A_400], %mul3A_392 : memref<81920xf32, #tpu.memory_space<vmem>>[vector<16xi32>], vector<16xf32>,
        %shift_left3A_401 = arith.constant 16 : i32
        %shift_left3A_402 = vector.broadcast %shift_left3A_401 : i32 to vector<16xi32>
        %shift_left3A_403 = arith.shli %get3A_379, %shift_left3A_402 : vector<16xi32>
        %shift_right_arithmetic3A_404 = arith.constant 24 : i32
        %shift_right_arithmetic3A_405 = vector.broadcast %shift_right_arithmetic3A_404 : i32 to vector<16xi32>
        %shift_right_arithmetic3A_406 = arith.shrsi %shift_left3A_403, %shift_right_arithmetic3A_405 : vector<16xi32>
        %convert_element_type3A_407 = arith.sitofp %shift_right_arithmetic3A_406 : vector<16xi32> to vector<16xf32>
        %mul3A_408 = arith.mulf %convert_element_type3A_407, %broadcast_in_dim3A_382 : vector<16xf32>
        %mul3A_409 = arith.constant 4 : i32
        %mul3A_410 = vector.broadcast %mul3A_409 : i32 to vector<16xi32>
        %mul3A_411 = arith.muli %mul3A_410, %iota3A : vector<16xi32>
        %add3A_412 = vector.broadcast %mul3A_384 : i32 to vector<16xi32>
        %add3A_413 = arith.addi %add3A_412, %mul3A_411 : vector<16xi32>
        %add3A_414 = arith.constant 1 : i32
        %add3A_415 = vector.broadcast %add3A_414 : i32 to vector<16xi32>
        %add3A_416 = arith.addi %add3A_413, %add3A_415 : vector<16xi32>
        tpu.vector_store_idx %arg9[%add3A_416], %mul3A_408 : memref<81920xf32, #tpu.memory_space<vmem>>[vector<16xi32>], vector<16xf32>,
        %shift_left3A_417 = arith.constant 8 : i32
        %shift_left3A_418 = vector.broadcast %shift_left3A_417 : i32 to vector<16xi32>
        %shift_left3A_419 = arith.shli %get3A_379, %shift_left3A_418 : vector<16xi32>
        %shift_right_arithmetic3A_420 = arith.constant 24 : i32
        %shift_right_arithmetic3A_421 = vector.broadcast %shift_right_arithmetic3A_420 : i32 to vector<16xi32>
        %shift_right_arithmetic3A_422 = arith.shrsi %shift_left3A_419, %shift_right_arithmetic3A_421 : vector<16xi32>
        %convert_element_type3A_423 = arith.sitofp %shift_right_arithmetic3A_422 : vector<16xi32> to vector<16xf32>
        %mul3A_424 = arith.mulf %convert_element_type3A_423, %broadcast_in_dim3A_382 : vector<16xf32>
        %mul3A_425 = arith.constant 4 : i32
        %mul3A_426 = vector.broadcast %mul3A_425 : i32 to vector<16xi32>
        %mul3A_427 = arith.muli %mul3A_426, %iota3A : vector<16xi32>
        %add3A_428 = vector.broadcast %mul3A_384 : i32 to vector<16xi32>
        %add3A_429 = arith.addi %add3A_428, %mul3A_427 : vector<16xi32>
        %add3A_430 = arith.constant 2 : i32
        %add3A_431 = vector.broadcast %add3A_430 : i32 to vector<16xi32>
        %add3A_432 = arith.addi %add3A_429, %add3A_431 : vector<16xi32>
        tpu.vector_store_idx %arg9[%add3A_432], %mul3A_424 : memref<81920xf32, #tpu.memory_space<vmem>>[vector<16xi32>], vector<16xf32>,
        %shift_right_arithmetic3A_433 = arith.constant 24 : i32
        %shift_right_arithmetic3A_434 = vector.broadcast %shift_right_arithmetic3A_433 : i32 to vector<16xi32>
        %shift_right_arithmetic3A_435 = arith.shrsi %get3A_379, %shift_right_arithmetic3A_434 : vector<16xi32>
        %convert_element_type3A_436 = arith.sitofp %shift_right_arithmetic3A_435 : vector<16xi32> to vector<16xf32>
        %mul3A_437 = arith.mulf %convert_element_type3A_436, %broadcast_in_dim3A_382 : vector<16xf32>
        %mul3A_438 = arith.constant 4 : i32
        %mul3A_439 = vector.broadcast %mul3A_438 : i32 to vector<16xi32>
        %mul3A_440 = arith.muli %mul3A_439, %iota3A : vector<16xi32>
        %add3A_441 = vector.broadcast %mul3A_384 : i32 to vector<16xi32>
        %add3A_442 = arith.addi %add3A_441, %mul3A_440 : vector<16xi32>
        %add3A_443 = arith.constant 3 : i32
        %add3A_444 = vector.broadcast %add3A_443 : i32 to vector<16xi32>
        %add3A_445 = arith.addi %add3A_442, %add3A_444 : vector<16xi32>
        tpu.vector_store_idx %arg9[%add3A_445], %mul3A_437 : memref<81920xf32, #tpu.memory_space<vmem>>[vector<16xi32>], vector<16xf32>,
        %add3A_446 = arith.constant 2 : i32
        %add3A_447 = arith.addi %mul3A_306, %add3A_446 : i32
        %get3A_448 = arith.index_cast %add3A_447 : i32 to index
        %get3A_449 = arith.constant 0 : index
        %get3A_450 = tpu.vector_load %arg7[%get3A_448, %get3A_449] {strides = array<i32>} : memref<1280x16xi32, #tpu.memory_space<vmem>>, vector<16xi32>,
        %slice3A_451 = vector.extract_strided_slice %mul3A_309 {offsets = [2], sizes = [1], strides = [1]} : vector<16xf32> to vector<1xf32>
        %squeeze3A_452 = vector.extract %slice3A_451[0] : f32 from vector<1xf32>
        %broadcast_in_dim3A_453 = vector.broadcast %squeeze3A_452 : f32 to vector<16xf32>
        %mul3A_454 = arith.constant 64 : i32
        %mul3A_455 = arith.muli %add3A_447, %mul3A_454 : i32
        %shift_left3A_456 = arith.constant 24 : i32
        %shift_left3A_457 = vector.broadcast %shift_left3A_456 : i32 to vector<16xi32>
        %shift_left3A_458 = arith.shli %get3A_450, %shift_left3A_457 : vector<16xi32>
        %shift_right_arithmetic3A_459 = arith.constant 24 : i32
        %shift_right_arithmetic3A_460 = vector.broadcast %shift_right_arithmetic3A_459 : i32 to vector<16xi32>
        %shift_right_arithmetic3A_461 = arith.shrsi %shift_left3A_458, %shift_right_arithmetic3A_460 : vector<16xi32>
        %convert_element_type3A_462 = arith.sitofp %shift_right_arithmetic3A_461 : vector<16xi32> to vector<16xf32>
        %mul3A_463 = arith.mulf %convert_element_type3A_462, %broadcast_in_dim3A_453 : vector<16xf32>
        %mul3A_464 = arith.constant 4 : i32
        %mul3A_465 = vector.broadcast %mul3A_464 : i32 to vector<16xi32>
        %mul3A_466 = arith.muli %mul3A_465, %iota3A : vector<16xi32>
        %add3A_467 = vector.broadcast %mul3A_455 : i32 to vector<16xi32>
        %add3A_468 = arith.addi %add3A_467, %mul3A_466 : vector<16xi32>
        %add3A_469 = arith.constant 0 : i32
        %add3A_470 = vector.broadcast %add3A_469 : i32 to vector<16xi32>
        %add3A_471 = arith.addi %add3A_468, %add3A_470 : vector<16xi32>
        tpu.vector_store_idx %arg9[%add3A_471], %mul3A_463 : memref<81920xf32, #tpu.memory_space<vmem>>[vector<16xi32>], vector<16xf32>,
        %shift_left3A_472 = arith.constant 16 : i32
        %shift_left3A_473 = vector.broadcast %shift_left3A_472 : i32 to vector<16xi32>
        %shift_left3A_474 = arith.shli %get3A_450, %shift_left3A_473 : vector<16xi32>
        %shift_right_arithmetic3A_475 = arith.constant 24 : i32
        %shift_right_arithmetic3A_476 = vector.broadcast %shift_right_arithmetic3A_475 : i32 to vector<16xi32>
        %shift_right_arithmetic3A_477 = arith.shrsi %shift_left3A_474, %shift_right_arithmetic3A_476 : vector<16xi32>
        %convert_element_type3A_478 = arith.sitofp %shift_right_arithmetic3A_477 : vector<16xi32> to vector<16xf32>
        %mul3A_479 = arith.mulf %convert_element_type3A_478, %broadcast_in_dim3A_453 : vector<16xf32>
        %mul3A_480 = arith.constant 4 : i32
        %mul3A_481 = vector.broadcast %mul3A_480 : i32 to vector<16xi32>
        %mul3A_482 = arith.muli %mul3A_481, %iota3A : vector<16xi32>
        %add3A_483 = vector.broadcast %mul3A_455 : i32 to vector<16xi32>
        %add3A_484 = arith.addi %add3A_483, %mul3A_482 : vector<16xi32>
        %add3A_485 = arith.constant 1 : i32
        %add3A_486 = vector.broadcast %add3A_485 : i32 to vector<16xi32>
        %add3A_487 = arith.addi %add3A_484, %add3A_486 : vector<16xi32>
        tpu.vector_store_idx %arg9[%add3A_487], %mul3A_479 : memref<81920xf32, #tpu.memory_space<vmem>>[vector<16xi32>], vector<16xf32>,
        %shift_left3A_488 = arith.constant 8 : i32
        %shift_left3A_489 = vector.broadcast %shift_left3A_488 : i32 to vector<16xi32>
        %shift_left3A_490 = arith.shli %get3A_450, %shift_left3A_489 : vector<16xi32>
        %shift_right_arithmetic3A_491 = arith.constant 24 : i32
        %shift_right_arithmetic3A_492 = vector.broadcast %shift_right_arithmetic3A_491 : i32 to vector<16xi32>
        %shift_right_arithmetic3A_493 = arith.shrsi %shift_left3A_490, %shift_right_arithmetic3A_492 : vector<16xi32>
        %convert_element_type3A_494 = arith.sitofp %shift_right_arithmetic3A_493 : vector<16xi32> to vector<16xf32>
        %mul3A_495 = arith.mulf %convert_element_type3A_494, %broadcast_in_dim3A_453 : vector<16xf32>
        %mul3A_496 = arith.constant 4 : i32
        %mul3A_497 = vector.broadcast %mul3A_496 : i32 to vector<16xi32>
        %mul3A_498 = arith.muli %mul3A_497, %iota3A : vector<16xi32>
        %add3A_499 = vector.broadcast %mul3A_455 : i32 to vector<16xi32>
        %add3A_500 = arith.addi %add3A_499, %mul3A_498 : vector<16xi32>
        %add3A_501 = arith.constant 2 : i32
        %add3A_502 = vector.broadcast %add3A_501 : i32 to vector<16xi32>
        %add3A_503 = arith.addi %add3A_500, %add3A_502 : vector<16xi32>
        tpu.vector_store_idx %arg9[%add3A_503], %mul3A_495 : memref<81920xf32, #tpu.memory_space<vmem>>[vector<16xi32>], vector<16xf32>,
        %shift_right_arithmetic3A_504 = arith.constant 24 : i32
        %shift_right_arithmetic3A_505 = vector.broadcast %shift_right_arithmetic3A_504 : i32 to vector<16xi32>
        %shift_right_arithmetic3A_506 = arith.shrsi %get3A_450, %shift_right_arithmetic3A_505 : vector<16xi32>
        %convert_element_type3A_507 = arith.sitofp %shift_right_arithmetic3A_506 : vector<16xi32> to vector<16xf32>
        %mul3A_508 = arith.mulf %convert_element_type3A_507, %broadcast_in_dim3A_453 : vector<16xf32>
        %mul3A_509 = arith.constant 4 : i32
        %mul3A_510 = vector.broadcast %mul3A_509 : i32 to vector<16xi32>
        %mul3A_511 = arith.muli %mul3A_510, %iota3A : vector<16xi32>
        %add3A_512 = vector.broadcast %mul3A_455 : i32 to vector<16xi32>
        %add3A_513 = arith.addi %add3A_512, %mul3A_511 : vector<16xi32>
        %add3A_514 = arith.constant 3 : i32
        %add3A_515 = vector.broadcast %add3A_514 : i32 to vector<16xi32>
        %add3A_516 = arith.addi %add3A_513, %add3A_515 : vector<16xi32>
        tpu.vector_store_idx %arg9[%add3A_516], %mul3A_508 : memref<81920xf32, #tpu.memory_space<vmem>>[vector<16xi32>], vector<16xf32>,
        %add3A_517 = arith.constant 3 : i32
        %add3A_518 = arith.addi %mul3A_306, %add3A_517 : i32
        %get3A_519 = arith.index_cast %add3A_518 : i32 to index
        %get3A_520 = arith.constant 0 : index
        %get3A_521 = tpu.vector_load %arg7[%get3A_519, %get3A_520] {strides = array<i32>} : memref<1280x16xi32, #tpu.memory_space<vmem>>, vector<16xi32>,
        %slice3A_522 = vector.extract_strided_slice %mul3A_309 {offsets = [3], sizes = [1], strides = [1]} : vector<16xf32> to vector<1xf32>
        %squeeze3A_523 = vector.extract %slice3A_522[0] : f32 from vector<1xf32>
        %broadcast_in_dim3A_524 = vector.broadcast %squeeze3A_523 : f32 to vector<16xf32>
        %mul3A_525 = arith.constant 64 : i32
        %mul3A_526 = arith.muli %add3A_518, %mul3A_525 : i32
        %shift_left3A_527 = arith.constant 24 : i32
        %shift_left3A_528 = vector.broadcast %shift_left3A_527 : i32 to vector<16xi32>
        %shift_left3A_529 = arith.shli %get3A_521, %shift_left3A_528 : vector<16xi32>
        %shift_right_arithmetic3A_530 = arith.constant 24 : i32
        %shift_right_arithmetic3A_531 = vector.broadcast %shift_right_arithmetic3A_530 : i32 to vector<16xi32>
        %shift_right_arithmetic3A_532 = arith.shrsi %shift_left3A_529, %shift_right_arithmetic3A_531 : vector<16xi32>
        %convert_element_type3A_533 = arith.sitofp %shift_right_arithmetic3A_532 : vector<16xi32> to vector<16xf32>
        %mul3A_534 = arith.mulf %convert_element_type3A_533, %broadcast_in_dim3A_524 : vector<16xf32>
        %mul3A_535 = arith.constant 4 : i32
        %mul3A_536 = vector.broadcast %mul3A_535 : i32 to vector<16xi32>
        %mul3A_537 = arith.muli %mul3A_536, %iota3A : vector<16xi32>
        %add3A_538 = vector.broadcast %mul3A_526 : i32 to vector<16xi32>
        %add3A_539 = arith.addi %add3A_538, %mul3A_537 : vector<16xi32>
        %add3A_540 = arith.constant 0 : i32
        %add3A_541 = vector.broadcast %add3A_540 : i32 to vector<16xi32>
        %add3A_542 = arith.addi %add3A_539, %add3A_541 : vector<16xi32>
        tpu.vector_store_idx %arg9[%add3A_542], %mul3A_534 : memref<81920xf32, #tpu.memory_space<vmem>>[vector<16xi32>], vector<16xf32>,
        %shift_left3A_543 = arith.constant 16 : i32
        %shift_left3A_544 = vector.broadcast %shift_left3A_543 : i32 to vector<16xi32>
        %shift_left3A_545 = arith.shli %get3A_521, %shift_left3A_544 : vector<16xi32>
        %shift_right_arithmetic3A_546 = arith.constant 24 : i32
        %shift_right_arithmetic3A_547 = vector.broadcast %shift_right_arithmetic3A_546 : i32 to vector<16xi32>
        %shift_right_arithmetic3A_548 = arith.shrsi %shift_left3A_545, %shift_right_arithmetic3A_547 : vector<16xi32>
        %convert_element_type3A_549 = arith.sitofp %shift_right_arithmetic3A_548 : vector<16xi32> to vector<16xf32>
        %mul3A_550 = arith.mulf %convert_element_type3A_549, %broadcast_in_dim3A_524 : vector<16xf32>
        %mul3A_551 = arith.constant 4 : i32
        %mul3A_552 = vector.broadcast %mul3A_551 : i32 to vector<16xi32>
        %mul3A_553 = arith.muli %mul3A_552, %iota3A : vector<16xi32>
        %add3A_554 = vector.broadcast %mul3A_526 : i32 to vector<16xi32>
        %add3A_555 = arith.addi %add3A_554, %mul3A_553 : vector<16xi32>
        %add3A_556 = arith.constant 1 : i32
        %add3A_557 = vector.broadcast %add3A_556 : i32 to vector<16xi32>
        %add3A_558 = arith.addi %add3A_555, %add3A_557 : vector<16xi32>
        tpu.vector_store_idx %arg9[%add3A_558], %mul3A_550 : memref<81920xf32, #tpu.memory_space<vmem>>[vector<16xi32>], vector<16xf32>,
        %shift_left3A_559 = arith.constant 8 : i32
        %shift_left3A_560 = vector.broadcast %shift_left3A_559 : i32 to vector<16xi32>
        %shift_left3A_561 = arith.shli %get3A_521, %shift_left3A_560 : vector<16xi32>
        %shift_right_arithmetic3A_562 = arith.constant 24 : i32
        %shift_right_arithmetic3A_563 = vector.broadcast %shift_right_arithmetic3A_562 : i32 to vector<16xi32>
        %shift_right_arithmetic3A_564 = arith.shrsi %shift_left3A_561, %shift_right_arithmetic3A_563 : vector<16xi32>
        %convert_element_type3A_565 = arith.sitofp %shift_right_arithmetic3A_564 : vector<16xi32> to vector<16xf32>
        %mul3A_566 = arith.mulf %convert_element_type3A_565, %broadcast_in_dim3A_524 : vector<16xf32>
        %mul3A_567 = arith.constant 4 : i32
        %mul3A_568 = vector.broadcast %mul3A_567 : i32 to vector<16xi32>
        %mul3A_569 = arith.muli %mul3A_568, %iota3A : vector<16xi32>
        %add3A_570 = vector.broadcast %mul3A_526 : i32 to vector<16xi32>
        %add3A_571 = arith.addi %add3A_570, %mul3A_569 : vector<16xi32>
        %add3A_572 = arith.constant 2 : i32
        %add3A_573 = vector.broadcast %add3A_572 : i32 to vector<16xi32>
        %add3A_574 = arith.addi %add3A_571, %add3A_573 : vector<16xi32>
        tpu.vector_store_idx %arg9[%add3A_574], %mul3A_566 : memref<81920xf32, #tpu.memory_space<vmem>>[vector<16xi32>], vector<16xf32>,
        %shift_right_arithmetic3A_575 = arith.constant 24 : i32
        %shift_right_arithmetic3A_576 = vector.broadcast %shift_right_arithmetic3A_575 : i32 to vector<16xi32>
        %shift_right_arithmetic3A_577 = arith.shrsi %get3A_521, %shift_right_arithmetic3A_576 : vector<16xi32>
        %convert_element_type3A_578 = arith.sitofp %shift_right_arithmetic3A_577 : vector<16xi32> to vector<16xf32>
        %mul3A_579 = arith.mulf %convert_element_type3A_578, %broadcast_in_dim3A_524 : vector<16xf32>
        %mul3A_580 = arith.constant 4 : i32
        %mul3A_581 = vector.broadcast %mul3A_580 : i32 to vector<16xi32>
        %mul3A_582 = arith.muli %mul3A_581, %iota3A : vector<16xi32>
        %add3A_583 = vector.broadcast %mul3A_526 : i32 to vector<16xi32>
        %add3A_584 = arith.addi %add3A_583, %mul3A_582 : vector<16xi32>
        %add3A_585 = arith.constant 3 : i32
        %add3A_586 = vector.broadcast %add3A_585 : i32 to vector<16xi32>
        %add3A_587 = arith.addi %add3A_584, %add3A_586 : vector<16xi32>
        tpu.vector_store_idx %arg9[%add3A_587], %mul3A_579 : memref<81920xf32, #tpu.memory_space<vmem>>[vector<16xi32>], vector<16xf32>,
        %add3A_588 = arith.constant 4 : i32
        %add3A_589 = arith.addi %mul3A_306, %add3A_588 : i32
        %get3A_590 = arith.index_cast %add3A_589 : i32 to index
        %get3A_591 = arith.constant 0 : index
        %get3A_592 = tpu.vector_load %arg7[%get3A_590, %get3A_591] {strides = array<i32>} : memref<1280x16xi32, #tpu.memory_space<vmem>>, vector<16xi32>,
        %slice3A_593 = vector.extract_strided_slice %mul3A_309 {offsets = [4], sizes = [1], strides = [1]} : vector<16xf32> to vector<1xf32>
        %squeeze3A_594 = vector.extract %slice3A_593[0] : f32 from vector<1xf32>
        %broadcast_in_dim3A_595 = vector.broadcast %squeeze3A_594 : f32 to vector<16xf32>
        %mul3A_596 = arith.constant 64 : i32
        %mul3A_597 = arith.muli %add3A_589, %mul3A_596 : i32
        %shift_left3A_598 = arith.constant 24 : i32
        %shift_left3A_599 = vector.broadcast %shift_left3A_598 : i32 to vector<16xi32>
        %shift_left3A_600 = arith.shli %get3A_592, %shift_left3A_599 : vector<16xi32>
        %shift_right_arithmetic3A_601 = arith.constant 24 : i32
        %shift_right_arithmetic3A_602 = vector.broadcast %shift_right_arithmetic3A_601 : i32 to vector<16xi32>
        %shift_right_arithmetic3A_603 = arith.shrsi %shift_left3A_600, %shift_right_arithmetic3A_602 : vector<16xi32>
        %convert_element_type3A_604 = arith.sitofp %shift_right_arithmetic3A_603 : vector<16xi32> to vector<16xf32>
        %mul3A_605 = arith.mulf %convert_element_type3A_604, %broadcast_in_dim3A_595 : vector<16xf32>
        %mul3A_606 = arith.constant 4 : i32
        %mul3A_607 = vector.broadcast %mul3A_606 : i32 to vector<16xi32>
        %mul3A_608 = arith.muli %mul3A_607, %iota3A : vector<16xi32>
        %add3A_609 = vector.broadcast %mul3A_597 : i32 to vector<16xi32>
        %add3A_610 = arith.addi %add3A_609, %mul3A_608 : vector<16xi32>
        %add3A_611 = arith.constant 0 : i32
        %add3A_612 = vector.broadcast %add3A_611 : i32 to vector<16xi32>
        %add3A_613 = arith.addi %add3A_610, %add3A_612 : vector<16xi32>
        tpu.vector_store_idx %arg9[%add3A_613], %mul3A_605 : memref<81920xf32, #tpu.memory_space<vmem>>[vector<16xi32>], vector<16xf32>,
        %shift_left3A_614 = arith.constant 16 : i32
        %shift_left3A_615 = vector.broadcast %shift_left3A_614 : i32 to vector<16xi32>
        %shift_left3A_616 = arith.shli %get3A_592, %shift_left3A_615 : vector<16xi32>
        %shift_right_arithmetic3A_617 = arith.constant 24 : i32
        %shift_right_arithmetic3A_618 = vector.broadcast %shift_right_arithmetic3A_617 : i32 to vector<16xi32>
        %shift_right_arithmetic3A_619 = arith.shrsi %shift_left3A_616, %shift_right_arithmetic3A_618 : vector<16xi32>
        %convert_element_type3A_620 = arith.sitofp %shift_right_arithmetic3A_619 : vector<16xi32> to vector<16xf32>
        %mul3A_621 = arith.mulf %convert_element_type3A_620, %broadcast_in_dim3A_595 : vector<16xf32>
        %mul3A_622 = arith.constant 4 : i32
        %mul3A_623 = vector.broadcast %mul3A_622 : i32 to vector<16xi32>
        %mul3A_624 = arith.muli %mul3A_623, %iota3A : vector<16xi32>
        %add3A_625 = vector.broadcast %mul3A_597 : i32 to vector<16xi32>
        %add3A_626 = arith.addi %add3A_625, %mul3A_624 : vector<16xi32>
        %add3A_627 = arith.constant 1 : i32
        %add3A_628 = vector.broadcast %add3A_627 : i32 to vector<16xi32>
        %add3A_629 = arith.addi %add3A_626, %add3A_628 : vector<16xi32>
        tpu.vector_store_idx %arg9[%add3A_629], %mul3A_621 : memref<81920xf32, #tpu.memory_space<vmem>>[vector<16xi32>], vector<16xf32>,
        %shift_left3A_630 = arith.constant 8 : i32
        %shift_left3A_631 = vector.broadcast %shift_left3A_630 : i32 to vector<16xi32>
        %shift_left3A_632 = arith.shli %get3A_592, %shift_left3A_631 : vector<16xi32>
        %shift_right_arithmetic3A_633 = arith.constant 24 : i32
        %shift_right_arithmetic3A_634 = vector.broadcast %shift_right_arithmetic3A_633 : i32 to vector<16xi32>
        %shift_right_arithmetic3A_635 = arith.shrsi %shift_left3A_632, %shift_right_arithmetic3A_634 : vector<16xi32>
        %convert_element_type3A_636 = arith.sitofp %shift_right_arithmetic3A_635 : vector<16xi32> to vector<16xf32>
        %mul3A_637 = arith.mulf %convert_element_type3A_636, %broadcast_in_dim3A_595 : vector<16xf32>
        %mul3A_638 = arith.constant 4 : i32
        %mul3A_639 = vector.broadcast %mul3A_638 : i32 to vector<16xi32>
        %mul3A_640 = arith.muli %mul3A_639, %iota3A : vector<16xi32>
        %add3A_641 = vector.broadcast %mul3A_597 : i32 to vector<16xi32>
        %add3A_642 = arith.addi %add3A_641, %mul3A_640 : vector<16xi32>
        %add3A_643 = arith.constant 2 : i32
        %add3A_644 = vector.broadcast %add3A_643 : i32 to vector<16xi32>
        %add3A_645 = arith.addi %add3A_642, %add3A_644 : vector<16xi32>
        tpu.vector_store_idx %arg9[%add3A_645], %mul3A_637 : memref<81920xf32, #tpu.memory_space<vmem>>[vector<16xi32>], vector<16xf32>,
        %shift_right_arithmetic3A_646 = arith.constant 24 : i32
        %shift_right_arithmetic3A_647 = vector.broadcast %shift_right_arithmetic3A_646 : i32 to vector<16xi32>
        %shift_right_arithmetic3A_648 = arith.shrsi %get3A_592, %shift_right_arithmetic3A_647 : vector<16xi32>
        %convert_element_type3A_649 = arith.sitofp %shift_right_arithmetic3A_648 : vector<16xi32> to vector<16xf32>
        %mul3A_650 = arith.mulf %convert_element_type3A_649, %broadcast_in_dim3A_595 : vector<16xf32>
        %mul3A_651 = arith.constant 4 : i32
        %mul3A_652 = vector.broadcast %mul3A_651 : i32 to vector<16xi32>
        %mul3A_653 = arith.muli %mul3A_652, %iota3A : vector<16xi32>
        %add3A_654 = vector.broadcast %mul3A_597 : i32 to vector<16xi32>
        %add3A_655 = arith.addi %add3A_654, %mul3A_653 : vector<16xi32>
        %add3A_656 = arith.constant 3 : i32
        %add3A_657 = vector.broadcast %add3A_656 : i32 to vector<16xi32>
        %add3A_658 = arith.addi %add3A_655, %add3A_657 : vector<16xi32>
        tpu.vector_store_idx %arg9[%add3A_658], %mul3A_650 : memref<81920xf32, #tpu.memory_space<vmem>>[vector<16xi32>], vector<16xf32>,
        %add3A_659 = arith.constant 5 : i32
        %add3A_660 = arith.addi %mul3A_306, %add3A_659 : i32
        %get3A_661 = arith.index_cast %add3A_660 : i32 to index
        %get3A_662 = arith.constant 0 : index
        %get3A_663 = tpu.vector_load %arg7[%get3A_661, %get3A_662] {strides = array<i32>} : memref<1280x16xi32, #tpu.memory_space<vmem>>, vector<16xi32>,
        %slice3A_664 = vector.extract_strided_slice %mul3A_309 {offsets = [5], sizes = [1], strides = [1]} : vector<16xf32> to vector<1xf32>
        %squeeze3A_665 = vector.extract %slice3A_664[0] : f32 from vector<1xf32>
        %broadcast_in_dim3A_666 = vector.broadcast %squeeze3A_665 : f32 to vector<16xf32>
        %mul3A_667 = arith.constant 64 : i32
        %mul3A_668 = arith.muli %add3A_660, %mul3A_667 : i32
        %shift_left3A_669 = arith.constant 24 : i32
        %shift_left3A_670 = vector.broadcast %shift_left3A_669 : i32 to vector<16xi32>
        %shift_left3A_671 = arith.shli %get3A_663, %shift_left3A_670 : vector<16xi32>
        %shift_right_arithmetic3A_672 = arith.constant 24 : i32
        %shift_right_arithmetic3A_673 = vector.broadcast %shift_right_arithmetic3A_672 : i32 to vector<16xi32>
        %shift_right_arithmetic3A_674 = arith.shrsi %shift_left3A_671, %shift_right_arithmetic3A_673 : vector<16xi32>
        %convert_element_type3A_675 = arith.sitofp %shift_right_arithmetic3A_674 : vector<16xi32> to vector<16xf32>
        %mul3A_676 = arith.mulf %convert_element_type3A_675, %broadcast_in_dim3A_666 : vector<16xf32>
        %mul3A_677 = arith.constant 4 : i32
        %mul3A_678 = vector.broadcast %mul3A_677 : i32 to vector<16xi32>
        %mul3A_679 = arith.muli %mul3A_678, %iota3A : vector<16xi32>
        %add3A_680 = vector.broadcast %mul3A_668 : i32 to vector<16xi32>
        %add3A_681 = arith.addi %add3A_680, %mul3A_679 : vector<16xi32>
        %add3A_682 = arith.constant 0 : i32
        %add3A_683 = vector.broadcast %add3A_682 : i32 to vector<16xi32>
        %add3A_684 = arith.addi %add3A_681, %add3A_683 : vector<16xi32>
        tpu.vector_store_idx %arg9[%add3A_684], %mul3A_676 : memref<81920xf32, #tpu.memory_space<vmem>>[vector<16xi32>], vector<16xf32>,
        %shift_left3A_685 = arith.constant 16 : i32
        %shift_left3A_686 = vector.broadcast %shift_left3A_685 : i32 to vector<16xi32>
        %shift_left3A_687 = arith.shli %get3A_663, %shift_left3A_686 : vector<16xi32>
        %shift_right_arithmetic3A_688 = arith.constant 24 : i32
        %shift_right_arithmetic3A_689 = vector.broadcast %shift_right_arithmetic3A_688 : i32 to vector<16xi32>
        %shift_right_arithmetic3A_690 = arith.shrsi %shift_left3A_687, %shift_right_arithmetic3A_689 : vector<16xi32>
        %convert_element_type3A_691 = arith.sitofp %shift_right_arithmetic3A_690 : vector<16xi32> to vector<16xf32>
        %mul3A_692 = arith.mulf %convert_element_type3A_691, %broadcast_in_dim3A_666 : vector<16xf32>
        %mul3A_693 = arith.constant 4 : i32
        %mul3A_694 = vector.broadcast %mul3A_693 : i32 to vector<16xi32>
        %mul3A_695 = arith.muli %mul3A_694, %iota3A : vector<16xi32>
        %add3A_696 = vector.broadcast %mul3A_668 : i32 to vector<16xi32>
        %add3A_697 = arith.addi %add3A_696, %mul3A_695 : vector<16xi32>
        %add3A_698 = arith.constant 1 : i32
        %add3A_699 = vector.broadcast %add3A_698 : i32 to vector<16xi32>
        %add3A_700 = arith.addi %add3A_697, %add3A_699 : vector<16xi32>
        tpu.vector_store_idx %arg9[%add3A_700], %mul3A_692 : memref<81920xf32, #tpu.memory_space<vmem>>[vector<16xi32>], vector<16xf32>,
        %shift_left3A_701 = arith.constant 8 : i32
        %shift_left3A_702 = vector.broadcast %shift_left3A_701 : i32 to vector<16xi32>
        %shift_left3A_703 = arith.shli %get3A_663, %shift_left3A_702 : vector<16xi32>
        %shift_right_arithmetic3A_704 = arith.constant 24 : i32
        %shift_right_arithmetic3A_705 = vector.broadcast %shift_right_arithmetic3A_704 : i32 to vector<16xi32>
        %shift_right_arithmetic3A_706 = arith.shrsi %shift_left3A_703, %shift_right_arithmetic3A_705 : vector<16xi32>
        %convert_element_type3A_707 = arith.sitofp %shift_right_arithmetic3A_706 : vector<16xi32> to vector<16xf32>
        %mul3A_708 = arith.mulf %convert_element_type3A_707, %broadcast_in_dim3A_666 : vector<16xf32>
        %mul3A_709 = arith.constant 4 : i32
        %mul3A_710 = vector.broadcast %mul3A_709 : i32 to vector<16xi32>
        %mul3A_711 = arith.muli %mul3A_710, %iota3A : vector<16xi32>
        %add3A_712 = vector.broadcast %mul3A_668 : i32 to vector<16xi32>
        %add3A_713 = arith.addi %add3A_712, %mul3A_711 : vector<16xi32>
        %add3A_714 = arith.constant 2 : i32
        %add3A_715 = vector.broadcast %add3A_714 : i32 to vector<16xi32>
        %add3A_716 = arith.addi %add3A_713, %add3A_715 : vector<16xi32>
        tpu.vector_store_idx %arg9[%add3A_716], %mul3A_708 : memref<81920xf32, #tpu.memory_space<vmem>>[vector<16xi32>], vector<16xf32>,
        %shift_right_arithmetic3A_717 = arith.constant 24 : i32
        %shift_right_arithmetic3A_718 = vector.broadcast %shift_right_arithmetic3A_717 : i32 to vector<16xi32>
        %shift_right_arithmetic3A_719 = arith.shrsi %get3A_663, %shift_right_arithmetic3A_718 : vector<16xi32>
        %convert_element_type3A_720 = arith.sitofp %shift_right_arithmetic3A_719 : vector<16xi32> to vector<16xf32>
        %mul3A_721 = arith.mulf %convert_element_type3A_720, %broadcast_in_dim3A_666 : vector<16xf32>
        %mul3A_722 = arith.constant 4 : i32
        %mul3A_723 = vector.broadcast %mul3A_722 : i32 to vector<16xi32>
        %mul3A_724 = arith.muli %mul3A_723, %iota3A : vector<16xi32>
        %add3A_725 = vector.broadcast %mul3A_668 : i32 to vector<16xi32>
        %add3A_726 = arith.addi %add3A_725, %mul3A_724 : vector<16xi32>
        %add3A_727 = arith.constant 3 : i32
        %add3A_728 = vector.broadcast %add3A_727 : i32 to vector<16xi32>
        %add3A_729 = arith.addi %add3A_726, %add3A_728 : vector<16xi32>
        tpu.vector_store_idx %arg9[%add3A_729], %mul3A_721 : memref<81920xf32, #tpu.memory_space<vmem>>[vector<16xi32>], vector<16xf32>,
        %add3A_730 = arith.constant 6 : i32
        %add3A_731 = arith.addi %mul3A_306, %add3A_730 : i32
        %get3A_732 = arith.index_cast %add3A_731 : i32 to index
        %get3A_733 = arith.constant 0 : index
        %get3A_734 = tpu.vector_load %arg7[%get3A_732, %get3A_733] {strides = array<i32>} : memref<1280x16xi32, #tpu.memory_space<vmem>>, vector<16xi32>,
        %slice3A_735 = vector.extract_strided_slice %mul3A_309 {offsets = [6], sizes = [1], strides = [1]} : vector<16xf32> to vector<1xf32>
        %squeeze3A_736 = vector.extract %slice3A_735[0] : f32 from vector<1xf32>
        %broadcast_in_dim3A_737 = vector.broadcast %squeeze3A_736 : f32 to vector<16xf32>
        %mul3A_738 = arith.constant 64 : i32
        %mul3A_739 = arith.muli %add3A_731, %mul3A_738 : i32
        %shift_left3A_740 = arith.constant 24 : i32
        %shift_left3A_741 = vector.broadcast %shift_left3A_740 : i32 to vector<16xi32>
        %shift_left3A_742 = arith.shli %get3A_734, %shift_left3A_741 : vector<16xi32>
        %shift_right_arithmetic3A_743 = arith.constant 24 : i32
        %shift_right_arithmetic3A_744 = vector.broadcast %shift_right_arithmetic3A_743 : i32 to vector<16xi32>
        %shift_right_arithmetic3A_745 = arith.shrsi %shift_left3A_742, %shift_right_arithmetic3A_744 : vector<16xi32>
        %convert_element_type3A_746 = arith.sitofp %shift_right_arithmetic3A_745 : vector<16xi32> to vector<16xf32>
        %mul3A_747 = arith.mulf %convert_element_type3A_746, %broadcast_in_dim3A_737 : vector<16xf32>
        %mul3A_748 = arith.constant 4 : i32
        %mul3A_749 = vector.broadcast %mul3A_748 : i32 to vector<16xi32>
        %mul3A_750 = arith.muli %mul3A_749, %iota3A : vector<16xi32>
        %add3A_751 = vector.broadcast %mul3A_739 : i32 to vector<16xi32>
        %add3A_752 = arith.addi %add3A_751, %mul3A_750 : vector<16xi32>
        %add3A_753 = arith.constant 0 : i32
        %add3A_754 = vector.broadcast %add3A_753 : i32 to vector<16xi32>
        %add3A_755 = arith.addi %add3A_752, %add3A_754 : vector<16xi32>
        tpu.vector_store_idx %arg9[%add3A_755], %mul3A_747 : memref<81920xf32, #tpu.memory_space<vmem>>[vector<16xi32>], vector<16xf32>,
        %shift_left3A_756 = arith.constant 16 : i32
        %shift_left3A_757 = vector.broadcast %shift_left3A_756 : i32 to vector<16xi32>
        %shift_left3A_758 = arith.shli %get3A_734, %shift_left3A_757 : vector<16xi32>
        %shift_right_arithmetic3A_759 = arith.constant 24 : i32
        %shift_right_arithmetic3A_760 = vector.broadcast %shift_right_arithmetic3A_759 : i32 to vector<16xi32>
        %shift_right_arithmetic3A_761 = arith.shrsi %shift_left3A_758, %shift_right_arithmetic3A_760 : vector<16xi32>
        %convert_element_type3A_762 = arith.sitofp %shift_right_arithmetic3A_761 : vector<16xi32> to vector<16xf32>
        %mul3A_763 = arith.mulf %convert_element_type3A_762, %broadcast_in_dim3A_737 : vector<16xf32>
        %mul3A_764 = arith.constant 4 : i32
        %mul3A_765 = vector.broadcast %mul3A_764 : i32 to vector<16xi32>
        %mul3A_766 = arith.muli %mul3A_765, %iota3A : vector<16xi32>
        %add3A_767 = vector.broadcast %mul3A_739 : i32 to vector<16xi32>
        %add3A_768 = arith.addi %add3A_767, %mul3A_766 : vector<16xi32>
        %add3A_769 = arith.constant 1 : i32
        %add3A_770 = vector.broadcast %add3A_769 : i32 to vector<16xi32>
        %add3A_771 = arith.addi %add3A_768, %add3A_770 : vector<16xi32>
        tpu.vector_store_idx %arg9[%add3A_771], %mul3A_763 : memref<81920xf32, #tpu.memory_space<vmem>>[vector<16xi32>], vector<16xf32>,
        %shift_left3A_772 = arith.constant 8 : i32
        %shift_left3A_773 = vector.broadcast %shift_left3A_772 : i32 to vector<16xi32>
        %shift_left3A_774 = arith.shli %get3A_734, %shift_left3A_773 : vector<16xi32>
        %shift_right_arithmetic3A_775 = arith.constant 24 : i32
        %shift_right_arithmetic3A_776 = vector.broadcast %shift_right_arithmetic3A_775 : i32 to vector<16xi32>
        %shift_right_arithmetic3A_777 = arith.shrsi %shift_left3A_774, %shift_right_arithmetic3A_776 : vector<16xi32>
        %convert_element_type3A_778 = arith.sitofp %shift_right_arithmetic3A_777 : vector<16xi32> to vector<16xf32>
        %mul3A_779 = arith.mulf %convert_element_type3A_778, %broadcast_in_dim3A_737 : vector<16xf32>
        %mul3A_780 = arith.constant 4 : i32
        %mul3A_781 = vector.broadcast %mul3A_780 : i32 to vector<16xi32>
        %mul3A_782 = arith.muli %mul3A_781, %iota3A : vector<16xi32>
        %add3A_783 = vector.broadcast %mul3A_739 : i32 to vector<16xi32>
        %add3A_784 = arith.addi %add3A_783, %mul3A_782 : vector<16xi32>
        %add3A_785 = arith.constant 2 : i32
        %add3A_786 = vector.broadcast %add3A_785 : i32 to vector<16xi32>
        %add3A_787 = arith.addi %add3A_784, %add3A_786 : vector<16xi32>
        tpu.vector_store_idx %arg9[%add3A_787], %mul3A_779 : memref<81920xf32, #tpu.memory_space<vmem>>[vector<16xi32>], vector<16xf32>,
        %shift_right_arithmetic3A_788 = arith.constant 24 : i32
        %shift_right_arithmetic3A_789 = vector.broadcast %shift_right_arithmetic3A_788 : i32 to vector<16xi32>
        %shift_right_arithmetic3A_790 = arith.shrsi %get3A_734, %shift_right_arithmetic3A_789 : vector<16xi32>
        %convert_element_type3A_791 = arith.sitofp %shift_right_arithmetic3A_790 : vector<16xi32> to vector<16xf32>
        %mul3A_792 = arith.mulf %convert_element_type3A_791, %broadcast_in_dim3A_737 : vector<16xf32>
        %mul3A_793 = arith.constant 4 : i32
        %mul3A_794 = vector.broadcast %mul3A_793 : i32 to vector<16xi32>
        %mul3A_795 = arith.muli %mul3A_794, %iota3A : vector<16xi32>
        %add3A_796 = vector.broadcast %mul3A_739 : i32 to vector<16xi32>
        %add3A_797 = arith.addi %add3A_796, %mul3A_795 : vector<16xi32>
        %add3A_798 = arith.constant 3 : i32
        %add3A_799 = vector.broadcast %add3A_798 : i32 to vector<16xi32>
        %add3A_800 = arith.addi %add3A_797, %add3A_799 : vector<16xi32>
        tpu.vector_store_idx %arg9[%add3A_800], %mul3A_792 : memref<81920xf32, #tpu.memory_space<vmem>>[vector<16xi32>], vector<16xf32>,
        %add3A_801 = arith.constant 7 : i32
        %add3A_802 = arith.addi %mul3A_306, %add3A_801 : i32
        %get3A_803 = arith.index_cast %add3A_802 : i32 to index
        %get3A_804 = arith.constant 0 : index
        %get3A_805 = tpu.vector_load %arg7[%get3A_803, %get3A_804] {strides = array<i32>} : memref<1280x16xi32, #tpu.memory_space<vmem>>, vector<16xi32>,
        %slice3A_806 = vector.extract_strided_slice %mul3A_309 {offsets = [7], sizes = [1], strides = [1]} : vector<16xf32> to vector<1xf32>
        %squeeze3A_807 = vector.extract %slice3A_806[0] : f32 from vector<1xf32>
        %broadcast_in_dim3A_808 = vector.broadcast %squeeze3A_807 : f32 to vector<16xf32>
        %mul3A_809 = arith.constant 64 : i32
        %mul3A_810 = arith.muli %add3A_802, %mul3A_809 : i32
        %shift_left3A_811 = arith.constant 24 : i32
        %shift_left3A_812 = vector.broadcast %shift_left3A_811 : i32 to vector<16xi32>
        %shift_left3A_813 = arith.shli %get3A_805, %shift_left3A_812 : vector<16xi32>
        %shift_right_arithmetic3A_814 = arith.constant 24 : i32
        %shift_right_arithmetic3A_815 = vector.broadcast %shift_right_arithmetic3A_814 : i32 to vector<16xi32>
        %shift_right_arithmetic3A_816 = arith.shrsi %shift_left3A_813, %shift_right_arithmetic3A_815 : vector<16xi32>
        %convert_element_type3A_817 = arith.sitofp %shift_right_arithmetic3A_816 : vector<16xi32> to vector<16xf32>
        %mul3A_818 = arith.mulf %convert_element_type3A_817, %broadcast_in_dim3A_808 : vector<16xf32>
        %mul3A_819 = arith.constant 4 : i32
        %mul3A_820 = vector.broadcast %mul3A_819 : i32 to vector<16xi32>
        %mul3A_821 = arith.muli %mul3A_820, %iota3A : vector<16xi32>
        %add3A_822 = vector.broadcast %mul3A_810 : i32 to vector<16xi32>
        %add3A_823 = arith.addi %add3A_822, %mul3A_821 : vector<16xi32>
        %add3A_824 = arith.constant 0 : i32
        %add3A_825 = vector.broadcast %add3A_824 : i32 to vector<16xi32>
        %add3A_826 = arith.addi %add3A_823, %add3A_825 : vector<16xi32>
        tpu.vector_store_idx %arg9[%add3A_826], %mul3A_818 : memref<81920xf32, #tpu.memory_space<vmem>>[vector<16xi32>], vector<16xf32>,
        %shift_left3A_827 = arith.constant 16 : i32
        %shift_left3A_828 = vector.broadcast %shift_left3A_827 : i32 to vector<16xi32>
        %shift_left3A_829 = arith.shli %get3A_805, %shift_left3A_828 : vector<16xi32>
        %shift_right_arithmetic3A_830 = arith.constant 24 : i32
        %shift_right_arithmetic3A_831 = vector.broadcast %shift_right_arithmetic3A_830 : i32 to vector<16xi32>
        %shift_right_arithmetic3A_832 = arith.shrsi %shift_left3A_829, %shift_right_arithmetic3A_831 : vector<16xi32>
        %convert_element_type3A_833 = arith.sitofp %shift_right_arithmetic3A_832 : vector<16xi32> to vector<16xf32>
        %mul3A_834 = arith.mulf %convert_element_type3A_833, %broadcast_in_dim3A_808 : vector<16xf32>
        %mul3A_835 = arith.constant 4 : i32
        %mul3A_836 = vector.broadcast %mul3A_835 : i32 to vector<16xi32>
        %mul3A_837 = arith.muli %mul3A_836, %iota3A : vector<16xi32>
        %add3A_838 = vector.broadcast %mul3A_810 : i32 to vector<16xi32>
        %add3A_839 = arith.addi %add3A_838, %mul3A_837 : vector<16xi32>
        %add3A_840 = arith.constant 1 : i32
        %add3A_841 = vector.broadcast %add3A_840 : i32 to vector<16xi32>
        %add3A_842 = arith.addi %add3A_839, %add3A_841 : vector<16xi32>
        tpu.vector_store_idx %arg9[%add3A_842], %mul3A_834 : memref<81920xf32, #tpu.memory_space<vmem>>[vector<16xi32>], vector<16xf32>,
        %shift_left3A_843 = arith.constant 8 : i32
        %shift_left3A_844 = vector.broadcast %shift_left3A_843 : i32 to vector<16xi32>
        %shift_left3A_845 = arith.shli %get3A_805, %shift_left3A_844 : vector<16xi32>
        %shift_right_arithmetic3A_846 = arith.constant 24 : i32
        %shift_right_arithmetic3A_847 = vector.broadcast %shift_right_arithmetic3A_846 : i32 to vector<16xi32>
        %shift_right_arithmetic3A_848 = arith.shrsi %shift_left3A_845, %shift_right_arithmetic3A_847 : vector<16xi32>
        %convert_element_type3A_849 = arith.sitofp %shift_right_arithmetic3A_848 : vector<16xi32> to vector<16xf32>
        %mul3A_850 = arith.mulf %convert_element_type3A_849, %broadcast_in_dim3A_808 : vector<16xf32>
        %mul3A_851 = arith.constant 4 : i32
        %mul3A_852 = vector.broadcast %mul3A_851 : i32 to vector<16xi32>
        %mul3A_853 = arith.muli %mul3A_852, %iota3A : vector<16xi32>
        %add3A_854 = vector.broadcast %mul3A_810 : i32 to vector<16xi32>
        %add3A_855 = arith.addi %add3A_854, %mul3A_853 : vector<16xi32>
        %add3A_856 = arith.constant 2 : i32
        %add3A_857 = vector.broadcast %add3A_856 : i32 to vector<16xi32>
        %add3A_858 = arith.addi %add3A_855, %add3A_857 : vector<16xi32>
        tpu.vector_store_idx %arg9[%add3A_858], %mul3A_850 : memref<81920xf32, #tpu.memory_space<vmem>>[vector<16xi32>], vector<16xf32>,
        %shift_right_arithmetic3A_859 = arith.constant 24 : i32
        %shift_right_arithmetic3A_860 = vector.broadcast %shift_right_arithmetic3A_859 : i32 to vector<16xi32>
        %shift_right_arithmetic3A_861 = arith.shrsi %get3A_805, %shift_right_arithmetic3A_860 : vector<16xi32>
        %convert_element_type3A_862 = arith.sitofp %shift_right_arithmetic3A_861 : vector<16xi32> to vector<16xf32>
        %mul3A_863 = arith.mulf %convert_element_type3A_862, %broadcast_in_dim3A_808 : vector<16xf32>
        %mul3A_864 = arith.constant 4 : i32
        %mul3A_865 = vector.broadcast %mul3A_864 : i32 to vector<16xi32>
        %mul3A_866 = arith.muli %mul3A_865, %iota3A : vector<16xi32>
        %add3A_867 = vector.broadcast %mul3A_810 : i32 to vector<16xi32>
        %add3A_868 = arith.addi %add3A_867, %mul3A_866 : vector<16xi32>
        %add3A_869 = arith.constant 3 : i32
        %add3A_870 = vector.broadcast %add3A_869 : i32 to vector<16xi32>
        %add3A_871 = arith.addi %add3A_868, %add3A_870 : vector<16xi32>
        tpu.vector_store_idx %arg9[%add3A_871], %mul3A_863 : memref<81920xf32, #tpu.memory_space<vmem>>[vector<16xi32>], vector<16xf32>,
        %add3A_872 = arith.constant 8 : i32
        %add3A_873 = arith.addi %mul3A_306, %add3A_872 : i32
        %get3A_874 = arith.index_cast %add3A_873 : i32 to index
        %get3A_875 = arith.constant 0 : index
        %get3A_876 = tpu.vector_load %arg7[%get3A_874, %get3A_875] {strides = array<i32>} : memref<1280x16xi32, #tpu.memory_space<vmem>>, vector<16xi32>,
        %slice3A_877 = vector.extract_strided_slice %mul3A_309 {offsets = [8], sizes = [1], strides = [1]} : vector<16xf32> to vector<1xf32>
        %squeeze3A_878 = vector.extract %slice3A_877[0] : f32 from vector<1xf32>
        %broadcast_in_dim3A_879 = vector.broadcast %squeeze3A_878 : f32 to vector<16xf32>
        %mul3A_880 = arith.constant 64 : i32
        %mul3A_881 = arith.muli %add3A_873, %mul3A_880 : i32
        %shift_left3A_882 = arith.constant 24 : i32
        %shift_left3A_883 = vector.broadcast %shift_left3A_882 : i32 to vector<16xi32>
        %shift_left3A_884 = arith.shli %get3A_876, %shift_left3A_883 : vector<16xi32>
        %shift_right_arithmetic3A_885 = arith.constant 24 : i32
        %shift_right_arithmetic3A_886 = vector.broadcast %shift_right_arithmetic3A_885 : i32 to vector<16xi32>
        %shift_right_arithmetic3A_887 = arith.shrsi %shift_left3A_884, %shift_right_arithmetic3A_886 : vector<16xi32>
        %convert_element_type3A_888 = arith.sitofp %shift_right_arithmetic3A_887 : vector<16xi32> to vector<16xf32>
        %mul3A_889 = arith.mulf %convert_element_type3A_888, %broadcast_in_dim3A_879 : vector<16xf32>
        %mul3A_890 = arith.constant 4 : i32
        %mul3A_891 = vector.broadcast %mul3A_890 : i32 to vector<16xi32>
        %mul3A_892 = arith.muli %mul3A_891, %iota3A : vector<16xi32>
        %add3A_893 = vector.broadcast %mul3A_881 : i32 to vector<16xi32>
        %add3A_894 = arith.addi %add3A_893, %mul3A_892 : vector<16xi32>
        %add3A_895 = arith.constant 0 : i32
        %add3A_896 = vector.broadcast %add3A_895 : i32 to vector<16xi32>
        %add3A_897 = arith.addi %add3A_894, %add3A_896 : vector<16xi32>
        tpu.vector_store_idx %arg9[%add3A_897], %mul3A_889 : memref<81920xf32, #tpu.memory_space<vmem>>[vector<16xi32>], vector<16xf32>,
        %shift_left3A_898 = arith.constant 16 : i32
        %shift_left3A_899 = vector.broadcast %shift_left3A_898 : i32 to vector<16xi32>
        %shift_left3A_900 = arith.shli %get3A_876, %shift_left3A_899 : vector<16xi32>
        %shift_right_arithmetic3A_901 = arith.constant 24 : i32
        %shift_right_arithmetic3A_902 = vector.broadcast %shift_right_arithmetic3A_901 : i32 to vector<16xi32>
        %shift_right_arithmetic3A_903 = arith.shrsi %shift_left3A_900, %shift_right_arithmetic3A_902 : vector<16xi32>
        %convert_element_type3A_904 = arith.sitofp %shift_right_arithmetic3A_903 : vector<16xi32> to vector<16xf32>
        %mul3A_905 = arith.mulf %convert_element_type3A_904, %broadcast_in_dim3A_879 : vector<16xf32>
        %mul3A_906 = arith.constant 4 : i32
        %mul3A_907 = vector.broadcast %mul3A_906 : i32 to vector<16xi32>
        %mul3A_908 = arith.muli %mul3A_907, %iota3A : vector<16xi32>
        %add3A_909 = vector.broadcast %mul3A_881 : i32 to vector<16xi32>
        %add3A_910 = arith.addi %add3A_909, %mul3A_908 : vector<16xi32>
        %add3A_911 = arith.constant 1 : i32
        %add3A_912 = vector.broadcast %add3A_911 : i32 to vector<16xi32>
        %add3A_913 = arith.addi %add3A_910, %add3A_912 : vector<16xi32>
        tpu.vector_store_idx %arg9[%add3A_913], %mul3A_905 : memref<81920xf32, #tpu.memory_space<vmem>>[vector<16xi32>], vector<16xf32>,
        %shift_left3A_914 = arith.constant 8 : i32
        %shift_left3A_915 = vector.broadcast %shift_left3A_914 : i32 to vector<16xi32>
        %shift_left3A_916 = arith.shli %get3A_876, %shift_left3A_915 : vector<16xi32>
        %shift_right_arithmetic3A_917 = arith.constant 24 : i32
        %shift_right_arithmetic3A_918 = vector.broadcast %shift_right_arithmetic3A_917 : i32 to vector<16xi32>
        %shift_right_arithmetic3A_919 = arith.shrsi %shift_left3A_916, %shift_right_arithmetic3A_918 : vector<16xi32>
        %convert_element_type3A_920 = arith.sitofp %shift_right_arithmetic3A_919 : vector<16xi32> to vector<16xf32>
        %mul3A_921 = arith.mulf %convert_element_type3A_920, %broadcast_in_dim3A_879 : vector<16xf32>
        %mul3A_922 = arith.constant 4 : i32
        %mul3A_923 = vector.broadcast %mul3A_922 : i32 to vector<16xi32>
        %mul3A_924 = arith.muli %mul3A_923, %iota3A : vector<16xi32>
        %add3A_925 = vector.broadcast %mul3A_881 : i32 to vector<16xi32>
        %add3A_926 = arith.addi %add3A_925, %mul3A_924 : vector<16xi32>
        %add3A_927 = arith.constant 2 : i32
        %add3A_928 = vector.broadcast %add3A_927 : i32 to vector<16xi32>
        %add3A_929 = arith.addi %add3A_926, %add3A_928 : vector<16xi32>
        tpu.vector_store_idx %arg9[%add3A_929], %mul3A_921 : memref<81920xf32, #tpu.memory_space<vmem>>[vector<16xi32>], vector<16xf32>,
        %shift_right_arithmetic3A_930 = arith.constant 24 : i32
        %shift_right_arithmetic3A_931 = vector.broadcast %shift_right_arithmetic3A_930 : i32 to vector<16xi32>
        %shift_right_arithmetic3A_932 = arith.shrsi %get3A_876, %shift_right_arithmetic3A_931 : vector<16xi32>
        %convert_element_type3A_933 = arith.sitofp %shift_right_arithmetic3A_932 : vector<16xi32> to vector<16xf32>
        %mul3A_934 = arith.mulf %convert_element_type3A_933, %broadcast_in_dim3A_879 : vector<16xf32>
        %mul3A_935 = arith.constant 4 : i32
        %mul3A_936 = vector.broadcast %mul3A_935 : i32 to vector<16xi32>
        %mul3A_937 = arith.muli %mul3A_936, %iota3A : vector<16xi32>
        %add3A_938 = vector.broadcast %mul3A_881 : i32 to vector<16xi32>
        %add3A_939 = arith.addi %add3A_938, %mul3A_937 : vector<16xi32>
        %add3A_940 = arith.constant 3 : i32
        %add3A_941 = vector.broadcast %add3A_940 : i32 to vector<16xi32>
        %add3A_942 = arith.addi %add3A_939, %add3A_941 : vector<16xi32>
        tpu.vector_store_idx %arg9[%add3A_942], %mul3A_934 : memref<81920xf32, #tpu.memory_space<vmem>>[vector<16xi32>], vector<16xf32>,
        %add3A_943 = arith.constant 9 : i32
        %add3A_944 = arith.addi %mul3A_306, %add3A_943 : i32
        %get3A_945 = arith.index_cast %add3A_944 : i32 to index
        %get3A_946 = arith.constant 0 : index
        %get3A_947 = tpu.vector_load %arg7[%get3A_945, %get3A_946] {strides = array<i32>} : memref<1280x16xi32, #tpu.memory_space<vmem>>, vector<16xi32>,
        %slice3A_948 = vector.extract_strided_slice %mul3A_309 {offsets = [9], sizes = [1], strides = [1]} : vector<16xf32> to vector<1xf32>
        %squeeze3A_949 = vector.extract %slice3A_948[0] : f32 from vector<1xf32>
        %broadcast_in_dim3A_950 = vector.broadcast %squeeze3A_949 : f32 to vector<16xf32>
        %mul3A_951 = arith.constant 64 : i32
        %mul3A_952 = arith.muli %add3A_944, %mul3A_951 : i32
        %shift_left3A_953 = arith.constant 24 : i32
        %shift_left3A_954 = vector.broadcast %shift_left3A_953 : i32 to vector<16xi32>
        %shift_left3A_955 = arith.shli %get3A_947, %shift_left3A_954 : vector<16xi32>
        %shift_right_arithmetic3A_956 = arith.constant 24 : i32
        %shift_right_arithmetic3A_957 = vector.broadcast %shift_right_arithmetic3A_956 : i32 to vector<16xi32>
        %shift_right_arithmetic3A_958 = arith.shrsi %shift_left3A_955, %shift_right_arithmetic3A_957 : vector<16xi32>
        %convert_element_type3A_959 = arith.sitofp %shift_right_arithmetic3A_958 : vector<16xi32> to vector<16xf32>
        %mul3A_960 = arith.mulf %convert_element_type3A_959, %broadcast_in_dim3A_950 : vector<16xf32>
        %mul3A_961 = arith.constant 4 : i32
        %mul3A_962 = vector.broadcast %mul3A_961 : i32 to vector<16xi32>
        %mul3A_963 = arith.muli %mul3A_962, %iota3A : vector<16xi32>
        %add3A_964 = vector.broadcast %mul3A_952 : i32 to vector<16xi32>
        %add3A_965 = arith.addi %add3A_964, %mul3A_963 : vector<16xi32>
        %add3A_966 = arith.constant 0 : i32
        %add3A_967 = vector.broadcast %add3A_966 : i32 to vector<16xi32>
        %add3A_968 = arith.addi %add3A_965, %add3A_967 : vector<16xi32>
        tpu.vector_store_idx %arg9[%add3A_968], %mul3A_960 : memref<81920xf32, #tpu.memory_space<vmem>>[vector<16xi32>], vector<16xf32>,
        %shift_left3A_969 = arith.constant 16 : i32
        %shift_left3A_970 = vector.broadcast %shift_left3A_969 : i32 to vector<16xi32>
        %shift_left3A_971 = arith.shli %get3A_947, %shift_left3A_970 : vector<16xi32>
        %shift_right_arithmetic3A_972 = arith.constant 24 : i32
        %shift_right_arithmetic3A_973 = vector.broadcast %shift_right_arithmetic3A_972 : i32 to vector<16xi32>
        %shift_right_arithmetic3A_974 = arith.shrsi %shift_left3A_971, %shift_right_arithmetic3A_973 : vector<16xi32>
        %convert_element_type3A_975 = arith.sitofp %shift_right_arithmetic3A_974 : vector<16xi32> to vector<16xf32>
        %mul3A_976 = arith.mulf %convert_element_type3A_975, %broadcast_in_dim3A_950 : vector<16xf32>
        %mul3A_977 = arith.constant 4 : i32
        %mul3A_978 = vector.broadcast %mul3A_977 : i32 to vector<16xi32>
        %mul3A_979 = arith.muli %mul3A_978, %iota3A : vector<16xi32>
        %add3A_980 = vector.broadcast %mul3A_952 : i32 to vector<16xi32>
        %add3A_981 = arith.addi %add3A_980, %mul3A_979 : vector<16xi32>
        %add3A_982 = arith.constant 1 : i32
        %add3A_983 = vector.broadcast %add3A_982 : i32 to vector<16xi32>
        %add3A_984 = arith.addi %add3A_981, %add3A_983 : vector<16xi32>
        tpu.vector_store_idx %arg9[%add3A_984], %mul3A_976 : memref<81920xf32, #tpu.memory_space<vmem>>[vector<16xi32>], vector<16xf32>,
        %shift_left3A_985 = arith.constant 8 : i32
        %shift_left3A_986 = vector.broadcast %shift_left3A_985 : i32 to vector<16xi32>
        %shift_left3A_987 = arith.shli %get3A_947, %shift_left3A_986 : vector<16xi32>
        %shift_right_arithmetic3A_988 = arith.constant 24 : i32
        %shift_right_arithmetic3A_989 = vector.broadcast %shift_right_arithmetic3A_988 : i32 to vector<16xi32>
        %shift_right_arithmetic3A_990 = arith.shrsi %shift_left3A_987, %shift_right_arithmetic3A_989 : vector<16xi32>
        %convert_element_type3A_991 = arith.sitofp %shift_right_arithmetic3A_990 : vector<16xi32> to vector<16xf32>
        %mul3A_992 = arith.mulf %convert_element_type3A_991, %broadcast_in_dim3A_950 : vector<16xf32>
        %mul3A_993 = arith.constant 4 : i32
        %mul3A_994 = vector.broadcast %mul3A_993 : i32 to vector<16xi32>
        %mul3A_995 = arith.muli %mul3A_994, %iota3A : vector<16xi32>
        %add3A_996 = vector.broadcast %mul3A_952 : i32 to vector<16xi32>
        %add3A_997 = arith.addi %add3A_996, %mul3A_995 : vector<16xi32>
        %add3A_998 = arith.constant 2 : i32
        %add3A_999 = vector.broadcast %add3A_998 : i32 to vector<16xi32>
        %add3A_1000 = arith.addi %add3A_997, %add3A_999 : vector<16xi32>
        tpu.vector_store_idx %arg9[%add3A_1000], %mul3A_992 : memref<81920xf32, #tpu.memory_space<vmem>>[vector<16xi32>], vector<16xf32>,
        %shift_right_arithmetic3A_1001 = arith.constant 24 : i32
        %shift_right_arithmetic3A_1002 = vector.broadcast %shift_right_arithmetic3A_1001 : i32 to vector<16xi32>
        %shift_right_arithmetic3A_1003 = arith.shrsi %get3A_947, %shift_right_arithmetic3A_1002 : vector<16xi32>
        %convert_element_type3A_1004 = arith.sitofp %shift_right_arithmetic3A_1003 : vector<16xi32> to vector<16xf32>
        %mul3A_1005 = arith.mulf %convert_element_type3A_1004, %broadcast_in_dim3A_950 : vector<16xf32>
        %mul3A_1006 = arith.constant 4 : i32
        %mul3A_1007 = vector.broadcast %mul3A_1006 : i32 to vector<16xi32>
        %mul3A_1008 = arith.muli %mul3A_1007, %iota3A : vector<16xi32>
        %add3A_1009 = vector.broadcast %mul3A_952 : i32 to vector<16xi32>
        %add3A_1010 = arith.addi %add3A_1009, %mul3A_1008 : vector<16xi32>
        %add3A_1011 = arith.constant 3 : i32
        %add3A_1012 = vector.broadcast %add3A_1011 : i32 to vector<16xi32>
        %add3A_1013 = arith.addi %add3A_1010, %add3A_1012 : vector<16xi32>
        tpu.vector_store_idx %arg9[%add3A_1013], %mul3A_1005 : memref<81920xf32, #tpu.memory_space<vmem>>[vector<16xi32>], vector<16xf32>,
        %add3A_1014 = arith.constant 10 : i32
        %add3A_1015 = arith.addi %mul3A_306, %add3A_1014 : i32
        %get3A_1016 = arith.index_cast %add3A_1015 : i32 to index
        %get3A_1017 = arith.constant 0 : index
        %get3A_1018 = tpu.vector_load %arg7[%get3A_1016, %get3A_1017] {strides = array<i32>} : memref<1280x16xi32, #tpu.memory_space<vmem>>, vector<16xi32>,
        %slice3A_1019 = vector.extract_strided_slice %mul3A_309 {offsets = [10], sizes = [1], strides = [1]} : vector<16xf32> to vector<1xf32>
        %squeeze3A_1020 = vector.extract %slice3A_1019[0] : f32 from vector<1xf32>
        %broadcast_in_dim3A_1021 = vector.broadcast %squeeze3A_1020 : f32 to vector<16xf32>
        %mul3A_1022 = arith.constant 64 : i32
        %mul3A_1023 = arith.muli %add3A_1015, %mul3A_1022 : i32
        %shift_left3A_1024 = arith.constant 24 : i32
        %shift_left3A_1025 = vector.broadcast %shift_left3A_1024 : i32 to vector<16xi32>
        %shift_left3A_1026 = arith.shli %get3A_1018, %shift_left3A_1025 : vector<16xi32>
        %shift_right_arithmetic3A_1027 = arith.constant 24 : i32
        %shift_right_arithmetic3A_1028 = vector.broadcast %shift_right_arithmetic3A_1027 : i32 to vector<16xi32>
        %shift_right_arithmetic3A_1029 = arith.shrsi %shift_left3A_1026, %shift_right_arithmetic3A_1028 : vector<16xi32>
        %convert_element_type3A_1030 = arith.sitofp %shift_right_arithmetic3A_1029 : vector<16xi32> to vector<16xf32>
        %mul3A_1031 = arith.mulf %convert_element_type3A_1030, %broadcast_in_dim3A_1021 : vector<16xf32>
        %mul3A_1032 = arith.constant 4 : i32
        %mul3A_1033 = vector.broadcast %mul3A_1032 : i32 to vector<16xi32>
        %mul3A_1034 = arith.muli %mul3A_1033, %iota3A : vector<16xi32>
        %add3A_1035 = vector.broadcast %mul3A_1023 : i32 to vector<16xi32>
        %add3A_1036 = arith.addi %add3A_1035, %mul3A_1034 : vector<16xi32>
        %add3A_1037 = arith.constant 0 : i32
        %add3A_1038 = vector.broadcast %add3A_1037 : i32 to vector<16xi32>
        %add3A_1039 = arith.addi %add3A_1036, %add3A_1038 : vector<16xi32>
        tpu.vector_store_idx %arg9[%add3A_1039], %mul3A_1031 : memref<81920xf32, #tpu.memory_space<vmem>>[vector<16xi32>], vector<16xf32>,
        %shift_left3A_1040 = arith.constant 16 : i32
        %shift_left3A_1041 = vector.broadcast %shift_left3A_1040 : i32 to vector<16xi32>
        %shift_left3A_1042 = arith.shli %get3A_1018, %shift_left3A_1041 : vector<16xi32>
        %shift_right_arithmetic3A_1043 = arith.constant 24 : i32
        %shift_right_arithmetic3A_1044 = vector.broadcast %shift_right_arithmetic3A_1043 : i32 to vector<16xi32>
        %shift_right_arithmetic3A_1045 = arith.shrsi %shift_left3A_1042, %shift_right_arithmetic3A_1044 : vector<16xi32>
        %convert_element_type3A_1046 = arith.sitofp %shift_right_arithmetic3A_1045 : vector<16xi32> to vector<16xf32>
        %mul3A_1047 = arith.mulf %convert_element_type3A_1046, %broadcast_in_dim3A_1021 : vector<16xf32>
        %mul3A_1048 = arith.constant 4 : i32
        %mul3A_1049 = vector.broadcast %mul3A_1048 : i32 to vector<16xi32>
        %mul3A_1050 = arith.muli %mul3A_1049, %iota3A : vector<16xi32>
        %add3A_1051 = vector.broadcast %mul3A_1023 : i32 to vector<16xi32>
        %add3A_1052 = arith.addi %add3A_1051, %mul3A_1050 : vector<16xi32>
        %add3A_1053 = arith.constant 1 : i32
        %add3A_1054 = vector.broadcast %add3A_1053 : i32 to vector<16xi32>
        %add3A_1055 = arith.addi %add3A_1052, %add3A_1054 : vector<16xi32>
        tpu.vector_store_idx %arg9[%add3A_1055], %mul3A_1047 : memref<81920xf32, #tpu.memory_space<vmem>>[vector<16xi32>], vector<16xf32>,
        %shift_left3A_1056 = arith.constant 8 : i32
        %shift_left3A_1057 = vector.broadcast %shift_left3A_1056 : i32 to vector<16xi32>
        %shift_left3A_1058 = arith.shli %get3A_1018, %shift_left3A_1057 : vector<16xi32>
        %shift_right_arithmetic3A_1059 = arith.constant 24 : i32
        %shift_right_arithmetic3A_1060 = vector.broadcast %shift_right_arithmetic3A_1059 : i32 to vector<16xi32>
        %shift_right_arithmetic3A_1061 = arith.shrsi %shift_left3A_1058, %shift_right_arithmetic3A_1060 : vector<16xi32>
        %convert_element_type3A_1062 = arith.sitofp %shift_right_arithmetic3A_1061 : vector<16xi32> to vector<16xf32>
        %mul3A_1063 = arith.mulf %convert_element_type3A_1062, %broadcast_in_dim3A_1021 : vector<16xf32>
        %mul3A_1064 = arith.constant 4 : i32
        %mul3A_1065 = vector.broadcast %mul3A_1064 : i32 to vector<16xi32>
        %mul3A_1066 = arith.muli %mul3A_1065, %iota3A : vector<16xi32>
        %add3A_1067 = vector.broadcast %mul3A_1023 : i32 to vector<16xi32>
        %add3A_1068 = arith.addi %add3A_1067, %mul3A_1066 : vector<16xi32>
        %add3A_1069 = arith.constant 2 : i32
        %add3A_1070 = vector.broadcast %add3A_1069 : i32 to vector<16xi32>
        %add3A_1071 = arith.addi %add3A_1068, %add3A_1070 : vector<16xi32>
        tpu.vector_store_idx %arg9[%add3A_1071], %mul3A_1063 : memref<81920xf32, #tpu.memory_space<vmem>>[vector<16xi32>], vector<16xf32>,
        %shift_right_arithmetic3A_1072 = arith.constant 24 : i32
        %shift_right_arithmetic3A_1073 = vector.broadcast %shift_right_arithmetic3A_1072 : i32 to vector<16xi32>
        %shift_right_arithmetic3A_1074 = arith.shrsi %get3A_1018, %shift_right_arithmetic3A_1073 : vector<16xi32>
        %convert_element_type3A_1075 = arith.sitofp %shift_right_arithmetic3A_1074 : vector<16xi32> to vector<16xf32>
        %mul3A_1076 = arith.mulf %convert_element_type3A_1075, %broadcast_in_dim3A_1021 : vector<16xf32>
        %mul3A_1077 = arith.constant 4 : i32
        %mul3A_1078 = vector.broadcast %mul3A_1077 : i32 to vector<16xi32>
        %mul3A_1079 = arith.muli %mul3A_1078, %iota3A : vector<16xi32>
        %add3A_1080 = vector.broadcast %mul3A_1023 : i32 to vector<16xi32>
        %add3A_1081 = arith.addi %add3A_1080, %mul3A_1079 : vector<16xi32>
        %add3A_1082 = arith.constant 3 : i32
        %add3A_1083 = vector.broadcast %add3A_1082 : i32 to vector<16xi32>
        %add3A_1084 = arith.addi %add3A_1081, %add3A_1083 : vector<16xi32>
        tpu.vector_store_idx %arg9[%add3A_1084], %mul3A_1076 : memref<81920xf32, #tpu.memory_space<vmem>>[vector<16xi32>], vector<16xf32>,
        %add3A_1085 = arith.constant 11 : i32
        %add3A_1086 = arith.addi %mul3A_306, %add3A_1085 : i32
        %get3A_1087 = arith.index_cast %add3A_1086 : i32 to index
        %get3A_1088 = arith.constant 0 : index
        %get3A_1089 = tpu.vector_load %arg7[%get3A_1087, %get3A_1088] {strides = array<i32>} : memref<1280x16xi32, #tpu.memory_space<vmem>>, vector<16xi32>,
        %slice3A_1090 = vector.extract_strided_slice %mul3A_309 {offsets = [11], sizes = [1], strides = [1]} : vector<16xf32> to vector<1xf32>
        %squeeze3A_1091 = vector.extract %slice3A_1090[0] : f32 from vector<1xf32>
        %broadcast_in_dim3A_1092 = vector.broadcast %squeeze3A_1091 : f32 to vector<16xf32>
        %mul3A_1093 = arith.constant 64 : i32
        %mul3A_1094 = arith.muli %add3A_1086, %mul3A_1093 : i32
        %shift_left3A_1095 = arith.constant 24 : i32
        %shift_left3A_1096 = vector.broadcast %shift_left3A_1095 : i32 to vector<16xi32>
        %shift_left3A_1097 = arith.shli %get3A_1089, %shift_left3A_1096 : vector<16xi32>
        %shift_right_arithmetic3A_1098 = arith.constant 24 : i32
        %shift_right_arithmetic3A_1099 = vector.broadcast %shift_right_arithmetic3A_1098 : i32 to vector<16xi32>
        %shift_right_arithmetic3A_1100 = arith.shrsi %shift_left3A_1097, %shift_right_arithmetic3A_1099 : vector<16xi32>
        %convert_element_type3A_1101 = arith.sitofp %shift_right_arithmetic3A_1100 : vector<16xi32> to vector<16xf32>
        %mul3A_1102 = arith.mulf %convert_element_type3A_1101, %broadcast_in_dim3A_1092 : vector<16xf32>
        %mul3A_1103 = arith.constant 4 : i32
        %mul3A_1104 = vector.broadcast %mul3A_1103 : i32 to vector<16xi32>
        %mul3A_1105 = arith.muli %mul3A_1104, %iota3A : vector<16xi32>
        %add3A_1106 = vector.broadcast %mul3A_1094 : i32 to vector<16xi32>
        %add3A_1107 = arith.addi %add3A_1106, %mul3A_1105 : vector<16xi32>
        %add3A_1108 = arith.constant 0 : i32
        %add3A_1109 = vector.broadcast %add3A_1108 : i32 to vector<16xi32>
        %add3A_1110 = arith.addi %add3A_1107, %add3A_1109 : vector<16xi32>
        tpu.vector_store_idx %arg9[%add3A_1110], %mul3A_1102 : memref<81920xf32, #tpu.memory_space<vmem>>[vector<16xi32>], vector<16xf32>,
        %shift_left3A_1111 = arith.constant 16 : i32
        %shift_left3A_1112 = vector.broadcast %shift_left3A_1111 : i32 to vector<16xi32>
        %shift_left3A_1113 = arith.shli %get3A_1089, %shift_left3A_1112 : vector<16xi32>
        %shift_right_arithmetic3A_1114 = arith.constant 24 : i32
        %shift_right_arithmetic3A_1115 = vector.broadcast %shift_right_arithmetic3A_1114 : i32 to vector<16xi32>
        %shift_right_arithmetic3A_1116 = arith.shrsi %shift_left3A_1113, %shift_right_arithmetic3A_1115 : vector<16xi32>
        %convert_element_type3A_1117 = arith.sitofp %shift_right_arithmetic3A_1116 : vector<16xi32> to vector<16xf32>
        %mul3A_1118 = arith.mulf %convert_element_type3A_1117, %broadcast_in_dim3A_1092 : vector<16xf32>
        %mul3A_1119 = arith.constant 4 : i32
        %mul3A_1120 = vector.broadcast %mul3A_1119 : i32 to vector<16xi32>
        %mul3A_1121 = arith.muli %mul3A_1120, %iota3A : vector<16xi32>
        %add3A_1122 = vector.broadcast %mul3A_1094 : i32 to vector<16xi32>
        %add3A_1123 = arith.addi %add3A_1122, %mul3A_1121 : vector<16xi32>
        %add3A_1124 = arith.constant 1 : i32
        %add3A_1125 = vector.broadcast %add3A_1124 : i32 to vector<16xi32>
        %add3A_1126 = arith.addi %add3A_1123, %add3A_1125 : vector<16xi32>
        tpu.vector_store_idx %arg9[%add3A_1126], %mul3A_1118 : memref<81920xf32, #tpu.memory_space<vmem>>[vector<16xi32>], vector<16xf32>,
        %shift_left3A_1127 = arith.constant 8 : i32
        %shift_left3A_1128 = vector.broadcast %shift_left3A_1127 : i32 to vector<16xi32>
        %shift_left3A_1129 = arith.shli %get3A_1089, %shift_left3A_1128 : vector<16xi32>
        %shift_right_arithmetic3A_1130 = arith.constant 24 : i32
        %shift_right_arithmetic3A_1131 = vector.broadcast %shift_right_arithmetic3A_1130 : i32 to vector<16xi32>
        %shift_right_arithmetic3A_1132 = arith.shrsi %shift_left3A_1129, %shift_right_arithmetic3A_1131 : vector<16xi32>
        %convert_element_type3A_1133 = arith.sitofp %shift_right_arithmetic3A_1132 : vector<16xi32> to vector<16xf32>
        %mul3A_1134 = arith.mulf %convert_element_type3A_1133, %broadcast_in_dim3A_1092 : vector<16xf32>
        %mul3A_1135 = arith.constant 4 : i32
        %mul3A_1136 = vector.broadcast %mul3A_1135 : i32 to vector<16xi32>
        %mul3A_1137 = arith.muli %mul3A_1136, %iota3A : vector<16xi32>
        %add3A_1138 = vector.broadcast %mul3A_1094 : i32 to vector<16xi32>
        %add3A_1139 = arith.addi %add3A_1138, %mul3A_1137 : vector<16xi32>
        %add3A_1140 = arith.constant 2 : i32
        %add3A_1141 = vector.broadcast %add3A_1140 : i32 to vector<16xi32>
        %add3A_1142 = arith.addi %add3A_1139, %add3A_1141 : vector<16xi32>
        tpu.vector_store_idx %arg9[%add3A_1142], %mul3A_1134 : memref<81920xf32, #tpu.memory_space<vmem>>[vector<16xi32>], vector<16xf32>,
        %shift_right_arithmetic3A_1143 = arith.constant 24 : i32
        %shift_right_arithmetic3A_1144 = vector.broadcast %shift_right_arithmetic3A_1143 : i32 to vector<16xi32>
        %shift_right_arithmetic3A_1145 = arith.shrsi %get3A_1089, %shift_right_arithmetic3A_1144 : vector<16xi32>
        %convert_element_type3A_1146 = arith.sitofp %shift_right_arithmetic3A_1145 : vector<16xi32> to vector<16xf32>
        %mul3A_1147 = arith.mulf %convert_element_type3A_1146, %broadcast_in_dim3A_1092 : vector<16xf32>
        %mul3A_1148 = arith.constant 4 : i32
        %mul3A_1149 = vector.broadcast %mul3A_1148 : i32 to vector<16xi32>
        %mul3A_1150 = arith.muli %mul3A_1149, %iota3A : vector<16xi32>
        %add3A_1151 = vector.broadcast %mul3A_1094 : i32 to vector<16xi32>
        %add3A_1152 = arith.addi %add3A_1151, %mul3A_1150 : vector<16xi32>
        %add3A_1153 = arith.constant 3 : i32
        %add3A_1154 = vector.broadcast %add3A_1153 : i32 to vector<16xi32>
        %add3A_1155 = arith.addi %add3A_1152, %add3A_1154 : vector<16xi32>
        tpu.vector_store_idx %arg9[%add3A_1155], %mul3A_1147 : memref<81920xf32, #tpu.memory_space<vmem>>[vector<16xi32>], vector<16xf32>,
        %add3A_1156 = arith.constant 12 : i32
        %add3A_1157 = arith.addi %mul3A_306, %add3A_1156 : i32
        %get3A_1158 = arith.index_cast %add3A_1157 : i32 to index
        %get3A_1159 = arith.constant 0 : index
        %get3A_1160 = tpu.vector_load %arg7[%get3A_1158, %get3A_1159] {strides = array<i32>} : memref<1280x16xi32, #tpu.memory_space<vmem>>, vector<16xi32>,
        %slice3A_1161 = vector.extract_strided_slice %mul3A_309 {offsets = [12], sizes = [1], strides = [1]} : vector<16xf32> to vector<1xf32>
        %squeeze3A_1162 = vector.extract %slice3A_1161[0] : f32 from vector<1xf32>
        %broadcast_in_dim3A_1163 = vector.broadcast %squeeze3A_1162 : f32 to vector<16xf32>
        %mul3A_1164 = arith.constant 64 : i32
        %mul3A_1165 = arith.muli %add3A_1157, %mul3A_1164 : i32
        %shift_left3A_1166 = arith.constant 24 : i32
        %shift_left3A_1167 = vector.broadcast %shift_left3A_1166 : i32 to vector<16xi32>
        %shift_left3A_1168 = arith.shli %get3A_1160, %shift_left3A_1167 : vector<16xi32>
        %shift_right_arithmetic3A_1169 = arith.constant 24 : i32
        %shift_right_arithmetic3A_1170 = vector.broadcast %shift_right_arithmetic3A_1169 : i32 to vector<16xi32>
        %shift_right_arithmetic3A_1171 = arith.shrsi %shift_left3A_1168, %shift_right_arithmetic3A_1170 : vector<16xi32>
        %convert_element_type3A_1172 = arith.sitofp %shift_right_arithmetic3A_1171 : vector<16xi32> to vector<16xf32>
        %mul3A_1173 = arith.mulf %convert_element_type3A_1172, %broadcast_in_dim3A_1163 : vector<16xf32>
        %mul3A_1174 = arith.constant 4 : i32
        %mul3A_1175 = vector.broadcast %mul3A_1174 : i32 to vector<16xi32>
        %mul3A_1176 = arith.muli %mul3A_1175, %iota3A : vector<16xi32>
        %add3A_1177 = vector.broadcast %mul3A_1165 : i32 to vector<16xi32>
        %add3A_1178 = arith.addi %add3A_1177, %mul3A_1176 : vector<16xi32>
        %add3A_1179 = arith.constant 0 : i32
        %add3A_1180 = vector.broadcast %add3A_1179 : i32 to vector<16xi32>
        %add3A_1181 = arith.addi %add3A_1178, %add3A_1180 : vector<16xi32>
        tpu.vector_store_idx %arg9[%add3A_1181], %mul3A_1173 : memref<81920xf32, #tpu.memory_space<vmem>>[vector<16xi32>], vector<16xf32>,
        %shift_left3A_1182 = arith.constant 16 : i32
        %shift_left3A_1183 = vector.broadcast %shift_left3A_1182 : i32 to vector<16xi32>
        %shift_left3A_1184 = arith.shli %get3A_1160, %shift_left3A_1183 : vector<16xi32>
        %shift_right_arithmetic3A_1185 = arith.constant 24 : i32
        %shift_right_arithmetic3A_1186 = vector.broadcast %shift_right_arithmetic3A_1185 : i32 to vector<16xi32>
        %shift_right_arithmetic3A_1187 = arith.shrsi %shift_left3A_1184, %shift_right_arithmetic3A_1186 : vector<16xi32>
        %convert_element_type3A_1188 = arith.sitofp %shift_right_arithmetic3A_1187 : vector<16xi32> to vector<16xf32>
        %mul3A_1189 = arith.mulf %convert_element_type3A_1188, %broadcast_in_dim3A_1163 : vector<16xf32>
        %mul3A_1190 = arith.constant 4 : i32
        %mul3A_1191 = vector.broadcast %mul3A_1190 : i32 to vector<16xi32>
        %mul3A_1192 = arith.muli %mul3A_1191, %iota3A : vector<16xi32>
        %add3A_1193 = vector.broadcast %mul3A_1165 : i32 to vector<16xi32>
        %add3A_1194 = arith.addi %add3A_1193, %mul3A_1192 : vector<16xi32>
        %add3A_1195 = arith.constant 1 : i32
        %add3A_1196 = vector.broadcast %add3A_1195 : i32 to vector<16xi32>
        %add3A_1197 = arith.addi %add3A_1194, %add3A_1196 : vector<16xi32>
        tpu.vector_store_idx %arg9[%add3A_1197], %mul3A_1189 : memref<81920xf32, #tpu.memory_space<vmem>>[vector<16xi32>], vector<16xf32>,
        %shift_left3A_1198 = arith.constant 8 : i32
        %shift_left3A_1199 = vector.broadcast %shift_left3A_1198 : i32 to vector<16xi32>
        %shift_left3A_1200 = arith.shli %get3A_1160, %shift_left3A_1199 : vector<16xi32>
        %shift_right_arithmetic3A_1201 = arith.constant 24 : i32
        %shift_right_arithmetic3A_1202 = vector.broadcast %shift_right_arithmetic3A_1201 : i32 to vector<16xi32>
        %shift_right_arithmetic3A_1203 = arith.shrsi %shift_left3A_1200, %shift_right_arithmetic3A_1202 : vector<16xi32>
        %convert_element_type3A_1204 = arith.sitofp %shift_right_arithmetic3A_1203 : vector<16xi32> to vector<16xf32>
        %mul3A_1205 = arith.mulf %convert_element_type3A_1204, %broadcast_in_dim3A_1163 : vector<16xf32>
        %mul3A_1206 = arith.constant 4 : i32
        %mul3A_1207 = vector.broadcast %mul3A_1206 : i32 to vector<16xi32>
        %mul3A_1208 = arith.muli %mul3A_1207, %iota3A : vector<16xi32>
        %add3A_1209 = vector.broadcast %mul3A_1165 : i32 to vector<16xi32>
        %add3A_1210 = arith.addi %add3A_1209, %mul3A_1208 : vector<16xi32>
        %add3A_1211 = arith.constant 2 : i32
        %add3A_1212 = vector.broadcast %add3A_1211 : i32 to vector<16xi32>
        %add3A_1213 = arith.addi %add3A_1210, %add3A_1212 : vector<16xi32>
        tpu.vector_store_idx %arg9[%add3A_1213], %mul3A_1205 : memref<81920xf32, #tpu.memory_space<vmem>>[vector<16xi32>], vector<16xf32>,
        %shift_right_arithmetic3A_1214 = arith.constant 24 : i32
        %shift_right_arithmetic3A_1215 = vector.broadcast %shift_right_arithmetic3A_1214 : i32 to vector<16xi32>
        %shift_right_arithmetic3A_1216 = arith.shrsi %get3A_1160, %shift_right_arithmetic3A_1215 : vector<16xi32>
        %convert_element_type3A_1217 = arith.sitofp %shift_right_arithmetic3A_1216 : vector<16xi32> to vector<16xf32>
        %mul3A_1218 = arith.mulf %convert_element_type3A_1217, %broadcast_in_dim3A_1163 : vector<16xf32>
        %mul3A_1219 = arith.constant 4 : i32
        %mul3A_1220 = vector.broadcast %mul3A_1219 : i32 to vector<16xi32>
        %mul3A_1221 = arith.muli %mul3A_1220, %iota3A : vector<16xi32>
        %add3A_1222 = vector.broadcast %mul3A_1165 : i32 to vector<16xi32>
        %add3A_1223 = arith.addi %add3A_1222, %mul3A_1221 : vector<16xi32>
        %add3A_1224 = arith.constant 3 : i32
        %add3A_1225 = vector.broadcast %add3A_1224 : i32 to vector<16xi32>
        %add3A_1226 = arith.addi %add3A_1223, %add3A_1225 : vector<16xi32>
        tpu.vector_store_idx %arg9[%add3A_1226], %mul3A_1218 : memref<81920xf32, #tpu.memory_space<vmem>>[vector<16xi32>], vector<16xf32>,
        %add3A_1227 = arith.constant 13 : i32
        %add3A_1228 = arith.addi %mul3A_306, %add3A_1227 : i32
        %get3A_1229 = arith.index_cast %add3A_1228 : i32 to index
        %get3A_1230 = arith.constant 0 : index
        %get3A_1231 = tpu.vector_load %arg7[%get3A_1229, %get3A_1230] {strides = array<i32>} : memref<1280x16xi32, #tpu.memory_space<vmem>>, vector<16xi32>,
        %slice3A_1232 = vector.extract_strided_slice %mul3A_309 {offsets = [13], sizes = [1], strides = [1]} : vector<16xf32> to vector<1xf32>
        %squeeze3A_1233 = vector.extract %slice3A_1232[0] : f32 from vector<1xf32>
        %broadcast_in_dim3A_1234 = vector.broadcast %squeeze3A_1233 : f32 to vector<16xf32>
        %mul3A_1235 = arith.constant 64 : i32
        %mul3A_1236 = arith.muli %add3A_1228, %mul3A_1235 : i32
        %shift_left3A_1237 = arith.constant 24 : i32
        %shift_left3A_1238 = vector.broadcast %shift_left3A_1237 : i32 to vector<16xi32>
        %shift_left3A_1239 = arith.shli %get3A_1231, %shift_left3A_1238 : vector<16xi32>
        %shift_right_arithmetic3A_1240 = arith.constant 24 : i32
        %shift_right_arithmetic3A_1241 = vector.broadcast %shift_right_arithmetic3A_1240 : i32 to vector<16xi32>
        %shift_right_arithmetic3A_1242 = arith.shrsi %shift_left3A_1239, %shift_right_arithmetic3A_1241 : vector<16xi32>
        %convert_element_type3A_1243 = arith.sitofp %shift_right_arithmetic3A_1242 : vector<16xi32> to vector<16xf32>
        %mul3A_1244 = arith.mulf %convert_element_type3A_1243, %broadcast_in_dim3A_1234 : vector<16xf32>
        %mul3A_1245 = arith.constant 4 : i32
        %mul3A_1246 = vector.broadcast %mul3A_1245 : i32 to vector<16xi32>
        %mul3A_1247 = arith.muli %mul3A_1246, %iota3A : vector<16xi32>
        %add3A_1248 = vector.broadcast %mul3A_1236 : i32 to vector<16xi32>
        %add3A_1249 = arith.addi %add3A_1248, %mul3A_1247 : vector<16xi32>
        %add3A_1250 = arith.constant 0 : i32
        %add3A_1251 = vector.broadcast %add3A_1250 : i32 to vector<16xi32>
        %add3A_1252 = arith.addi %add3A_1249, %add3A_1251 : vector<16xi32>
        tpu.vector_store_idx %arg9[%add3A_1252], %mul3A_1244 : memref<81920xf32, #tpu.memory_space<vmem>>[vector<16xi32>], vector<16xf32>,
        %shift_left3A_1253 = arith.constant 16 : i32
        %shift_left3A_1254 = vector.broadcast %shift_left3A_1253 : i32 to vector<16xi32>
        %shift_left3A_1255 = arith.shli %get3A_1231, %shift_left3A_1254 : vector<16xi32>
        %shift_right_arithmetic3A_1256 = arith.constant 24 : i32
        %shift_right_arithmetic3A_1257 = vector.broadcast %shift_right_arithmetic3A_1256 : i32 to vector<16xi32>
        %shift_right_arithmetic3A_1258 = arith.shrsi %shift_left3A_1255, %shift_right_arithmetic3A_1257 : vector<16xi32>
        %convert_element_type3A_1259 = arith.sitofp %shift_right_arithmetic3A_1258 : vector<16xi32> to vector<16xf32>
        %mul3A_1260 = arith.mulf %convert_element_type3A_1259, %broadcast_in_dim3A_1234 : vector<16xf32>
        %mul3A_1261 = arith.constant 4 : i32
        %mul3A_1262 = vector.broadcast %mul3A_1261 : i32 to vector<16xi32>
        %mul3A_1263 = arith.muli %mul3A_1262, %iota3A : vector<16xi32>
        %add3A_1264 = vector.broadcast %mul3A_1236 : i32 to vector<16xi32>
        %add3A_1265 = arith.addi %add3A_1264, %mul3A_1263 : vector<16xi32>
        %add3A_1266 = arith.constant 1 : i32
        %add3A_1267 = vector.broadcast %add3A_1266 : i32 to vector<16xi32>
        %add3A_1268 = arith.addi %add3A_1265, %add3A_1267 : vector<16xi32>
        tpu.vector_store_idx %arg9[%add3A_1268], %mul3A_1260 : memref<81920xf32, #tpu.memory_space<vmem>>[vector<16xi32>], vector<16xf32>,
        %shift_left3A_1269 = arith.constant 8 : i32
        %shift_left3A_1270 = vector.broadcast %shift_left3A_1269 : i32 to vector<16xi32>
        %shift_left3A_1271 = arith.shli %get3A_1231, %shift_left3A_1270 : vector<16xi32>
        %shift_right_arithmetic3A_1272 = arith.constant 24 : i32
        %shift_right_arithmetic3A_1273 = vector.broadcast %shift_right_arithmetic3A_1272 : i32 to vector<16xi32>
        %shift_right_arithmetic3A_1274 = arith.shrsi %shift_left3A_1271, %shift_right_arithmetic3A_1273 : vector<16xi32>
        %convert_element_type3A_1275 = arith.sitofp %shift_right_arithmetic3A_1274 : vector<16xi32> to vector<16xf32>
        %mul3A_1276 = arith.mulf %convert_element_type3A_1275, %broadcast_in_dim3A_1234 : vector<16xf32>
        %mul3A_1277 = arith.constant 4 : i32
        %mul3A_1278 = vector.broadcast %mul3A_1277 : i32 to vector<16xi32>
        %mul3A_1279 = arith.muli %mul3A_1278, %iota3A : vector<16xi32>
        %add3A_1280 = vector.broadcast %mul3A_1236 : i32 to vector<16xi32>
        %add3A_1281 = arith.addi %add3A_1280, %mul3A_1279 : vector<16xi32>
        %add3A_1282 = arith.constant 2 : i32
        %add3A_1283 = vector.broadcast %add3A_1282 : i32 to vector<16xi32>
        %add3A_1284 = arith.addi %add3A_1281, %add3A_1283 : vector<16xi32>
        tpu.vector_store_idx %arg9[%add3A_1284], %mul3A_1276 : memref<81920xf32, #tpu.memory_space<vmem>>[vector<16xi32>], vector<16xf32>,
        %shift_right_arithmetic3A_1285 = arith.constant 24 : i32
        %shift_right_arithmetic3A_1286 = vector.broadcast %shift_right_arithmetic3A_1285 : i32 to vector<16xi32>
        %shift_right_arithmetic3A_1287 = arith.shrsi %get3A_1231, %shift_right_arithmetic3A_1286 : vector<16xi32>
        %convert_element_type3A_1288 = arith.sitofp %shift_right_arithmetic3A_1287 : vector<16xi32> to vector<16xf32>
        %mul3A_1289 = arith.mulf %convert_element_type3A_1288, %broadcast_in_dim3A_1234 : vector<16xf32>
        %mul3A_1290 = arith.constant 4 : i32
        %mul3A_1291 = vector.broadcast %mul3A_1290 : i32 to vector<16xi32>
        %mul3A_1292 = arith.muli %mul3A_1291, %iota3A : vector<16xi32>
        %add3A_1293 = vector.broadcast %mul3A_1236 : i32 to vector<16xi32>
        %add3A_1294 = arith.addi %add3A_1293, %mul3A_1292 : vector<16xi32>
        %add3A_1295 = arith.constant 3 : i32
        %add3A_1296 = vector.broadcast %add3A_1295 : i32 to vector<16xi32>
        %add3A_1297 = arith.addi %add3A_1294, %add3A_1296 : vector<16xi32>
        tpu.vector_store_idx %arg9[%add3A_1297], %mul3A_1289 : memref<81920xf32, #tpu.memory_space<vmem>>[vector<16xi32>], vector<16xf32>,
        %add3A_1298 = arith.constant 14 : i32
        %add3A_1299 = arith.addi %mul3A_306, %add3A_1298 : i32
        %get3A_1300 = arith.index_cast %add3A_1299 : i32 to index
        %get3A_1301 = arith.constant 0 : index
        %get3A_1302 = tpu.vector_load %arg7[%get3A_1300, %get3A_1301] {strides = array<i32>} : memref<1280x16xi32, #tpu.memory_space<vmem>>, vector<16xi32>,
        %slice3A_1303 = vector.extract_strided_slice %mul3A_309 {offsets = [14], sizes = [1], strides = [1]} : vector<16xf32> to vector<1xf32>
        %squeeze3A_1304 = vector.extract %slice3A_1303[0] : f32 from vector<1xf32>
        %broadcast_in_dim3A_1305 = vector.broadcast %squeeze3A_1304 : f32 to vector<16xf32>
        %mul3A_1306 = arith.constant 64 : i32
        %mul3A_1307 = arith.muli %add3A_1299, %mul3A_1306 : i32
        %shift_left3A_1308 = arith.constant 24 : i32
        %shift_left3A_1309 = vector.broadcast %shift_left3A_1308 : i32 to vector<16xi32>
        %shift_left3A_1310 = arith.shli %get3A_1302, %shift_left3A_1309 : vector<16xi32>
        %shift_right_arithmetic3A_1311 = arith.constant 24 : i32
        %shift_right_arithmetic3A_1312 = vector.broadcast %shift_right_arithmetic3A_1311 : i32 to vector<16xi32>
        %shift_right_arithmetic3A_1313 = arith.shrsi %shift_left3A_1310, %shift_right_arithmetic3A_1312 : vector<16xi32>
        %convert_element_type3A_1314 = arith.sitofp %shift_right_arithmetic3A_1313 : vector<16xi32> to vector<16xf32>
        %mul3A_1315 = arith.mulf %convert_element_type3A_1314, %broadcast_in_dim3A_1305 : vector<16xf32>
        %mul3A_1316 = arith.constant 4 : i32
        %mul3A_1317 = vector.broadcast %mul3A_1316 : i32 to vector<16xi32>
        %mul3A_1318 = arith.muli %mul3A_1317, %iota3A : vector<16xi32>
        %add3A_1319 = vector.broadcast %mul3A_1307 : i32 to vector<16xi32>
        %add3A_1320 = arith.addi %add3A_1319, %mul3A_1318 : vector<16xi32>
        %add3A_1321 = arith.constant 0 : i32
        %add3A_1322 = vector.broadcast %add3A_1321 : i32 to vector<16xi32>
        %add3A_1323 = arith.addi %add3A_1320, %add3A_1322 : vector<16xi32>
        tpu.vector_store_idx %arg9[%add3A_1323], %mul3A_1315 : memref<81920xf32, #tpu.memory_space<vmem>>[vector<16xi32>], vector<16xf32>,
        %shift_left3A_1324 = arith.constant 16 : i32
        %shift_left3A_1325 = vector.broadcast %shift_left3A_1324 : i32 to vector<16xi32>
        %shift_left3A_1326 = arith.shli %get3A_1302, %shift_left3A_1325 : vector<16xi32>
        %shift_right_arithmetic3A_1327 = arith.constant 24 : i32
        %shift_right_arithmetic3A_1328 = vector.broadcast %shift_right_arithmetic3A_1327 : i32 to vector<16xi32>
        %shift_right_arithmetic3A_1329 = arith.shrsi %shift_left3A_1326, %shift_right_arithmetic3A_1328 : vector<16xi32>
        %convert_element_type3A_1330 = arith.sitofp %shift_right_arithmetic3A_1329 : vector<16xi32> to vector<16xf32>
        %mul3A_1331 = arith.mulf %convert_element_type3A_1330, %broadcast_in_dim3A_1305 : vector<16xf32>
        %mul3A_1332 = arith.constant 4 : i32
        %mul3A_1333 = vector.broadcast %mul3A_1332 : i32 to vector<16xi32>
        %mul3A_1334 = arith.muli %mul3A_1333, %iota3A : vector<16xi32>
        %add3A_1335 = vector.broadcast %mul3A_1307 : i32 to vector<16xi32>
        %add3A_1336 = arith.addi %add3A_1335, %mul3A_1334 : vector<16xi32>
        %add3A_1337 = arith.constant 1 : i32
        %add3A_1338 = vector.broadcast %add3A_1337 : i32 to vector<16xi32>
        %add3A_1339 = arith.addi %add3A_1336, %add3A_1338 : vector<16xi32>
        tpu.vector_store_idx %arg9[%add3A_1339], %mul3A_1331 : memref<81920xf32, #tpu.memory_space<vmem>>[vector<16xi32>], vector<16xf32>,
        %shift_left3A_1340 = arith.constant 8 : i32
        %shift_left3A_1341 = vector.broadcast %shift_left3A_1340 : i32 to vector<16xi32>
        %shift_left3A_1342 = arith.shli %get3A_1302, %shift_left3A_1341 : vector<16xi32>
        %shift_right_arithmetic3A_1343 = arith.constant 24 : i32
        %shift_right_arithmetic3A_1344 = vector.broadcast %shift_right_arithmetic3A_1343 : i32 to vector<16xi32>
        %shift_right_arithmetic3A_1345 = arith.shrsi %shift_left3A_1342, %shift_right_arithmetic3A_1344 : vector<16xi32>
        %convert_element_type3A_1346 = arith.sitofp %shift_right_arithmetic3A_1345 : vector<16xi32> to vector<16xf32>
        %mul3A_1347 = arith.mulf %convert_element_type3A_1346, %broadcast_in_dim3A_1305 : vector<16xf32>
        %mul3A_1348 = arith.constant 4 : i32
        %mul3A_1349 = vector.broadcast %mul3A_1348 : i32 to vector<16xi32>
        %mul3A_1350 = arith.muli %mul3A_1349, %iota3A : vector<16xi32>
        %add3A_1351 = vector.broadcast %mul3A_1307 : i32 to vector<16xi32>
        %add3A_1352 = arith.addi %add3A_1351, %mul3A_1350 : vector<16xi32>
        %add3A_1353 = arith.constant 2 : i32
        %add3A_1354 = vector.broadcast %add3A_1353 : i32 to vector<16xi32>
        %add3A_1355 = arith.addi %add3A_1352, %add3A_1354 : vector<16xi32>
        tpu.vector_store_idx %arg9[%add3A_1355], %mul3A_1347 : memref<81920xf32, #tpu.memory_space<vmem>>[vector<16xi32>], vector<16xf32>,
        %shift_right_arithmetic3A_1356 = arith.constant 24 : i32
        %shift_right_arithmetic3A_1357 = vector.broadcast %shift_right_arithmetic3A_1356 : i32 to vector<16xi32>
        %shift_right_arithmetic3A_1358 = arith.shrsi %get3A_1302, %shift_right_arithmetic3A_1357 : vector<16xi32>
        %convert_element_type3A_1359 = arith.sitofp %shift_right_arithmetic3A_1358 : vector<16xi32> to vector<16xf32>
        %mul3A_1360 = arith.mulf %convert_element_type3A_1359, %broadcast_in_dim3A_1305 : vector<16xf32>
        %mul3A_1361 = arith.constant 4 : i32
        %mul3A_1362 = vector.broadcast %mul3A_1361 : i32 to vector<16xi32>
        %mul3A_1363 = arith.muli %mul3A_1362, %iota3A : vector<16xi32>
        %add3A_1364 = vector.broadcast %mul3A_1307 : i32 to vector<16xi32>
        %add3A_1365 = arith.addi %add3A_1364, %mul3A_1363 : vector<16xi32>
        %add3A_1366 = arith.constant 3 : i32
        %add3A_1367 = vector.broadcast %add3A_1366 : i32 to vector<16xi32>
        %add3A_1368 = arith.addi %add3A_1365, %add3A_1367 : vector<16xi32>
        tpu.vector_store_idx %arg9[%add3A_1368], %mul3A_1360 : memref<81920xf32, #tpu.memory_space<vmem>>[vector<16xi32>], vector<16xf32>,
        %add3A_1369 = arith.constant 15 : i32
        %add3A_1370 = arith.addi %mul3A_306, %add3A_1369 : i32
        %get3A_1371 = arith.index_cast %add3A_1370 : i32 to index
        %get3A_1372 = arith.constant 0 : index
        %get3A_1373 = tpu.vector_load %arg7[%get3A_1371, %get3A_1372] {strides = array<i32>} : memref<1280x16xi32, #tpu.memory_space<vmem>>, vector<16xi32>,
        %slice3A_1374 = vector.extract_strided_slice %mul3A_309 {offsets = [15], sizes = [1], strides = [1]} : vector<16xf32> to vector<1xf32>
        %squeeze3A_1375 = vector.extract %slice3A_1374[0] : f32 from vector<1xf32>
        %broadcast_in_dim3A_1376 = vector.broadcast %squeeze3A_1375 : f32 to vector<16xf32>
        %mul3A_1377 = arith.constant 64 : i32
        %mul3A_1378 = arith.muli %add3A_1370, %mul3A_1377 : i32
        %shift_left3A_1379 = arith.constant 24 : i32
        %shift_left3A_1380 = vector.broadcast %shift_left3A_1379 : i32 to vector<16xi32>
        %shift_left3A_1381 = arith.shli %get3A_1373, %shift_left3A_1380 : vector<16xi32>
        %shift_right_arithmetic3A_1382 = arith.constant 24 : i32
        %shift_right_arithmetic3A_1383 = vector.broadcast %shift_right_arithmetic3A_1382 : i32 to vector<16xi32>
        %shift_right_arithmetic3A_1384 = arith.shrsi %shift_left3A_1381, %shift_right_arithmetic3A_1383 : vector<16xi32>
        %convert_element_type3A_1385 = arith.sitofp %shift_right_arithmetic3A_1384 : vector<16xi32> to vector<16xf32>
        %mul3A_1386 = arith.mulf %convert_element_type3A_1385, %broadcast_in_dim3A_1376 : vector<16xf32>
        %mul3A_1387 = arith.constant 4 : i32
        %mul3A_1388 = vector.broadcast %mul3A_1387 : i32 to vector<16xi32>
        %mul3A_1389 = arith.muli %mul3A_1388, %iota3A : vector<16xi32>
        %add3A_1390 = vector.broadcast %mul3A_1378 : i32 to vector<16xi32>
        %add3A_1391 = arith.addi %add3A_1390, %mul3A_1389 : vector<16xi32>
        %add3A_1392 = arith.constant 0 : i32
        %add3A_1393 = vector.broadcast %add3A_1392 : i32 to vector<16xi32>
        %add3A_1394 = arith.addi %add3A_1391, %add3A_1393 : vector<16xi32>
        tpu.vector_store_idx %arg9[%add3A_1394], %mul3A_1386 : memref<81920xf32, #tpu.memory_space<vmem>>[vector<16xi32>], vector<16xf32>,
        %shift_left3A_1395 = arith.constant 16 : i32
        %shift_left3A_1396 = vector.broadcast %shift_left3A_1395 : i32 to vector<16xi32>
        %shift_left3A_1397 = arith.shli %get3A_1373, %shift_left3A_1396 : vector<16xi32>
        %shift_right_arithmetic3A_1398 = arith.constant 24 : i32
        %shift_right_arithmetic3A_1399 = vector.broadcast %shift_right_arithmetic3A_1398 : i32 to vector<16xi32>
        %shift_right_arithmetic3A_1400 = arith.shrsi %shift_left3A_1397, %shift_right_arithmetic3A_1399 : vector<16xi32>
        %convert_element_type3A_1401 = arith.sitofp %shift_right_arithmetic3A_1400 : vector<16xi32> to vector<16xf32>
        %mul3A_1402 = arith.mulf %convert_element_type3A_1401, %broadcast_in_dim3A_1376 : vector<16xf32>
        %mul3A_1403 = arith.constant 4 : i32
        %mul3A_1404 = vector.broadcast %mul3A_1403 : i32 to vector<16xi32>
        %mul3A_1405 = arith.muli %mul3A_1404, %iota3A : vector<16xi32>
        %add3A_1406 = vector.broadcast %mul3A_1378 : i32 to vector<16xi32>
        %add3A_1407 = arith.addi %add3A_1406, %mul3A_1405 : vector<16xi32>
        %add3A_1408 = arith.constant 1 : i32
        %add3A_1409 = vector.broadcast %add3A_1408 : i32 to vector<16xi32>
        %add3A_1410 = arith.addi %add3A_1407, %add3A_1409 : vector<16xi32>
        tpu.vector_store_idx %arg9[%add3A_1410], %mul3A_1402 : memref<81920xf32, #tpu.memory_space<vmem>>[vector<16xi32>], vector<16xf32>,
        %shift_left3A_1411 = arith.constant 8 : i32
        %shift_left3A_1412 = vector.broadcast %shift_left3A_1411 : i32 to vector<16xi32>
        %shift_left3A_1413 = arith.shli %get3A_1373, %shift_left3A_1412 : vector<16xi32>
        %shift_right_arithmetic3A_1414 = arith.constant 24 : i32
        %shift_right_arithmetic3A_1415 = vector.broadcast %shift_right_arithmetic3A_1414 : i32 to vector<16xi32>
        %shift_right_arithmetic3A_1416 = arith.shrsi %shift_left3A_1413, %shift_right_arithmetic3A_1415 : vector<16xi32>
        %convert_element_type3A_1417 = arith.sitofp %shift_right_arithmetic3A_1416 : vector<16xi32> to vector<16xf32>
        %mul3A_1418 = arith.mulf %convert_element_type3A_1417, %broadcast_in_dim3A_1376 : vector<16xf32>
        %mul3A_1419 = arith.constant 4 : i32
        %mul3A_1420 = vector.broadcast %mul3A_1419 : i32 to vector<16xi32>
        %mul3A_1421 = arith.muli %mul3A_1420, %iota3A : vector<16xi32>
        %add3A_1422 = vector.broadcast %mul3A_1378 : i32 to vector<16xi32>
        %add3A_1423 = arith.addi %add3A_1422, %mul3A_1421 : vector<16xi32>
        %add3A_1424 = arith.constant 2 : i32
        %add3A_1425 = vector.broadcast %add3A_1424 : i32 to vector<16xi32>
        %add3A_1426 = arith.addi %add3A_1423, %add3A_1425 : vector<16xi32>
        tpu.vector_store_idx %arg9[%add3A_1426], %mul3A_1418 : memref<81920xf32, #tpu.memory_space<vmem>>[vector<16xi32>], vector<16xf32>,
        %shift_right_arithmetic3A_1427 = arith.constant 24 : i32
        %shift_right_arithmetic3A_1428 = vector.broadcast %shift_right_arithmetic3A_1427 : i32 to vector<16xi32>
        %shift_right_arithmetic3A_1429 = arith.shrsi %get3A_1373, %shift_right_arithmetic3A_1428 : vector<16xi32>
        %convert_element_type3A_1430 = arith.sitofp %shift_right_arithmetic3A_1429 : vector<16xi32> to vector<16xf32>
        %mul3A_1431 = arith.mulf %convert_element_type3A_1430, %broadcast_in_dim3A_1376 : vector<16xf32>
        %mul3A_1432 = arith.constant 4 : i32
        %mul3A_1433 = vector.broadcast %mul3A_1432 : i32 to vector<16xi32>
        %mul3A_1434 = arith.muli %mul3A_1433, %iota3A : vector<16xi32>
        %add3A_1435 = vector.broadcast %mul3A_1378 : i32 to vector<16xi32>
        %add3A_1436 = arith.addi %add3A_1435, %mul3A_1434 : vector<16xi32>
        %add3A_1437 = arith.constant 3 : i32
        %add3A_1438 = vector.broadcast %add3A_1437 : i32 to vector<16xi32>
        %add3A_1439 = arith.addi %add3A_1436, %add3A_1438 : vector<16xi32>
        tpu.vector_store_idx %arg9[%add3A_1439], %mul3A_1431 : memref<81920xf32, #tpu.memory_space<vmem>>[vector<16xi32>], vector<16xf32>,
        %scan3A_1440 = arith.constant 0 : i32
        scf.yield %scan3A_1440 : i32
      }
      %scan3A_299 = arith.constant 80 : i32
      %mul3A_300 = arith.constant 64 : i32
      %mul3A_301 = arith.muli %add3A_13, %mul3A_300 : i32
      "tpu.region"() ({
        %run_scoped3A = tpu.sem_alloc : memref<!tpu.dma_semaphore, #tpu.memory_space<semaphore_mem>>
        %dma_start3A_303 = tpu.memref_slice %arg5[%mul3A_301] : memref<13107200xf32, #tpu.memory_space<hbm>> -> memref<81920xf32, #tpu.memory_space<hbm>>
        %dma_start3A_304 = tpu.memref_slice %arg5[%mul3A_301] : memref<13107200xf32, #tpu.memory_space<hbm>> -> memref<81920xf32, #tpu.memory_space<hbm>>
        tpu.enqueue_dma source(%arg9 : memref<81920xf32, #tpu.memory_space<vmem>>) target(%dma_start3A_304 : memref<81920xf32, #tpu.memory_space<hbm>>) target_semaphore(%run_scoped3A : memref<!tpu.dma_semaphore, #tpu.memory_space<semaphore_mem>>)
        %dma_wait3A_305 = tpu.memref_slice %arg5[%mul3A_301] : memref<13107200xf32, #tpu.memory_space<hbm>> -> memref<81920xf32, #tpu.memory_space<hbm>>
        %dma_wait3A_306 = tpu.memref_slice %arg5[%mul3A_301] : memref<13107200xf32, #tpu.memory_space<hbm>> -> memref<81920xf32, #tpu.memory_space<hbm>>
        tpu.wait_dma2 semaphore(%run_scoped3A : memref<!tpu.dma_semaphore, #tpu.memory_space<semaphore_mem>>) src(%arg9 : memref<81920xf32, #tpu.memory_space<vmem>>) dst(%dma_wait3A_306 : memref<81920xf32, #tpu.memory_space<hbm>>)
        tpu.yield
      }) : () -> ()
      %scan3A_302 = arith.constant 0 : i32
      scf.yield %scan3A_302 : i32
    }
    %scan3A_6 = arith.constant 5 : i32
    return
  }
}

module attributes {stable_mosaic.version = 14 : i64} {
  func.func @_repack_kernel(%arg0: i32, %arg1: memref<1000x512xi8, #tpu.memory_space<vmem>>, %arg2: memref<1000x128xi32, #tpu.memory_space<vmem>>) attributes {dimension_semantics = [#tpu.dimension_semantics<arbitrary>], iteration_bounds = array<i64: 125>, scalar_prefetch = 0 : i64, scratch_operands = 0 : i64, tpu.core_type = #tpu.core_type<tc>, window_params = [{transform_indices = @transform_0, window_bounds = array<i64: 1000, 512>}, {transform_indices = @transform_1, window_bounds = array<i64: 1000, 128>}]} {
    %get3A = arith.constant 0 : index
    %get3A_0 = arith.constant 0 : index
    %get3A_1 = vector.load %arg1[%get3A, %get3A_0] : memref<1000x512xi8, #tpu.memory_space<vmem>>, vector<1000x512xi8>
    %convert_element_type3A = arith.extsi %get3A_1 : vector<1000x512xi8> to vector<1000x512xi32>
    %and3A = arith.constant 255 : i32
    %and3A_2 = vector.broadcast %and3A : i32 to vector<1000x512xi32>
    %and3A_3 = arith.andi %convert_element_type3A, %and3A_2 : vector<1000x512xi32>
    %convert_element_type3A_4 = arith.sitofp %and3A_3 : vector<1000x512xi32> to vector<1000x512xf32>
    %iota3A = tpu.iota {dimensions = array<i32: 0>} : vector<512x128xi32>
    %iota3A_5 = tpu.iota {dimensions = array<i32: 1>} : vector<512x128xi32>
    %mul3A = arith.constant 4 : i32
    %mul3A_6 = vector.broadcast %mul3A : i32 to vector<512x128xi32>
    %mul3A_7 = arith.muli %iota3A_5, %mul3A_6 : vector<512x128xi32>
    %eq3A = arith.cmpi eq, %iota3A, %mul3A_7 : vector<512x128xi32>
    %add3A = arith.constant 1 : i32
    %add3A_8 = vector.broadcast %add3A : i32 to vector<512x128xi32>
    %add3A_9 = arith.addi %mul3A_7, %add3A_8 : vector<512x128xi32>
    %eq3A_10 = arith.cmpi eq, %iota3A, %add3A_9 : vector<512x128xi32>
    %convert_element_type3A_11 = arith.extui %eq3A_10 : vector<512x128xi1> to vector<512x128xi32>
    %mul3A_12 = arith.constant 256 : i32
    %mul3A_13 = vector.broadcast %mul3A_12 : i32 to vector<512x128xi32>
    %mul3A_14 = arith.muli %convert_element_type3A_11, %mul3A_13 : vector<512x128xi32>
    %convert_element_type3A_15 = arith.extui %eq3A : vector<512x128xi1> to vector<512x128xi32>
    %add3A_16 = arith.addi %convert_element_type3A_15, %mul3A_14 : vector<512x128xi32>
    %convert_element_type3A_17 = arith.sitofp %add3A_16 : vector<512x128xi32> to vector<512x128xf32>
    %add3A_18 = arith.constant 2 : i32
    %add3A_19 = vector.broadcast %add3A_18 : i32 to vector<512x128xi32>
    %add3A_20 = arith.addi %mul3A_7, %add3A_19 : vector<512x128xi32>
    %eq3A_21 = arith.cmpi eq, %iota3A, %add3A_20 : vector<512x128xi32>
    %add3A_22 = arith.constant 3 : i32
    %add3A_23 = vector.broadcast %add3A_22 : i32 to vector<512x128xi32>
    %add3A_24 = arith.addi %mul3A_7, %add3A_23 : vector<512x128xi32>
    %eq3A_25 = arith.cmpi eq, %iota3A, %add3A_24 : vector<512x128xi32>
    %convert_element_type3A_26 = arith.extui %eq3A_25 : vector<512x128xi1> to vector<512x128xi32>
    %mul3A_27 = arith.constant 256 : i32
    %mul3A_28 = vector.broadcast %mul3A_27 : i32 to vector<512x128xi32>
    %mul3A_29 = arith.muli %convert_element_type3A_26, %mul3A_28 : vector<512x128xi32>
    %convert_element_type3A_30 = arith.extui %eq3A_21 : vector<512x128xi1> to vector<512x128xi32>
    %add3A_31 = arith.addi %convert_element_type3A_30, %mul3A_29 : vector<512x128xi32>
    %convert_element_type3A_32 = arith.sitofp %add3A_31 : vector<512x128xi32> to vector<512x128xf32>
    %dot_general3A = arith.constant dense<0.000000e+00> : vector<1000x128xf32>
    %dot_general3A_33 = tpu.matmul %convert_element_type3A_4, %convert_element_type3A_17, %dot_general3A {dimension_numbers = #tpu.dot_dimension_numbers<[1], [0], [0], [1], [0, 0, 1, 1], [], []>, transpose_lhs_hint = false} : vector<1000x512xf32>, vector<512x128xf32>, vector<1000x128xf32> -> vector<1000x128xf32>
    %dot_general3A_34 = arith.constant dense<0.000000e+00> : vector<1000x128xf32>
    %dot_general3A_35 = tpu.matmul %convert_element_type3A_4, %convert_element_type3A_32, %dot_general3A_34 {dimension_numbers = #tpu.dot_dimension_numbers<[1], [0], [0], [1], [0, 0, 1, 1], [], []>, transpose_lhs_hint = false} : vector<1000x512xf32>, vector<512x128xf32>, vector<1000x128xf32> -> vector<1000x128xf32>
    %convert_element_type3A_36 = arith.fptosi %dot_general3A_33 : vector<1000x128xf32> to vector<1000x128xi32>
    %convert_element_type3A_37 = arith.fptosi %dot_general3A_35 : vector<1000x128xf32> to vector<1000x128xi32>
    %shift_left3A = arith.constant 16 : i32
    %shift_left3A_38 = vector.broadcast %shift_left3A : i32 to vector<1000x128xi32>
    %shift_left3A_39 = arith.shli %convert_element_type3A_37, %shift_left3A_38 : vector<1000x128xi32>
    %or3A = arith.ori %convert_element_type3A_36, %shift_left3A_39 : vector<1000x128xi32>
    %swap3A = arith.constant 0 : index
    %swap3A_40 = arith.constant 0 : index
    %swap3A_41 = vector.load %arg2[%swap3A, %swap3A_40] : memref<1000x128xi32, #tpu.memory_space<vmem>>, vector<1000x128xi32>
    tpu.vector_store %arg2[%swap3A, %swap3A_40], %or3A {strides = array<i32>} : memref<1000x128xi32, #tpu.memory_space<vmem>>, vector<1000x128xi32>,
    return
  }
  func.func @transform_0(%arg0: i32) -> (i32, i32) {
    %c0_i32 = arith.constant 0 : i32
    %c0_i32_0 = arith.constant 0 : i32
    return %arg0, %c0_i32 : i32, i32
  }
  func.func @transform_1(%arg0: i32) -> (i32, i32) {
    %c0_i32 = arith.constant 0 : i32
    %c0_i32_0 = arith.constant 0 : i32
    return %arg0, %c0_i32 : i32, i32
  }
}

</mosaic_0001>

<sc_bundles>
// kernel: kernel.4.cloned.1.call-start
scs
__scs_entry_jumppad:
0x0: {  	(pc) =	sbr.rel $0x88, $3  }
0x1: {  	(tag) =	ssettag $0x0;
	lr =	simm.s32 $0x1  }
0x2: {  	[smem:$0x3F9E] =	sst lr;
	_ =	strace $0xD0000000  }
0x3: {  	_ = 	snop  }
0x4: {  	_ = 	snop  }
0x5: {  	_ = 	snop  }
0x6: {  	_ = 	snop  }
0x7: {  	_ = 	snop  }
__scs_overlays_trampoline_lowered:
0x8: {  	[smem:$0x3FAD] =	sst s0  }
0x9: {  	[smem:$0x3FAE] =	sst s1  }
0xa: {  	[smem:$0x3FAF] =	sst s2  }
0xb: {  	[smem:$0x3FB0] =	sst s3  }
0xc: {  	[smem:$0x3FB1] =	sst s4  }
0xd: {  	[smem:$0x3FB2] =	sst s5  }
0xe: {  	[smem:$0x3FB3] =	sst s6  }
0xf: {  	[smem:$0x3FB4] =	sst s7  }
0x10: {  	[smem:$0x3FB5] =	sst s8  }
0x11: {  	[smem:$0x3FB6] =	sst s9;
	s0 =	simm.s32 @!p0 $0x0  }
0x12: {  	s1 =	sld [smem:$0x3F9C];
	s0 =	simm.s32 @p0 $0x1  }
0x13: {  	[smem:$0x3FB7] =	sst s0;
	s0 =	simm.s32 @!p1 $0x0  }
0x14: {  	s2 =	sld [smem:$0x3F9B];
	s0 =	simm.s32 @p1 $0x1  }
0x15: {  	[smem:$0x3FB8] =	sst s0;
	s0 =	simm.s32 @!p2 $0x0  }
0x16: {  	s3 =	sld [smem:$0x3FDB];
	s0 =	simm.s32 @p2 $0x1  }
0x17: {  	s4 =	simm.s32 $0x1BF5;
	[smem:$0x3FBA] =	sst s0  }
0x18: {  	s0 =	sld [smem:$0x3F9D];
	_ =	swait.ge [sflag:s4], $0x0  }
0x19: {  	s7 =	sld [smem:$0x3F9E]  }
0x1a: {  	s8 =	sadd.s32 $0xFFFFE003, lr  }
0x1b: {  	s9 =	sadd.s32 $0xFFFFFEF7, lr;
	s5 =	simm.s32 $0xFFFFFFFF;
	p2 =	slt.u32 s8, $0xFFFFF086  }
0x1c: {  	p1 =	slt.u32 s9, $0xF7A;
	s5 =	simm.s32 @!p2 $0x0  }
0x1d: {  	s5 =	simm.s32 @p1 $0x1;
	p0 =	seq.s32 s7, s2  }
0x1e: {  	s7 =	smul.u32 @!p0 $0xF7A, s2;
	p2 =	seq.s32 @!p0 s5, $0x0  }
0x1f: {  	s9 =	smul.u32 $0xF7A, s1;
	s8 =	simm.s32 @!p0 $0x1BF5;
	p2 =	por !p2, p0  }
0x20: {  	[sflag:s8] =	ssyncset.s32 @!p0 $0xFFFFF086;
	s6 =	sadd.s32 @!p0 s3, s7;
	s7 =	simm.s32 @!p0 $0x108  }
0x21: {  	s3 =	sadd.s32 s3, s9;
	s6 =	sadd.s32 @!p0 $0x88, s6;
	s7 =	simm.s32 @p2 $0x1082  }
0x22: {  	[simem:s7], [sflag:s8] =	dma.local @!p0 [hbm:s6], $0xF7A  }
0x23: {  	s9 =	sor.u32 $0xD0000000, s2;
	s6 =	simm.s32 $0x108;
	_ =	swait.ge @!p0 [sflag:s8], $0x0  }
0x24: {  	s3 =	sadd.s32 $0x88, s3;
	s6 =	simm.s32 @!p1 $0x1082;
	[sflag:s4] =	ssyncset.s32 $0xFFFFF086  }
0x25: {  	[simem:s6], [sflag:s4] =	dma.local [hbm:s3], $0xF7A  }
0x26: {  	[smem:$0x3F9E] =	sst s1;
	(tag) =	ssettag s2;
	_ =	strace s9  }
0x27: {  	s1 =	sld [smem:$0x3FAE]  }
0x28: {  	s2 =	sld [smem:$0x3FAF]  }
0x29: {  	s4 =	sld [smem:$0x3FB1]  }
0x2a: {  	p0 =	seq.s32 s5, $0x0;
	s5 =	sld [smem:$0x3FB2]  }
0x2b: {  	s6 =	sld [smem:$0x3FB3]  }
0x2c: {  	s7 =	sld [smem:$0x3FB4]  }
0x2d: {  	s3 =	simm.s32 $0x108;
	s8 =	sld [smem:$0x3FB5]  }
0x2e: {  	s3 =	simm.s32 @!p0 $0x1082;
	s9 =	sld [smem:$0x3FB6]  }
0x2f: {  	lr =	sadd.s32 s0, s3;
	s0 =	sld [smem:$0x3FAD]  }
0x30: {  	s3 =	sld [smem:$0x3FB0]  }
0x31: {  	[smem:$0x3FB9] =	sst s10  }
0x32: {  	s10 =	sld [smem:$0x3FB7];
	_ =	sdelay $0x3  }
0x33: {  	p0 =	seq.s32 s10, $0x1;
	s10 =	sld [smem:$0x3FB9];
	_ =	sdelay $0x3  }
0x34: {  	[smem:$0x3FB9] =	sst s10  }
0x35: {  	s10 =	sld [smem:$0x3FB8];
	_ =	sdelay $0x3  }
0x36: {  	p1 =	seq.s32 s10, $0x1;
	s10 =	sld [smem:$0x3FB9];
	_ =	sdelay $0x3  }
0x37: {  	[smem:$0x3FB9] =	sst s10  }
0x38: {  	s10 =	sld [smem:$0x3FBA]  }
0x39: {  	_ = 	snop;
	(pc) =	sbr.ind lr, $3  }
0x3a: {  	_ = 	snop  }
0x3b: {  	_ = 	snop  }
0x3c: {  	p2 =	seq.s32 s10, $0x1;
	s10 =	sld [smem:$0x3FB9]  }
0x3d: {  	_ =	shalt  }
0x3e: {  	_ =	shalt  }
0x3f: {  	_ =	shalt  }
0x40: {  	_ =	shalt  }
0x41: {  	_ =	shalt  }
0x42: {  	_ =	shalt  }
0x43: {  	_ =	shalt  }
0x44: {  	_ =	shalt  }
0x45: {  	_ =	shalt  }
0x46: {  	_ =	shalt  }
0x47: {  	_ =	shalt  }
0x48: {  	_ =	shalt  }
0x49: {  	_ =	shalt  }
0x4a: {  	_ =	shalt  }
0x4b: {  	_ =	shalt  }
0x4c: {  	_ =	shalt  }
0x4d: {  	_ =	shalt  }
0x4e: {  	_ =	shalt  }
0x4f: {  	_ =	shalt  }
0x50: {  	_ =	shalt  }
0x51: {  	_ =	shalt  }
0x52: {  	_ =	shalt  }
0x53: {  	_ =	shalt  }
0x54: {  	_ =	shalt  }
0x55: {  	_ =	shalt  }
0x56: {  	_ =	shalt  }
0x57: {  	_ =	shalt  }
0x58: {  	_ =	shalt  }
0x59: {  	_ =	shalt  }
0x5a: {  	_ =	shalt  }
0x5b: {  	_ =	shalt  }
0x5c: {  	_ =	shalt  }
0x5d: {  	_ =	shalt  }
0x5e: {  	_ =	shalt  }
0x5f: {  	_ =	shalt  }
0x60: {  	_ =	shalt  }
0x61: {  	_ =	shalt  }
0x62: {  	_ =	shalt  }
0x63: {  	_ =	shalt  }
0x64: {  	_ =	shalt  }
0x65: {  	_ =	shalt  }
0x66: {  	_ =	shalt  }
0x67: {  	_ =	shalt  }
0x68: {  	_ =	shalt  }
0x69: {  	_ =	shalt  }
0x6a: {  	_ =	shalt  }
0x6b: {  	_ =	shalt  }
0x6c: {  	_ =	shalt  }
0x6d: {  	_ =	shalt  }
0x6e: {  	_ =	shalt  }
0x6f: {  	_ =	shalt  }
0x70: {  	_ =	shalt  }
0x71: {  	_ =	shalt  }
0x72: {  	_ =	shalt  }
0x73: {  	_ =	shalt  }
0x74: {  	_ =	shalt  }
0x75: {  	_ =	shalt  }
0x76: {  	_ =	shalt  }
0x77: {  	_ =	shalt  }
0x78: {  	_ =	shalt  }
0x79: {  	_ =	shalt  }
0x7a: {  	_ =	shalt  }
0x7b: {  	_ =	shalt  }
0x7c: {  	_ =	shalt  }
0x7d: {  	_ =	shalt  }
0x7e: {  	_ =	shalt  }
0x7f: {  	_ =	shalt  }
0x80: {  	_ =	shalt  }
0x81: {  	_ =	shalt  }
0x82: {  	_ =	shalt  }
0x83: {  	_ =	shalt  }
0x84: {  	_ =	shalt  }
0x85: {  	_ =	shalt  }
0x86: {  	_ =	shalt  }
0x87: {  	_ =	shalt  }
.Lfunc_end0:
.L_simem_size_0:
called_computation.1_lowered:
.L_overlay_start_0:
0x88: {  	s2 =	sld [smem:$0x3FD9]  }
0x89: {  	s3 =	sld [smem:$0x3FFE];
	_ =	sdelay $0x1  }
0x8a: {  	s1 =	srdreg.scid  }
0x8b: {  	s0 =	sand.u32 $0x1, s1  }
0x8c: {  	s17 =	sshll.u32 s0, $0xA;
	s2 =	sadd.s32 s3, s2  }
0x8d: {  	s2 =	sadd.s32 s2, s17  }
0x8e: {  	[smem:$0x3FC5] =	sst s2  }
0x8f: {  	_ = 	snop  }
0x90: {  	s2 =	sld [smem:$0x3FC7]  }
0x91: {  	s18 =	sld [smem:$0x3FD0];
	(tm) =	ssettm $0x1  }
0x92: {  	s4 =	sld [smem:$0x3FFB];
	_ =	sdelay $0x3  }
0x93: {  	_ =	strace s4  }
0x94: {  	s4 =	sld [smem:$0x3FFC];
	_ =	sdelay $0x3  }
0x95: {  	_ =	strace s4  }
0x96: {  	s4 =	sld [smem:$0x3FFD];
	_ =	sdelay $0x3  }
0x97: {  	_ =	strace s4  }
0x98: {  	_ =	strace $0x8FFFFFFF  }
0x99: {  	s19 =	sld [smem:$0x3FDB];
	_ =	sdelay $0x1  }
0x9a: {  	s5 =	simm.s32 $_scs_section_size  }
0x9b: {  	s6 =	simm.s32 $_size__tile_overlayer_lowered;
	s7 =	simm.s32 $_tile_overlayer_lowered  }
0x9c: {  	s22 =	simm.s32 $0x1BFF;
	s21 =	sshll.u32 s7, $0x1;
	s4 =	sadd.s32 s5, s19  }
0x9d: {  	s8 =	simm.s32 $0x0;
	s20 =	sshll.u32 s6, $0x1;
	s6 =	sadd.s32 s21, s4  }
0x9e: {  	[timem:s8], [sflag:s22] =	dma.local [hbm:s6], s20  }
0x9f: {  	_ =	swait.ge [sflag:s22], s20  }
0xa0: {  	s5 =	ssub.s32 $0x0, s20;
	[sflag:s22] =	ssyncset.done $0x0  }
0xa1: {  	[sflag:s22] =	ssyncadd.s32 s5;
	_ =	sdelay $0x1  }
0xa2: {  	s23 =	simm.s32 $0x1B8B  }
0xa3: {  	_ =	swait.ge [sflag:s23], $0x1  }
0xa4: {  	[sflag:s23] =	ssyncset.done $0x0  }
0xa5: {  	s25 =	simm.s32 $0x1B8E;
	s24 =	sld [smem:$0x3FFE];
	[sflag:s23] =	ssyncadd.s32 $0xFFFFFFFF  }
0xa6: {  	s26 =	simm.s32 $execute0_lowered;
	[smem:$0x3FD2] =	sst s25  }
0xa7: {  	s6 =	sshll.u32 s26, $0x1;
	_ =	strace $0x80000046;
	[dreg:$0x1] =	wrdreg $0xFFFFFFFF  }
0xa8: {  	s28 =	simm.s32 $_size_execute0_lowered;
	s4 =	sadd.s32 s4, s6;
	[dreg:$0x0] =	wrdreg $0x0  }
0xa9: {  	s6 =	sshll.u32 s28, $0x1;
	[dreg:$0x2] =	wrdreg s4  }
0xaa: {  	[dreg:$0x3] =	wrdreg s6  }
0xab: {  	[dreg:$0x4] =	wrdreg $0xC0  }
0xac: {  	_ =	task [dreg:s8], $0x5FFFF  }
0xad: {  	[dreg:$0x1] =	wrdreg $0xFFFFFFFF  }
0xae: {  	[dreg:$0x0] =	wrdreg $0x60  }
0xaf: {  	[dreg:$0x2] =	wrdreg s24  }
0xb0: {  	[dreg:$0x3] =	wrdreg s2  }
0xb1: {  	[dreg:$0x4] =	wrdreg s18  }
0xb2: {  	[dreg:$0x5] =	wrdreg $0x9  }
0xb3: {  	_ =	task.clear_ibuf [dreg:s8], $0x6FFFF;
	_ =	strace $0x90000046  }
0xb4: {  	s29 =	simm.s32 $0x9;
	_ =	strace $0x80000048  }
0xb5: {  	_ =	swait.ge [sflag:s29], $0x1  }
0xb6: {  	[sflag:s29] =	ssyncadd.s32 $0xFFFFFFFF  }
0xb7: {  	_ =	strace $0x90000048  }
0xb8: {  	_ =	sfence  }
0xb9: {  	s30 =	sld [smem:$0x0];
	_ =	sdelay $0x2  }
0xba: {  	s31 =	sshll.u32 s1, $0xD;
	s1 =	sshrl.u32 s1, $0x2  }
0xbb: {  	s3 =	sand.u32 $0x4000, s31;
	s1 =	sadd.s32 s1, s30  }
0xbc: {  	s0 =	sor.u32 s3, s0;
	s1 =	sshll.u32 s1, $0x11  }
0xbd: {  	s0 =	sor.u32 s1, s0  }
0xbe: {  	s0 =	sadd.s32 $0x8F2B, s0  }
0xbf: {  	[sflag:s0] =	ssyncadd.remote.s32 $0x1  }
0xc0: {  	_ =	sfence.sel $0xFFFF  }
0xc1: {  	[dreg:$0x0] =	wrdreg $0xFFFFFFFF;
	(pc) =	sbr.abs _section_cstart, $3  }
0xc2: {  	[dreg:$0x1] =	wrdreg $0xFFFFFFFF  }
0xc3: {  	_ =	task.clear_ibuf [dreg:s8], $0x2FFFF;
	_ =	strace $0x9FFFFFFF  }
0xc4: {  	(tm) =	ssettm $0x7FFFFFFF  }
0xc5: {  	_ =	shalt  }
tec
execute0_lowered:
.L_overlay_start_1:
0x0: {  	(tag) =	ssettag $0x1  }
0x1: {  	s0 =	rddreg [dreg:$0x0]  }
0x2: {  	s1 =	rddreg [dreg:$0x1]  }
0x3: {  	s2 =	srdreg.scid;
	s3 =	simm.s32 $0x0;
	s5 =	stileid.u32  }
0x4: {  	s9 =	simm.s32 $0x3;
	s10 =	simm.s32 $0x80;
	s14 =	simm.s32 $0x100  }
0x5: {  	v0 =	vlaneseq.u32;
	s17 =	simm.s32 $0x180;
	s20 =	simm.s32 $0x200;
	s23 =	simm.s32 $0x280  }
0x6: {  	s26 =	simm.s32 $0x300;
	s30 =	simm.s32 $0x380;
	s31 =	simm.s32 $0x3D00;
	v1 =	vand.u32 $0x1, v0;
	v0 =	vmul.u32 $0x4, v0  }
0x7: {  	s8 =	simm.s32 $0x4500;
	s11 =	simm.s32 $0x4D00;
	s12 =	simm.s32 $0x5980;
	v19 =	vmul.u32 $0x4, v1  }
0x8: {  	s13 =	simm.s32 $0x1;
	s15 =	simm.s32 $0x2;
	s16 =	simm.s32 $0x5A00;
	v2 =	vor.u32 $0x1, v0  }
0x9: {  	s19 =	simm.s32 $0x0;
	s2 =	sand.u32 $0x1, s2;
	[smem:$0x7FF] =	sst s3;
	v3 =	vor.u32 $0x2, v0;
	v4 =	vor.u32 $0x3, v0;
	v1 =	vor.u32 $0xFFFFFC38, v19  }
0xa: {  	s6 =	sshll.u32 s5, $0x1;
	s5 =	sadd.s32 $0x1E9000, s0;
	s28 =	ssub.s32 $0x2, s2;
	v5 =	vor.u32 $0xFFFFFC78, v19;
	v6 =	vor.u32 $0xFFFFFCB8, v19;
	v7 =	vor.u32 $0xFFFFFCF8, v19  }
0xb: {  	_ =	strace $0x80000047;
	s2 =	sor.u32 s2, s6;
	s4 =	sshrl.u32 s28, $0x1;
	v8 =	vor.u32 $0xFFFFFD38, v19;
	v9 =	vor.u32 $0xFFFFFD78, v19;
	v10 =	vor.u32 $0xFFFFFDB8, v19  }
0xc: {  	s6 =	sadd.s32 $0xA00, s0;
	s0 =	simm.s32 $0x5880;
	s3 =	ssub.s32 s28, s4;
	v11 =	vor.u32 $0xFFFFFDF8, v19;
	v12 =	vor.u32 $0xFFFFFE38, v19;
	v13 =	vor.u32 $0xFFFFFE78, v19  }
0xd: {  	s7 =	smul.u32 $0x1900, s2;
	s2 =	simm.s32 $0x5900;
	v14 =	vor.u32 $0xFFFFFEB8, v19;
	v15 =	vor.u32 $0xFFFFFEF8, v19;
	v16 =	vor.u32 $0xFFFFFF38, v19;
	s29 =	smax.u32 s3, $0x1  }
0xe: {  	s4 =	simm.s32 $0x480;
	v17 =	vor.u32 $0xFFFFFF78, v19;
	v18 =	vor.u32 $0xFFFFFFB8, v19;
	v19 =	vor.u32 $0xFFFFFFF8, v19;
	s3 =	simm.s32 $0x400;
	[dreg:$0x4] =	wrdreg s29  }
.LBB2_1:
0xf: {  	[dreg:$0x5] =	wrdreg s19;
	s18 =	simm.s32 $0x0  }
.LBB2_2:
0x10: {  	s19 =	smul.u32 $0x500, s18;
	_ =	sdelay $0x1  }
0x11: {  	s19 =	sadd.s32 s7, s19  }
0x12: {  	s21 =	sshrl.u32 s19, $0x3  }
0x13: {  	s22 =	sadd.s32 s5, s21;
	s21 =	simm.s32 $0x0  }
0x14: {  	[tilespmem:s21], [sflag:$0x3] =	stream.linear.gather [hbm4b:s22+s21], $0x500, $0x38;
	[tilespmem:$0x19A00] =	vst v63  }
0x15: {  	_ =	swait.ge [sflag:s9], $0x500  }
0x16: {  	[sflag:s9] =	ssyncset.done $0x0  }
0x17: {  	s24 =	simm.s32 $0x500;
	[sflag:s9] =	ssyncadd.s32 $0xFFFFFB00  }
0x18: {  	[tilespmem:s24], [sflag:$0x1] =	stream.indirect.gather [hbm4b:s6+s10], $0x10, s21, s10, $0xb8;
	[tilespmem:$0x19A00] =	vst v63  }
0x19: {  	s22 =	simm.s32 $0x5500  }
0x1a: {  	[tilespmem:s22], [sflag:$0x2] =	stream.indirect.gather [hbm4b:s1+s10], $0x1, s21, s10, $0xb8;
	[tilespmem:$0x19A00] =	vst v63  }
0x1b: {  	s24 =	simm.s32 $0xD00  }
0x1c: {  	[tilespmem:s24], [sflag:$0x1] =	stream.indirect.gather [hbm4b:s6+s10], $0x10, s10, s10, $0xb8;
	[tilespmem:$0x19A00] =	vst v63  }
0x1d: {  	s25 =	simm.s32 $0x5580  }
0x1e: {  	[tilespmem:s25], [sflag:$0x2] =	stream.indirect.gather [hbm4b:s1+s10], $0x1, s10, s10, $0xb8;
	[tilespmem:$0x19A00] =	vst v63  }
0x1f: {  	s28 =	simm.s32 $0x1500  }
0x20: {  	[tilespmem:s28], [sflag:$0x1] =	stream.indirect.gather [hbm4b:s6+s10], $0x10, s14, s10, $0xb8;
	[tilespmem:$0x19A00] =	vst v63  }
0x21: {  	s29 =	simm.s32 $0x5600  }
0x22: {  	[tilespmem:s29], [sflag:$0x2] =	stream.indirect.gather [hbm4b:s1+s10], $0x1, s14, s10, $0xb8;
	[tilespmem:$0x19A00] =	vst v63  }
0x23: {  	s25 =	simm.s32 $0x1D00  }
0x24: {  	[tilespmem:s25], [sflag:$0x1] =	stream.indirect.gather [hbm4b:s6+s10], $0x10, s17, s10, $0xb8;
	[tilespmem:$0x19A00] =	vst v63  }
0x25: {  	s28 =	simm.s32 $0x5680  }
0x26: {  	[tilespmem:s28], [sflag:$0x2] =	stream.indirect.gather [hbm4b:s1+s10], $0x1, s17, s10, $0xb8;
	[tilespmem:$0x19A00] =	vst v63  }
0x27: {  	s29 =	simm.s32 $0x2500  }
0x28: {  	[tilespmem:s29], [sflag:$0x1] =	stream.indirect.gather [hbm4b:s6+s10], $0x10, s20, s10, $0xb8;
	[tilespmem:$0x19A00] =	vst v63  }
0x29: {  	s25 =	simm.s32 $0x5700  }
0x2a: {  	[tilespmem:s25], [sflag:$0x2] =	stream.indirect.gather [hbm4b:s1+s10], $0x1, s20, s10, $0xb8;
	[tilespmem:$0x19A00] =	vst v63  }
0x2b: {  	s28 =	simm.s32 $0x2D00  }
0x2c: {  	[tilespmem:s28], [sflag:$0x1] =	stream.indirect.gather [hbm4b:s6+s10], $0x10, s23, s10, $0xb8;
	[tilespmem:$0x19A00] =	vst v63  }
0x2d: {  	s29 =	simm.s32 $0x5780  }
0x2e: {  	[tilespmem:s29], [sflag:$0x2] =	stream.indirect.gather [hbm4b:s1+s10], $0x1, s23, s10, $0xb8;
	[tilespmem:$0x19A00] =	vst v63  }
0x2f: {  	s25 =	simm.s32 $0x3500  }
0x30: {  	[tilespmem:s25], [sflag:$0x1] =	stream.indirect.gather [hbm4b:s6+s10], $0x10, s26, s10, $0xb8;
	[tilespmem:$0x19A00] =	vst v63  }
0x31: {  	s28 =	simm.s32 $0x5800  }
0x32: {  	[tilespmem:s28], [sflag:$0x2] =	stream.indirect.gather [hbm4b:s1+s10], $0x1, s26, s10, $0xb8;
	[tilespmem:$0x19A00] =	vst v63  }
0x33: {  	_ = 	snop  }
0x34: {  	[tilespmem:s31], [sflag:$0x1] =	stream.indirect.gather [hbm4b:s6+s10], $0x10, s30, s10, $0xb8;
	[tilespmem:$0x19A00] =	vst v63  }
0x35: {  	_ = 	snop  }
0x36: {  	[tilespmem:s0], [sflag:$0x2] =	stream.indirect.gather [hbm4b:s1+s10], $0x1, s30, s10, $0xb8;
	[tilespmem:$0x19A00] =	vst v63  }
0x37: {  	_ = 	snop  }
0x38: {  	[tilespmem:s8], [sflag:$0x1] =	stream.indirect.gather [hbm4b:s6+s10], $0x10, s3, s10, $0xb8;
	[tilespmem:$0x19A00] =	vst v63  }
0x39: {  	_ = 	snop  }
0x3a: {  	[tilespmem:s2], [sflag:$0x2] =	stream.indirect.gather [hbm4b:s1+s10], $0x1, s3, s10, $0xb8;
	[tilespmem:$0x19A00] =	vst v63  }
0x3b: {  	_ = 	snop  }
0x3c: {  	[tilespmem:s11], [sflag:$0x1] =	stream.indirect.gather [hbm4b:s6+s10], $0x10, s4, s10, $0xb8;
	[tilespmem:$0x19A00] =	vst v63  }
0x3d: {  	_ = 	snop  }
0x3e: {  	[tilespmem:s12], [sflag:$0x2] =	stream.indirect.gather [hbm4b:s1+s10], $0x1, s4, s10, $0xb8;
	[tilespmem:$0x19A00] =	vst v63  }
0x3f: {  	_ =	swait.ge [sflag:s13], $0x800  }
0x40: {  	[sflag:s13] =	ssyncset.done $0x0  }
0x41: {  	[sflag:s13] =	ssyncadd.s32 $0xFFFFF800  }
0x42: {  	_ =	swait.ge [sflag:s15], $0x80  }
0x43: {  	[sflag:s15] =	ssyncset.done $0x0  }
0x44: {  	[sflag:s15] =	ssyncadd.s32 $0xFFFFFF80  }
0x45: {  	_ =	swait.ge [sflag:s13], $0x800  }
0x46: {  	[sflag:s13] =	ssyncset.done $0x0  }
0x47: {  	[sflag:s13] =	ssyncadd.s32 $0xFFFFF800  }
0x48: {  	_ =	swait.ge [sflag:s15], $0x80  }
0x49: {  	[sflag:s15] =	ssyncset.done $0x0  }
0x4a: {  	[sflag:s15] =	ssyncadd.s32 $0xFFFFFF80  }
0x4b: {  	_ =	swait.ge [sflag:s13], $0x800  }
0x4c: {  	[sflag:s13] =	ssyncset.done $0x0  }
0x4d: {  	[sflag:s13] =	ssyncadd.s32 $0xFFFFF800  }
0x4e: {  	_ =	swait.ge [sflag:s15], $0x80  }
0x4f: {  	[sflag:s15] =	ssyncset.done $0x0  }
0x50: {  	[sflag:s15] =	ssyncadd.s32 $0xFFFFFF80  }
0x51: {  	_ =	swait.ge [sflag:s13], $0x800  }
0x52: {  	[sflag:s13] =	ssyncset.done $0x0  }
0x53: {  	[sflag:s13] =	ssyncadd.s32 $0xFFFFF800  }
0x54: {  	_ =	swait.ge [sflag:s15], $0x80  }
0x55: {  	[sflag:s15] =	ssyncset.done $0x0  }
0x56: {  	[sflag:s15] =	ssyncadd.s32 $0xFFFFFF80  }
0x57: {  	_ =	swait.ge [sflag:s13], $0x800  }
0x58: {  	[sflag:s13] =	ssyncset.done $0x0  }
0x59: {  	[sflag:s13] =	ssyncadd.s32 $0xFFFFF800  }
0x5a: {  	_ =	swait.ge [sflag:s15], $0x80  }
0x5b: {  	[sflag:s15] =	ssyncset.done $0x0  }
0x5c: {  	[sflag:s15] =	ssyncadd.s32 $0xFFFFFF80  }
0x5d: {  	_ =	swait.ge [sflag:s13], $0x800  }
0x5e: {  	[sflag:s13] =	ssyncset.done $0x0  }
0x5f: {  	[sflag:s13] =	ssyncadd.s32 $0xFFFFF800  }
0x60: {  	_ =	swait.ge [sflag:s15], $0x80  }
0x61: {  	[sflag:s15] =	ssyncset.done $0x0  }
0x62: {  	[sflag:s15] =	ssyncadd.s32 $0xFFFFFF80  }
0x63: {  	_ =	swait.ge [sflag:s13], $0x800  }
0x64: {  	[sflag:s13] =	ssyncset.done $0x0  }
0x65: {  	[sflag:s13] =	ssyncadd.s32 $0xFFFFF800  }
0x66: {  	_ =	swait.ge [sflag:s15], $0x80  }
0x67: {  	[sflag:s15] =	ssyncset.done $0x0  }
0x68: {  	[sflag:s15] =	ssyncadd.s32 $0xFFFFFF80  }
0x69: {  	_ =	swait.ge [sflag:s13], $0x800  }
0x6a: {  	[sflag:s13] =	ssyncset.done $0x0  }
0x6b: {  	[sflag:s13] =	ssyncadd.s32 $0xFFFFF800  }
0x6c: {  	_ =	swait.ge [sflag:s15], $0x80  }
0x6d: {  	[sflag:s15] =	ssyncset.done $0x0  }
0x6e: {  	[sflag:s15] =	ssyncadd.s32 $0xFFFFFF80  }
0x6f: {  	_ =	swait.ge [sflag:s13], $0x800  }
0x70: {  	[sflag:s13] =	ssyncset.done $0x0  }
0x71: {  	[sflag:s13] =	ssyncadd.s32 $0xFFFFF800  }
0x72: {  	_ =	swait.ge [sflag:s15], $0x80  }
0x73: {  	[sflag:s15] =	ssyncset.done $0x0  }
0x74: {  	[sflag:s15] =	ssyncadd.s32 $0xFFFFFF80  }
0x75: {  	_ =	swait.ge [sflag:s13], $0x800  }
0x76: {  	[sflag:s13] =	ssyncset.done $0x0  }
0x77: {  	[sflag:s13] =	ssyncadd.s32 $0xFFFFF800  }
0x78: {  	_ =	swait.ge [sflag:s15], $0x80  }
0x79: {  	[sflag:s15] =	ssyncset.done $0x0  }
0x7a: {  	s24 =	simm.s32 $0x0;
	[sflag:s15] =	ssyncadd.s32 $0xFFFFFF80  }
0x7b: {  	v21 =	vld [tilespmem:s24+$0x500]  }
0x7c: {  	v20 =	vld [tilespmem:s22+$0x0];
	_ =	sdelay $0x3  }
0x7d: {  	v22 =	vor.u32 s21, v0;
	v23 =	vor.u32 s21, v2;
	v26 =	vor.u32 s21, v3  }
0x7e: {  	v22 =	vand.u32 v1, v22;
	v24 =	vshll.u32 v21, $0x18;
	v20 =	vmul.f32 $7.874015710e-03, v20  }
0x7f: {  	v25 =	vshll.u32 v21, $0x10;
	v27 =	vshll.u32 v21, $0x8;
	v24 =	vshra.s32 v24, $0x18  }
0x80: {  	v25 =	vshra.s32 v25, $0x18;
	v28 =	vbroadcast v20, $0x0;
	v24 =	vcvt.s32.f32 v24  }
0x81: {  	v29 =	vor.u32 s21, v4;
	v27 =	vshra.s32 v27, $0x18;
	v25 =	vcvt.s32.f32 v25  }
0x82: {  	v21 =	vshra.s32 v21, $0x18;
	v27 =	vcvt.s32.f32 v27;
	v24 =	vmul.f32 v24, v28  }
0x83: {  	v21 =	vcvt.s32.f32 v21;
	v25 =	vmul.f32 v25, v28  }
0x84: {  	[tilespmem:v22+s16+$0x0] =	vst.idx.msk $0xffff, v24;
	v22 =	vmul.f32 v27, v28  }
0x85: {  	v21 =	vmul.f32 v21, v28;
	[tilespmem:v23+s16+$0x0] =	vst.idx.msk $0xffff, v25  }
0x86: {  	[tilespmem:v26+s16+$0x0] =	vst.idx.msk $0xffff, v22  }
0x87: {  	[tilespmem:v29+s16+$0x0] =	vst.idx.msk $0xffff, v21  }
0x88: {  	v21 =	vld [tilespmem:s24+$0x510];
	_ =	sdelay $0x2  }
0x89: {  	s25 =	simm.s32 $0x40  }
0x8a: {  	v24 =	vor.u32 s25, v3;
	v23 =	vor.u32 s25, v0  }
0x8b: {  	v22 =	vor.u32 s25, v2;
	v23 =	vand.u32 v5, v23;
	v25 =	vshll.u32 v21, $0x18  }
0x8c: {  	v26 =	vbroadcast v20, $0x1;
	v27 =	vshll.u32 v21, $0x10;
	v25 =	vshra.s32 v25, $0x18  }
0x8d: {  	v28 =	vshll.u32 v21, $0x8;
	v27 =	vshra.s32 v27, $0x18;
	v25 =	vcvt.s32.f32 v25  }
0x8e: {  	v29 =	vor.u32 s25, v4;
	v28 =	vshra.s32 v28, $0x18;
	v27 =	vcvt.s32.f32 v27  }
0x8f: {  	v21 =	vshra.s32 v21, $0x18;
	v28 =	vcvt.s32.f32 v28;
	v25 =	vmul.f32 v25, v26  }
0x90: {  	v21 =	vcvt.s32.f32 v21;
	v27 =	vmul.f32 v27, v26  }
0x91: {  	[tilespmem:v23+s16+$0x0] =	vst.idx.msk $0xffff, v25;
	v23 =	vmul.f32 v28, v26  }
0x92: {  	v21 =	vmul.f32 v21, v26;
	[tilespmem:v22+s16+$0x0] =	vst.idx.msk $0xffff, v27  }
0x93: {  	[tilespmem:v24+s16+$0x0] =	vst.idx.msk $0xffff, v23  }
0x94: {  	[tilespmem:v29+s16+$0x0] =	vst.idx.msk $0xffff, v21  }
0x95: {  	v21 =	vld [tilespmem:s24+$0x520];
	_ =	sdelay $0x2  }
0x96: {  	s29 =	simm.s32 $0x80  }
0x97: {  	v26 =	vbroadcast v20, $0x2;
	v22 =	vor.u32 s29, v2  }
0x98: {  	v23 =	vor.u32 s29, v0;
	v24 =	vor.u32 s29, v3;
	v25 =	vshll.u32 v21, $0x18  }
0x99: {  	v23 =	vand.u32 v6, v23;
	v27 =	vshll.u32 v21, $0x10;
	v25 =	vshra.s32 v25, $0x18  }
0x9a: {  	v28 =	vshll.u32 v21, $0x8;
	v27 =	vshra.s32 v27, $0x18;
	v25 =	vcvt.s32.f32 v25  }
0x9b: {  	v29 =	vor.u32 s29, v4;
	v28 =	vshra.s32 v28, $0x18;
	v27 =	vcvt.s32.f32 v27  }
0x9c: {  	v21 =	vshra.s32 v21, $0x18;
	v28 =	vcvt.s32.f32 v28;
	v25 =	vmul.f32 v25, v26  }
0x9d: {  	v21 =	vcvt.s32.f32 v21;
	v27 =	vmul.f32 v27, v26  }
0x9e: {  	[tilespmem:v23+s16+$0x0] =	vst.idx.msk $0xffff, v25;
	v23 =	vmul.f32 v28, v26  }
0x9f: {  	v21 =	vmul.f32 v21, v26;
	[tilespmem:v22+s16+$0x0] =	vst.idx.msk $0xffff, v27  }
0xa0: {  	[tilespmem:v24+s16+$0x0] =	vst.idx.msk $0xffff, v23  }
0xa1: {  	[tilespmem:v29+s16+$0x0] =	vst.idx.msk $0xffff, v21  }
0xa2: {  	v21 =	vld [tilespmem:s24+$0x530];
	_ =	sdelay $0x2  }
0xa3: {  	s28 =	simm.s32 $0xC0  }
0xa4: {  	v26 =	vbroadcast v20, $0x3;
	v22 =	vor.u32 s28, v2  }
0xa5: {  	v23 =	vor.u32 s28, v0;
	v24 =	vor.u32 s28, v3;
	v25 =	vshll.u32 v21, $0x18  }
0xa6: {  	v23 =	vand.u32 v7, v23;
	v27 =	vshll.u32 v21, $0x10;
	v25 =	vshra.s32 v25, $0x18  }
0xa7: {  	v28 =	vshll.u32 v21, $0x8;
	v27 =	vshra.s32 v27, $0x18;
	v25 =	vcvt.s32.f32 v25  }
0xa8: {  	v29 =	vor.u32 s28, v4;
	v28 =	vshra.s32 v28, $0x18;
	v27 =	vcvt.s32.f32 v27  }
0xa9: {  	v21 =	vshra.s32 v21, $0x18;
	v28 =	vcvt.s32.f32 v28;
	v25 =	vmul.f32 v25, v26  }
0xaa: {  	v21 =	vcvt.s32.f32 v21;
	v27 =	vmul.f32 v27, v26  }
0xab: {  	[tilespmem:v23+s16+$0x0] =	vst.idx.msk $0xffff, v25;
	v23 =	vmul.f32 v28, v26  }
0xac: {  	v21 =	vmul.f32 v21, v26;
	[tilespmem:v22+s16+$0x0] =	vst.idx.msk $0xffff, v27  }
0xad: {  	[tilespmem:v24+s16+$0x0] =	vst.idx.msk $0xffff, v23  }
0xae: {  	[tilespmem:v29+s16+$0x0] =	vst.idx.msk $0xffff, v21  }
0xaf: {  	v21 =	vld [tilespmem:s24+$0x540];
	_ =	sdelay $0x2  }
0xb0: {  	s29 =	simm.s32 $0x100  }
0xb1: {  	v26 =	vbroadcast v20, $0x4;
	v22 =	vor.u32 s29, v2  }
0xb2: {  	v23 =	vor.u32 s29, v0;
	v24 =	vor.u32 s29, v3;
	v25 =	vshll.u32 v21, $0x18  }
0xb3: {  	v23 =	vand.u32 v8, v23;
	v27 =	vshll.u32 v21, $0x10;
	v25 =	vshra.s32 v25, $0x18  }
0xb4: {  	v28 =	vshll.u32 v21, $0x8;
	v27 =	vshra.s32 v27, $0x18;
	v25 =	vcvt.s32.f32 v25  }
0xb5: {  	v29 =	vor.u32 s29, v4;
	v28 =	vshra.s32 v28, $0x18;
	v27 =	vcvt.s32.f32 v27  }
0xb6: {  	v21 =	vshra.s32 v21, $0x18;
	v28 =	vcvt.s32.f32 v28;
	v25 =	vmul.f32 v25, v26  }
0xb7: {  	v21 =	vcvt.s32.f32 v21;
	v27 =	vmul.f32 v27, v26  }
0xb8: {  	[tilespmem:v23+s16+$0x0] =	vst.idx.msk $0xffff, v25;
	v23 =	vmul.f32 v28, v26  }
0xb9: {  	v21 =	vmul.f32 v21, v26;
	[tilespmem:v22+s16+$0x0] =	vst.idx.msk $0xffff, v27  }
0xba: {  	[tilespmem:v24+s16+$0x0] =	vst.idx.msk $0xffff, v23  }
0xbb: {  	[tilespmem:v29+s16+$0x0] =	vst.idx.msk $0xffff, v21  }
0xbc: {  	v21 =	vld [tilespmem:s24+$0x550];
	_ =	sdelay $0x2  }
0xbd: {  	s28 =	simm.s32 $0x140  }
0xbe: {  	v26 =	vbroadcast v20, $0x5;
	v22 =	vor.u32 s28, v2  }
0xbf: {  	v23 =	vor.u32 s28, v0;
	v24 =	vor.u32 s28, v3;
	v25 =	vshll.u32 v21, $0x18  }
0xc0: {  	v23 =	vand.u32 v9, v23;
	v27 =	vshll.u32 v21, $0x10;
	v25 =	vshra.s32 v25, $0x18  }
0xc1: {  	v28 =	vshll.u32 v21, $0x8;
	v27 =	vshra.s32 v27, $0x18;
	v25 =	vcvt.s32.f32 v25  }
0xc2: {  	v29 =	vor.u32 s28, v4;
	v28 =	vshra.s32 v28, $0x18;
	v27 =	vcvt.s32.f32 v27  }
0xc3: {  	v21 =	vshra.s32 v21, $0x18;
	v28 =	vcvt.s32.f32 v28;
	v25 =	vmul.f32 v25, v26  }
0xc4: {  	v21 =	vcvt.s32.f32 v21;
	v27 =	vmul.f32 v27, v26  }
0xc5: {  	[tilespmem:v23+s16+$0x0] =	vst.idx.msk $0xffff, v25;
	v23 =	vmul.f32 v28, v26  }
0xc6: {  	v21 =	vmul.f32 v21, v26;
	[tilespmem:v22+s16+$0x0] =	vst.idx.msk $0xffff, v27  }
0xc7: {  	[tilespmem:v24+s16+$0x0] =	vst.idx.msk $0xffff, v23  }
0xc8: {  	[tilespmem:v29+s16+$0x0] =	vst.idx.msk $0xffff, v21  }
0xc9: {  	v21 =	vld [tilespmem:s24+$0x560];
	_ =	sdelay $0x2  }
0xca: {  	s29 =	simm.s32 $0x180  }
0xcb: {  	v26 =	vbroadcast v20, $0x6;
	v22 =	vor.u32 s29, v2  }
0xcc: {  	v23 =	vor.u32 s29, v0;
	v24 =	vor.u32 s29, v3;
	v25 =	vshll.u32 v21, $0x18  }
0xcd: {  	v23 =	vand.u32 v10, v23;
	v27 =	vshll.u32 v21, $0x10;
	v25 =	vshra.s32 v25, $0x18  }
0xce: {  	v28 =	vshll.u32 v21, $0x8;
	v27 =	vshra.s32 v27, $0x18;
	v25 =	vcvt.s32.f32 v25  }
0xcf: {  	v29 =	vor.u32 s29, v4;
	v28 =	vshra.s32 v28, $0x18;
	v27 =	vcvt.s32.f32 v27  }
0xd0: {  	v21 =	vshra.s32 v21, $0x18;
	v28 =	vcvt.s32.f32 v28;
	v25 =	vmul.f32 v25, v26  }
0xd1: {  	v21 =	vcvt.s32.f32 v21;
	v27 =	vmul.f32 v27, v26  }
0xd2: {  	[tilespmem:v23+s16+$0x0] =	vst.idx.msk $0xffff, v25;
	v23 =	vmul.f32 v28, v26  }
0xd3: {  	v21 =	vmul.f32 v21, v26;
	[tilespmem:v22+s16+$0x0] =	vst.idx.msk $0xffff, v27  }
0xd4: {  	[tilespmem:v24+s16+$0x0] =	vst.idx.msk $0xffff, v23  }
0xd5: {  	[tilespmem:v29+s16+$0x0] =	vst.idx.msk $0xffff, v21  }
0xd6: {  	v21 =	vld [tilespmem:s24+$0x570];
	_ =	sdelay $0x2  }
0xd7: {  	s28 =	simm.s32 $0x1C0  }
0xd8: {  	v26 =	vbroadcast v20, $0x7;
	v22 =	vor.u32 s28, v2  }
0xd9: {  	v23 =	vor.u32 s28, v0;
	v24 =	vor.u32 s28, v3;
	v25 =	vshll.u32 v21, $0x18  }
0xda: {  	v23 =	vand.u32 v11, v23;
	v27 =	vshll.u32 v21, $0x10;
	v25 =	vshra.s32 v25, $0x18  }
0xdb: {  	v28 =	vshll.u32 v21, $0x8;
	v27 =	vshra.s32 v27, $0x18;
	v25 =	vcvt.s32.f32 v25  }
0xdc: {  	v29 =	vor.u32 s28, v4;
	v28 =	vshra.s32 v28, $0x18;
	v27 =	vcvt.s32.f32 v27  }
0xdd: {  	v21 =	vshra.s32 v21, $0x18;
	v28 =	vcvt.s32.f32 v28;
	v25 =	vmul.f32 v25, v26  }
0xde: {  	v21 =	vcvt.s32.f32 v21;
	v27 =	vmul.f32 v27, v26  }
0xdf: {  	[tilespmem:v23+s16+$0x0] =	vst.idx.msk $0xffff, v25;
	v23 =	vmul.f32 v28, v26  }
0xe0: {  	v21 =	vmul.f32 v21, v26;
	[tilespmem:v22+s16+$0x0] =	vst.idx.msk $0xffff, v27  }
0xe1: {  	[tilespmem:v24+s16+$0x0] =	vst.idx.msk $0xffff, v23  }
0xe2: {  	[tilespmem:v29+s16+$0x0] =	vst.idx.msk $0xffff, v21  }
0xe3: {  	v21 =	vld [tilespmem:s24+$0x580];
	_ =	sdelay $0x2  }
0xe4: {  	s29 =	simm.s32 $0x200  }
0xe5: {  	v26 =	vbroadcast v20, $0x8;
	v22 =	vor.u32 s29, v2  }
0xe6: {  	v23 =	vor.u32 s29, v0;
	v24 =	vor.u32 s29, v3;
	v25 =	vshll.u32 v21, $0x18  }
0xe7: {  	v23 =	vand.u32 v12, v23;
	v27 =	vshll.u32 v21, $0x10;
	v25 =	vshra.s32 v25, $0x18  }
0xe8: {  	v28 =	vshll.u32 v21, $0x8;
	v27 =	vshra.s32 v27, $0x18;
	v25 =	vcvt.s32.f32 v25  }
0xe9: {  	v29 =	vor.u32 s29, v4;
	v28 =	vshra.s32 v28, $0x18;
	v27 =	vcvt.s32.f32 v27  }
0xea: {  	v21 =	vshra.s32 v21, $0x18;
	v28 =	vcvt.s32.f32 v28;
	v25 =	vmul.f32 v25, v26  }
0xeb: {  	v21 =	vcvt.s32.f32 v21;
	v27 =	vmul.f32 v27, v26  }
0xec: {  	[tilespmem:v23+s16+$0x0] =	vst.idx.msk $0xffff, v25;
	v23 =	vmul.f32 v28, v26  }
0xed: {  	v21 =	vmul.f32 v21, v26;
	[tilespmem:v22+s16+$0x0] =	vst.idx.msk $0xffff, v27  }
0xee: {  	[tilespmem:v24+s16+$0x0] =	vst.idx.msk $0xffff, v23  }
0xef: {  	[tilespmem:v29+s16+$0x0] =	vst.idx.msk $0xffff, v21  }
0xf0: {  	v21 =	vld [tilespmem:s24+$0x590];
	_ =	sdelay $0x2  }
0xf1: {  	s28 =	simm.s32 $0x240  }
0xf2: {  	v26 =	vbroadcast v20, $0x9;
	v22 =	vor.u32 s28, v2  }
0xf3: {  	v23 =	vor.u32 s28, v0;
	v24 =	vor.u32 s28, v3;
	v25 =	vshll.u32 v21, $0x18  }
0xf4: {  	v23 =	vand.u32 v13, v23;
	v27 =	vshll.u32 v21, $0x10;
	v25 =	vshra.s32 v25, $0x18  }
0xf5: {  	v28 =	vshll.u32 v21, $0x8;
	v27 =	vshra.s32 v27, $0x18;
	v25 =	vcvt.s32.f32 v25  }
0xf6: {  	v29 =	vor.u32 s28, v4;
	v28 =	vshra.s32 v28, $0x18;
	v27 =	vcvt.s32.f32 v27  }
0xf7: {  	v21 =	vshra.s32 v21, $0x18;
	v28 =	vcvt.s32.f32 v28;
	v25 =	vmul.f32 v25, v26  }
0xf8: {  	v21 =	vcvt.s32.f32 v21;
	v27 =	vmul.f32 v27, v26  }
0xf9: {  	[tilespmem:v23+s16+$0x0] =	vst.idx.msk $0xffff, v25;
	v23 =	vmul.f32 v28, v26  }
0xfa: {  	v21 =	vmul.f32 v21, v26;
	[tilespmem:v22+s16+$0x0] =	vst.idx.msk $0xffff, v27  }
0xfb: {  	[tilespmem:v24+s16+$0x0] =	vst.idx.msk $0xffff, v23  }
0xfc: {  	[tilespmem:v29+s16+$0x0] =	vst.idx.msk $0xffff, v21  }
0xfd: {  	v21 =	vld [tilespmem:s24+$0x5A0];
	_ =	sdelay $0x2  }
0xfe: {  	s29 =	simm.s32 $0x280  }
0xff: {  	v26 =	vbroadcast v20, $0xA;
	v22 =	vor.u32 s29, v2  }
0x100: {  	v23 =	vor.u32 s29, v0;
	v24 =	vor.u32 s29, v3;
	v25 =	vshll.u32 v21, $0x18  }
0x101: {  	v23 =	vand.u32 v14, v23;
	v27 =	vshll.u32 v21, $0x10;
	v25 =	vshra.s32 v25, $0x18  }
0x102: {  	v28 =	vshll.u32 v21, $0x8;
	v27 =	vshra.s32 v27, $0x18;
	v25 =	vcvt.s32.f32 v25  }
0x103: {  	v29 =	vor.u32 s29, v4;
	v28 =	vshra.s32 v28, $0x18;
	v27 =	vcvt.s32.f32 v27  }
0x104: {  	v21 =	vshra.s32 v21, $0x18;
	v28 =	vcvt.s32.f32 v28;
	v25 =	vmul.f32 v25, v26  }
0x105: {  	v21 =	vcvt.s32.f32 v21;
	v27 =	vmul.f32 v27, v26  }
0x106: {  	[tilespmem:v23+s16+$0x0] =	vst.idx.msk $0xffff, v25;
	v23 =	vmul.f32 v28, v26  }
0x107: {  	v21 =	vmul.f32 v21, v26;
	[tilespmem:v22+s16+$0x0] =	vst.idx.msk $0xffff, v27  }
0x108: {  	[tilespmem:v24+s16+$0x0] =	vst.idx.msk $0xffff, v23  }
0x109: {  	[tilespmem:v29+s16+$0x0] =	vst.idx.msk $0xffff, v21  }
0x10a: {  	v21 =	vld [tilespmem:s24+$0x5B0];
	_ =	sdelay $0x2  }
0x10b: {  	s28 =	simm.s32 $0x2C0  }
0x10c: {  	v26 =	vbroadcast v20, $0xB;
	v22 =	vor.u32 s28, v2  }
0x10d: {  	v23 =	vor.u32 s28, v0;
	v24 =	vor.u32 s28, v3;
	v25 =	vshll.u32 v21, $0x18  }
0x10e: {  	v23 =	vand.u32 v15, v23;
	v27 =	vshll.u32 v21, $0x10;
	v25 =	vshra.s32 v25, $0x18  }
0x10f: {  	v28 =	vshll.u32 v21, $0x8;
	v27 =	vshra.s32 v27, $0x18;
	v25 =	vcvt.s32.f32 v25  }
0x110: {  	v29 =	vor.u32 s28, v4;
	v28 =	vshra.s32 v28, $0x18;
	v27 =	vcvt.s32.f32 v27  }
0x111: {  	v21 =	vshra.s32 v21, $0x18;
	v28 =	vcvt.s32.f32 v28;
	v25 =	vmul.f32 v25, v26  }
0x112: {  	v21 =	vcvt.s32.f32 v21;
	v27 =	vmul.f32 v27, v26  }
0x113: {  	[tilespmem:v23+s16+$0x0] =	vst.idx.msk $0xffff, v25;
	v23 =	vmul.f32 v28, v26  }
0x114: {  	v21 =	vmul.f32 v21, v26;
	[tilespmem:v22+s16+$0x0] =	vst.idx.msk $0xffff, v27  }
0x115: {  	[tilespmem:v24+s16+$0x0] =	vst.idx.msk $0xffff, v23  }
0x116: {  	[tilespmem:v29+s16+$0x0] =	vst.idx.msk $0xffff, v21  }
0x117: {  	v21 =	vld [tilespmem:s24+$0x5C0];
	_ =	sdelay $0x2  }
0x118: {  	s29 =	simm.s32 $0x300  }
0x119: {  	v26 =	vbroadcast v20, $0xC;
	v22 =	vor.u32 s29, v2  }
0x11a: {  	v23 =	vor.u32 s29, v0;
	v24 =	vor.u32 s29, v3;
	v25 =	vshll.u32 v21, $0x18  }
0x11b: {  	v23 =	vand.u32 v16, v23;
	v27 =	vshll.u32 v21, $0x10;
	v25 =	vshra.s32 v25, $0x18  }
0x11c: {  	v28 =	vshll.u32 v21, $0x8;
	v27 =	vshra.s32 v27, $0x18;
	v25 =	vcvt.s32.f32 v25  }
0x11d: {  	v29 =	vor.u32 s29, v4;
	v28 =	vshra.s32 v28, $0x18;
	v27 =	vcvt.s32.f32 v27  }
0x11e: {  	v21 =	vshra.s32 v21, $0x18;
	v28 =	vcvt.s32.f32 v28;
	v25 =	vmul.f32 v25, v26  }
0x11f: {  	v21 =	vcvt.s32.f32 v21;
	v27 =	vmul.f32 v27, v26  }
0x120: {  	[tilespmem:v23+s16+$0x0] =	vst.idx.msk $0xffff, v25;
	v23 =	vmul.f32 v28, v26  }
0x121: {  	v21 =	vmul.f32 v21, v26;
	[tilespmem:v22+s16+$0x0] =	vst.idx.msk $0xffff, v27  }
0x122: {  	[tilespmem:v24+s16+$0x0] =	vst.idx.msk $0xffff, v23  }
0x123: {  	[tilespmem:v29+s16+$0x0] =	vst.idx.msk $0xffff, v21  }
0x124: {  	v21 =	vld [tilespmem:s24+$0x5D0];
	_ =	sdelay $0x2  }
0x125: {  	s28 =	simm.s32 $0x340  }
0x126: {  	v26 =	vor.u32 s28, v3;
	v22 =	vor.u32 s28, v2  }
0x127: {  	v23 =	vor.u32 s28, v0;
	v24 =	vbroadcast v20, $0xD;
	v25 =	vshll.u32 v21, $0x18  }
0x128: {  	v23 =	vand.u32 v17, v23;
	v27 =	vshll.u32 v21, $0x10;
	v25 =	vshra.s32 v25, $0x18  }
0x129: {  	v28 =	vshll.u32 v21, $0x8;
	v27 =	vshra.s32 v27, $0x18;
	v25 =	vcvt.s32.f32 v25  }
0x12a: {  	v29 =	vor.u32 s28, v4;
	v28 =	vshra.s32 v28, $0x18;
	v27 =	vcvt.s32.f32 v27  }
0x12b: {  	v21 =	vshra.s32 v21, $0x18;
	v28 =	vcvt.s32.f32 v28;
	v25 =	vmul.f32 v25, v24  }
0x12c: {  	v21 =	vcvt.s32.f32 v21;
	v27 =	vmul.f32 v27, v24  }
0x12d: {  	[tilespmem:v23+s16+$0x0] =	vst.idx.msk $0xffff, v25;
	v23 =	vmul.f32 v28, v24  }
0x12e: {  	v21 =	vmul.f32 v21, v24;
	[tilespmem:v22+s16+$0x0] =	vst.idx.msk $0xffff, v27  }
0x12f: {  	[tilespmem:v26+s16+$0x0] =	vst.idx.msk $0xffff, v23  }
0x130: {  	[tilespmem:v29+s16+$0x0] =	vst.idx.msk $0xffff, v21  }
0x131: {  	v25 =	vld [tilespmem:s24+$0x5E0];
	_ =	sdelay $0x3  }
0x132: {  	s29 =	simm.s32 $0x380;
	v22 =	vbroadcast v20, $0xE  }
0x133: {  	v26 =	vor.u32 s29, v0;
	v24 =	vshll.u32 v25, $0x18;
	v27 =	vshll.u32 v25, $0x10  }
0x134: {  	v29 =	vshll.u32 v25, $0x8;
	v30 =	vshra.s32 v25, $0x18;
	v24 =	vshra.s32 v24, $0x18  }
0x135: {  	v25 =	vand.u32 v18, v26;
	v27 =	vshra.s32 v27, $0x18;
	v28 =	vcvt.s32.f32 v24  }
0x136: {  	v21 =	vor.u32 s29, v2;
	v29 =	vshra.s32 v29, $0x18;
	v27 =	vcvt.s32.f32 v27  }
0x137: {  	v23 =	vor.u32 s29, v3;
	v29 =	vcvt.s32.f32 v29;
	v28 =	vmul.f32 v28, v22  }
0x138: {  	s25 =	simm.s32 $0x400;
	v24 =	vor.u32 s29, v4;
	v26 =	vmul.f32 v27, v22;
	v27 =	vcvt.s32.f32 v30  }
.LBB2_3:
0x139: {  	p0 =	sne.s32 s25, $0x13C00  }
0x13a: {  	[tilespmem:v25+s16+$0x0] =	vst.idx.msk $0xffff, v28;
	v25 =	vmul.f32 v29, v22;
	s22 =	sadd.s32 $0x10, s22;
	s28 =	smov.u32 s25;
	s25 =	sadd.s32 $0x400, s25  }
0x13b: {  	s29 =	sshra.s32 s28, $0x2;
	[tilespmem:v21+s16+$0x0] =	vst.idx.msk $0xffff, v26;
	v21 =	vmul.f32 v27, v22  }
0x13c: {  	[tilespmem:v23+s16+$0x0] =	vst.idx.msk $0xffff, v25  }
0x13d: {  	[tilespmem:v24+s16+$0x0] =	vst.idx.msk $0xffff, v21  }
0x13e: {  	v21 =	vld [tilespmem:s24+$0x5F0];
	s24 =	smov.u32 s29  }
0x13f: {  	s29 =	sadd.s32 $0x3C0, s21;
	s21 =	smov.u32 s28  }
0x140: {  	v22 =	vor.u32 s21, v0;
	v23 =	vor.u32 s29, v2;
	v24 =	vor.u32 s29, v3  }
0x141: {  	v25 =	vor.u32 s29, v0  }
0x142: {  	v20 =	vbroadcast v20, $0xF;
	v26 =	vor.u32 s29, v4;
	v25 =	vand.u32 v19, v25  }
0x143: {  	v22 =	vand.u32 v1, v22;
	v27 =	vshll.u32 v21, $0x18;
	v28 =	vshll.u32 v21, $0x10  }
0x144: {  	v29 =	vor.u32 s21, v2;
	v27 =	vshra.s32 v27, $0x18;
	v28 =	vshra.s32 v28, $0x18  }
0x145: {  	v30 =	vor.u32 s21, v3;
	v31 =	vshll.u32 v21, $0x8;
	v27 =	vcvt.s32.f32 v27  }
0x146: {  	v32 =	vor.u32 s21, v4;
	v31 =	vshra.s32 v31, $0x18;
	v28 =	vcvt.s32.f32 v28  }
0x147: {  	v21 =	vshra.s32 v21, $0x18;
	v31 =	vcvt.s32.f32 v31;
	v27 =	vmul.f32 v27, v20  }
0x148: {  	v21 =	vcvt.s32.f32 v21;
	v28 =	vmul.f32 v28, v20  }
0x149: {  	[tilespmem:v25+s16+$0x0] =	vst.idx.msk $0xffff, v27;
	v25 =	vmul.f32 v31, v20  }
0x14a: {  	v20 =	vmul.f32 v21, v20;
	[tilespmem:v23+s16+$0x0] =	vst.idx.msk $0xffff, v28  }
0x14b: {  	[tilespmem:v24+s16+$0x0] =	vst.idx.msk $0xffff, v25  }
0x14c: {  	[tilespmem:v26+s16+$0x0] =	vst.idx.msk $0xffff, v20  }
0x14d: {  	v21 =	vld [tilespmem:s24+$0x500]  }
0x14e: {  	v20 =	vld [tilespmem:s22+$0x0];
	_ =	sdelay $0x1  }
0x14f: {  	s28 =	sadd.s32 $0x40, s21  }
0x150: {  	v23 =	vor.u32 s28, v2  }
0x151: {  	v26 =	vor.u32 s28, v0;
	v24 =	vshll.u32 v21, $0x18;
	v25 =	vshll.u32 v21, $0x10  }
0x152: {  	v26 =	vand.u32 v5, v26;
	v20 =	vmul.f32 $7.874015710e-03, v20;
	v24 =	vshra.s32 v24, $0x18  }
0x153: {  	v27 =	vshll.u32 v21, $0x8;
	v21 =	vshra.s32 v21, $0x18;
	v25 =	vshra.s32 v25, $0x18  }
0x154: {  	v31 =	vor.u32 s28, v3;
	v24 =	vcvt.s32.f32 v24;
	v28 =	vbroadcast v20, $0x0  }
0x155: {  	v33 =	vor.u32 s28, v4;
	v27 =	vshra.s32 v27, $0x18;
	v25 =	vcvt.s32.f32 v25  }
0x156: {  	v27 =	vcvt.s32.f32 v27;
	v24 =	vmul.f32 v24, v28  }
0x157: {  	v21 =	vcvt.s32.f32 v21;
	v25 =	vmul.f32 v25, v28  }
0x158: {  	[tilespmem:v22+s16+$0x0] =	vst.idx.msk $0xffff, v24;
	v22 =	vmul.f32 v27, v28  }
0x159: {  	v21 =	vmul.f32 v21, v28;
	[tilespmem:v29+s16+$0x0] =	vst.idx.msk $0xffff, v25  }
0x15a: {  	[tilespmem:v30+s16+$0x0] =	vst.idx.msk $0xffff, v22  }
0x15b: {  	[tilespmem:v32+s16+$0x0] =	vst.idx.msk $0xffff, v21  }
0x15c: {  	v21 =	vld [tilespmem:s24+$0x510];
	_ =	sdelay $0x2  }
0x15d: {  	s28 =	sadd.s32 $0x80, s21  }
0x15e: {  	v24 =	vor.u32 s28, v2;
	v22 =	vbroadcast v20, $0x1  }
0x15f: {  	v28 =	vor.u32 s28, v0;
	v25 =	vshll.u32 v21, $0x18;
	v27 =	vshll.u32 v21, $0x10  }
0x160: {  	v28 =	vand.u32 v6, v28;
	v25 =	vshra.s32 v25, $0x18;
	v27 =	vshra.s32 v27, $0x18  }
0x161: {  	v29 =	vshll.u32 v21, $0x8;
	v25 =	vcvt.s32.f32 v25;
	v27 =	vcvt.s32.f32 v27  }
0x162: {  	v30 =	vor.u32 s28, v3;
	v21 =	vshra.s32 v21, $0x18;
	v29 =	vshra.s32 v29, $0x18  }
0x163: {  	v32 =	vor.u32 s28, v4;
	v29 =	vcvt.s32.f32 v29;
	v25 =	vmul.f32 v25, v22  }
0x164: {  	v21 =	vcvt.s32.f32 v21;
	v27 =	vmul.f32 v27, v22  }
0x165: {  	[tilespmem:v26+s16+$0x0] =	vst.idx.msk $0xffff, v25;
	v25 =	vmul.f32 v29, v22  }
0x166: {  	v21 =	vmul.f32 v21, v22;
	[tilespmem:v23+s16+$0x0] =	vst.idx.msk $0xffff, v27  }
0x167: {  	[tilespmem:v31+s16+$0x0] =	vst.idx.msk $0xffff, v25  }
0x168: {  	[tilespmem:v33+s16+$0x0] =	vst.idx.msk $0xffff, v21  }
0x169: {  	v21 =	vld [tilespmem:s24+$0x520];
	_ =	sdelay $0x3  }
0x16a: {  	s28 =	sadd.s32 $0xC0, s21;
	v22 =	vbroadcast v20, $0x2  }
0x16b: {  	v26 =	vor.u32 s28, v2;
	v23 =	vshll.u32 v21, $0x18;
	v25 =	vshll.u32 v21, $0x10  }
0x16c: {  	v27 =	vor.u32 s28, v0;
	v23 =	vshra.s32 v23, $0x18;
	v25 =	vshra.s32 v25, $0x18  }
0x16d: {  	v27 =	vand.u32 v7, v27;
	v29 =	vshll.u32 v21, $0x8;
	v23 =	vcvt.s32.f32 v23  }
0x16e: {  	v21 =	vshra.s32 v21, $0x18;
	v29 =	vshra.s32 v29, $0x18;
	v25 =	vcvt.s32.f32 v25  }
0x16f: {  	v31 =	vor.u32 s28, v3;
	v29 =	vcvt.s32.f32 v29;
	v23 =	vmul.f32 v23, v22  }
0x170: {  	v33 =	vor.u32 s28, v4;
	v21 =	vcvt.s32.f32 v21;
	v25 =	vmul.f32 v25, v22  }
0x171: {  	[tilespmem:v28+s16+$0x0] =	vst.idx.msk $0xffff, v23;
	v23 =	vmul.f32 v29, v22  }
0x172: {  	v21 =	vmul.f32 v21, v22;
	[tilespmem:v24+s16+$0x0] =	vst.idx.msk $0xffff, v25  }
0x173: {  	[tilespmem:v30+s16+$0x0] =	vst.idx.msk $0xffff, v23  }
0x174: {  	[tilespmem:v32+s16+$0x0] =	vst.idx.msk $0xffff, v21  }
0x175: {  	v21 =	vld [tilespmem:s24+$0x530];
	_ =	sdelay $0x3  }
0x176: {  	v22 =	vbroadcast v20, $0x3  }
0x177: {  	s28 =	sadd.s32 $0x100, s21;
	v23 =	vshll.u32 v21, $0x18;
	v24 =	vshll.u32 v21, $0x10;
	v25 =	vshll.u32 v21, $0x8  }
0x178: {  	v28 =	vor.u32 s28, v2;
	v23 =	vshra.s32 v23, $0x18;
	v24 =	vshra.s32 v24, $0x18  }
0x179: {  	v29 =	vor.u32 s28, v0;
	v23 =	vcvt.s32.f32 v23;
	v24 =	vcvt.s32.f32 v24  }
0x17a: {  	v29 =	vand.u32 v8, v29;
	v21 =	vshra.s32 v21, $0x18;
	v25 =	vshra.s32 v25, $0x18  }
0x17b: {  	v25 =	vcvt.s32.f32 v25;
	v23 =	vmul.f32 v23, v22  }
0x17c: {  	v30 =	vor.u32 s28, v3;
	v21 =	vcvt.s32.f32 v21;
	v24 =	vmul.f32 v24, v22  }
0x17d: {  	[tilespmem:v27+s16+$0x0] =	vst.idx.msk $0xffff, v23;
	v23 =	vmul.f32 v25, v22;
	v25 =	vor.u32 s28, v4  }
0x17e: {  	v21 =	vmul.f32 v21, v22;
	[tilespmem:v26+s16+$0x0] =	vst.idx.msk $0xffff, v24  }
0x17f: {  	[tilespmem:v31+s16+$0x0] =	vst.idx.msk $0xffff, v23  }
0x180: {  	[tilespmem:v33+s16+$0x0] =	vst.idx.msk $0xffff, v21  }
0x181: {  	v21 =	vld [tilespmem:s24+$0x540];
	_ =	sdelay $0x3  }
0x182: {  	v22 =	vbroadcast v20, $0x4  }
0x183: {  	v23 =	vshll.u32 v21, $0x18;
	v24 =	vshll.u32 v21, $0x10;
	v26 =	vshll.u32 v21, $0x8  }
0x184: {  	s28 =	sadd.s32 $0x140, s21;
	v23 =	vshra.s32 v23, $0x18;
	v24 =	vshra.s32 v24, $0x18;
	v26 =	vshra.s32 v26, $0x18  }
0x185: {  	v27 =	vor.u32 s28, v2;
	v23 =	vcvt.s32.f32 v23;
	v24 =	vcvt.s32.f32 v24  }
0x186: {  	v31 =	vor.u32 s28, v0;
	v21 =	vshra.s32 v21, $0x18;
	v26 =	vcvt.s32.f32 v26  }
0x187: {  	v31 =	vand.u32 v9, v31;
	v21 =	vcvt.s32.f32 v21;
	v23 =	vmul.f32 v23, v22  }
0x188: {  	v24 =	vmul.f32 v24, v22  }
0x189: {  	[tilespmem:v29+s16+$0x0] =	vst.idx.msk $0xffff, v23;
	v23 =	vmul.f32 v26, v22;
	v26 =	vor.u32 s28, v3  }
0x18a: {  	v21 =	vmul.f32 v21, v22;
	v22 =	vor.u32 s28, v4;
	[tilespmem:v28+s16+$0x0] =	vst.idx.msk $0xffff, v24  }
0x18b: {  	[tilespmem:v30+s16+$0x0] =	vst.idx.msk $0xffff, v23  }
0x18c: {  	[tilespmem:v25+s16+$0x0] =	vst.idx.msk $0xffff, v21  }
0x18d: {  	v21 =	vld [tilespmem:s24+$0x550];
	_ =	sdelay $0x3  }
0x18e: {  	v23 =	vbroadcast v20, $0x5  }
0x18f: {  	v24 =	vshll.u32 v21, $0x18;
	v25 =	vshll.u32 v21, $0x10;
	v28 =	vshll.u32 v21, $0x8  }
0x190: {  	v24 =	vshra.s32 v24, $0x18;
	v25 =	vshra.s32 v25, $0x18;
	v28 =	vshra.s32 v28, $0x18  }
0x191: {  	s28 =	sadd.s32 $0x180, s21;
	v21 =	vshra.s32 v21, $0x18;
	v24 =	vcvt.s32.f32 v24;
	v25 =	vcvt.s32.f32 v25  }
0x192: {  	v29 =	vor.u32 s28, v2;
	v21 =	vcvt.s32.f32 v21;
	v28 =	vcvt.s32.f32 v28  }
0x193: {  	v30 =	vor.u32 s28, v0;
	v24 =	vmul.f32 v24, v23  }
0x194: {  	v30 =	vand.u32 v10, v30;
	v25 =	vmul.f32 v25, v23  }
0x195: {  	[tilespmem:v31+s16+$0x0] =	vst.idx.msk $0xffff, v24;
	v24 =	vmul.f32 v28, v23  }
0x196: {  	v21 =	vmul.f32 v21, v23;
	v23 =	vor.u32 s28, v3;
	[tilespmem:v27+s16+$0x0] =	vst.idx.msk $0xffff, v25  }
0x197: {  	[tilespmem:v26+s16+$0x0] =	vst.idx.msk $0xffff, v24;
	v24 =	vor.u32 s28, v4  }
0x198: {  	[tilespmem:v22+s16+$0x0] =	vst.idx.msk $0xffff, v21  }
0x199: {  	v21 =	vld [tilespmem:s24+$0x560];
	_ =	sdelay $0x3  }
0x19a: {  	v22 =	vbroadcast v20, $0x6  }
0x19b: {  	v25 =	vshll.u32 v21, $0x18;
	v26 =	vshll.u32 v21, $0x10;
	v27 =	vshll.u32 v21, $0x8  }
0x19c: {  	v25 =	vshra.s32 v25, $0x18;
	v26 =	vshra.s32 v26, $0x18;
	v27 =	vshra.s32 v27, $0x18  }
0x19d: {  	v21 =	vshra.s32 v21, $0x18;
	v25 =	vcvt.s32.f32 v25;
	v26 =	vcvt.s32.f32 v26  }
0x19e: {  	s28 =	sadd.s32 $0x1C0, s21;
	v21 =	vcvt.s32.f32 v21;
	v27 =	vcvt.s32.f32 v27  }
0x19f: {  	v28 =	vor.u32 s28, v2;
	v25 =	vmul.f32 v25, v22  }
0x1a0: {  	v31 =	vor.u32 s28, v0;
	v26 =	vmul.f32 v26, v22  }
0x1a1: {  	[tilespmem:v30+s16+$0x0] =	vst.idx.msk $0xffff, v25;
	v25 =	vmul.f32 v27, v22;
	v27 =	vand.u32 v11, v31  }
0x1a2: {  	v21 =	vmul.f32 v21, v22;
	[tilespmem:v29+s16+$0x0] =	vst.idx.msk $0xffff, v26  }
0x1a3: {  	v22 =	vor.u32 s28, v3;
	[tilespmem:v23+s16+$0x0] =	vst.idx.msk $0xffff, v25  }
0x1a4: {  	[tilespmem:v24+s16+$0x0] =	vst.idx.msk $0xffff, v21;
	v21 =	vor.u32 s28, v4  }
0x1a5: {  	v23 =	vld [tilespmem:s24+$0x570];
	_ =	sdelay $0x3  }
0x1a6: {  	v24 =	vbroadcast v20, $0x7  }
0x1a7: {  	v25 =	vshll.u32 v23, $0x18;
	v26 =	vshll.u32 v23, $0x10;
	v29 =	vshll.u32 v23, $0x8  }
0x1a8: {  	v25 =	vshra.s32 v25, $0x18;
	v26 =	vshra.s32 v26, $0x18;
	v29 =	vshra.s32 v29, $0x18  }
0x1a9: {  	v23 =	vshra.s32 v23, $0x18;
	v25 =	vcvt.s32.f32 v25;
	v26 =	vcvt.s32.f32 v26  }
0x1aa: {  	v23 =	vcvt.s32.f32 v23;
	v29 =	vcvt.s32.f32 v29  }
0x1ab: {  	s28 =	sadd.s32 $0x200, s21;
	v25 =	vmul.f32 v25, v24  }
0x1ac: {  	v30 =	vor.u32 s28, v2;
	v26 =	vmul.f32 v26, v24  }
0x1ad: {  	[tilespmem:v27+s16+$0x0] =	vst.idx.msk $0xffff, v25;
	v25 =	vmul.f32 v29, v24;
	v27 =	vor.u32 s28, v0  }
0x1ae: {  	v23 =	vmul.f32 v23, v24;
	[tilespmem:v28+s16+$0x0] =	vst.idx.msk $0xffff, v26;
	v24 =	vand.u32 v12, v27  }
0x1af: {  	[tilespmem:v22+s16+$0x0] =	vst.idx.msk $0xffff, v25  }
0x1b0: {  	[tilespmem:v21+s16+$0x0] =	vst.idx.msk $0xffff, v23;
	v21 =	vor.u32 s28, v3  }
0x1b1: {  	v23 =	vor.u32 s28, v4;
	v22 =	vld [tilespmem:s24+$0x580];
	_ =	sdelay $0x3  }
0x1b2: {  	v25 =	vbroadcast v20, $0x8  }
0x1b3: {  	v26 =	vshll.u32 v22, $0x18;
	v27 =	vshll.u32 v22, $0x10;
	v28 =	vshll.u32 v22, $0x8  }
0x1b4: {  	v26 =	vshra.s32 v26, $0x18;
	v27 =	vshra.s32 v27, $0x18;
	v28 =	vshra.s32 v28, $0x18  }
0x1b5: {  	v22 =	vshra.s32 v22, $0x18;
	v26 =	vcvt.s32.f32 v26;
	v27 =	vcvt.s32.f32 v27  }
0x1b6: {  	v22 =	vcvt.s32.f32 v22;
	v28 =	vcvt.s32.f32 v28  }
0x1b7: {  	v26 =	vmul.f32 v26, v25  }
0x1b8: {  	s28 =	sadd.s32 $0x240, s21;
	v27 =	vmul.f32 v27, v25  }
0x1b9: {  	[tilespmem:v24+s16+$0x0] =	vst.idx.msk $0xffff, v26;
	v24 =	vmul.f32 v28, v25;
	v26 =	vor.u32 s28, v2  }
0x1ba: {  	v22 =	vmul.f32 v22, v25;
	v25 =	vor.u32 s28, v0;
	[tilespmem:v30+s16+$0x0] =	vst.idx.msk $0xffff, v27  }
0x1bb: {  	[tilespmem:v21+s16+$0x0] =	vst.idx.msk $0xffff, v24;
	v21 =	vand.u32 v13, v25  }
0x1bc: {  	[tilespmem:v23+s16+$0x0] =	vst.idx.msk $0xffff, v22  }
0x1bd: {  	v23 =	vor.u32 s28, v3;
	v22 =	vld [tilespmem:s24+$0x590]  }
0x1be: {  	v24 =	vor.u32 s28, v4;
	_ =	sdelay $0x2  }
0x1bf: {  	v25 =	vbroadcast v20, $0x9  }
0x1c0: {  	v27 =	vshll.u32 v22, $0x18;
	v28 =	vshll.u32 v22, $0x10;
	v29 =	vshll.u32 v22, $0x8  }
0x1c1: {  	v27 =	vshra.s32 v27, $0x18;
	v28 =	vshra.s32 v28, $0x18;
	v29 =	vshra.s32 v29, $0x18  }
0x1c2: {  	v22 =	vshra.s32 v22, $0x18;
	v27 =	vcvt.s32.f32 v27;
	v28 =	vcvt.s32.f32 v28  }
0x1c3: {  	v22 =	vcvt.s32.f32 v22;
	v29 =	vcvt.s32.f32 v29  }
0x1c4: {  	v27 =	vmul.f32 v27, v25  }
0x1c5: {  	v28 =	vmul.f32 v28, v25  }
0x1c6: {  	s28 =	sadd.s32 $0x280, s21;
	[tilespmem:v21+s16+$0x0] =	vst.idx.msk $0xffff, v27;
	v21 =	vmul.f32 v29, v25  }
0x1c7: {  	v22 =	vmul.f32 v22, v25;
	v25 =	vor.u32 s28, v2;
	[tilespmem:v26+s16+$0x0] =	vst.idx.msk $0xffff, v28  }
0x1c8: {  	[tilespmem:v23+s16+$0x0] =	vst.idx.msk $0xffff, v21;
	v21 =	vor.u32 s28, v0  }
0x1c9: {  	[tilespmem:v24+s16+$0x0] =	vst.idx.msk $0xffff, v22;
	v21 =	vand.u32 v14, v21  }
0x1ca: {  	v22 =	vld [tilespmem:s24+$0x5A0]  }
0x1cb: {  	v23 =	vor.u32 s28, v3  }
0x1cc: {  	v24 =	vor.u32 s28, v4;
	_ =	sdelay $0x1  }
0x1cd: {  	v26 =	vbroadcast v20, $0xA  }
0x1ce: {  	v27 =	vshll.u32 v22, $0x18;
	v28 =	vshll.u32 v22, $0x10;
	v29 =	vshll.u32 v22, $0x8  }
0x1cf: {  	v27 =	vshra.s32 v27, $0x18;
	v28 =	vshra.s32 v28, $0x18;
	v29 =	vshra.s32 v29, $0x18  }
0x1d0: {  	v22 =	vshra.s32 v22, $0x18;
	v27 =	vcvt.s32.f32 v27;
	v28 =	vcvt.s32.f32 v28  }
0x1d1: {  	v22 =	vcvt.s32.f32 v22;
	v29 =	vcvt.s32.f32 v29  }
0x1d2: {  	v27 =	vmul.f32 v27, v26  }
0x1d3: {  	v28 =	vmul.f32 v28, v26  }
0x1d4: {  	[tilespmem:v21+s16+$0x0] =	vst.idx.msk $0xffff, v27;
	v21 =	vmul.f32 v29, v26  }
0x1d5: {  	s28 =	sadd.s32 $0x2C0, s21;
	v22 =	vmul.f32 v22, v26;
	[tilespmem:v25+s16+$0x0] =	vst.idx.msk $0xffff, v28  }
0x1d6: {  	[tilespmem:v23+s16+$0x0] =	vst.idx.msk $0xffff, v21;
	v21 =	vor.u32 s28, v2  }
0x1d7: {  	[tilespmem:v24+s16+$0x0] =	vst.idx.msk $0xffff, v22;
	v22 =	vor.u32 s28, v0  }
0x1d8: {  	v23 =	vld [tilespmem:s24+$0x5B0];
	v22 =	vand.u32 v15, v22;
	_ =	sdelay $0x1  }
0x1d9: {  	v24 =	vor.u32 s28, v3  }
0x1da: {  	v25 =	vor.u32 s28, v4  }
0x1db: {  	v26 =	vbroadcast v20, $0xB  }
0x1dc: {  	v27 =	vshll.u32 v23, $0x18;
	v28 =	vshll.u32 v23, $0x10;
	v29 =	vshll.u32 v23, $0x8  }
0x1dd: {  	v27 =	vshra.s32 v27, $0x18;
	v28 =	vshra.s32 v28, $0x18;
	v29 =	vshra.s32 v29, $0x18  }
0x1de: {  	v23 =	vshra.s32 v23, $0x18;
	v27 =	vcvt.s32.f32 v27;
	v28 =	vcvt.s32.f32 v28  }
0x1df: {  	v23 =	vcvt.s32.f32 v23;
	v29 =	vcvt.s32.f32 v29  }
0x1e0: {  	v27 =	vmul.f32 v27, v26  }
0x1e1: {  	v28 =	vmul.f32 v28, v26  }
0x1e2: {  	[tilespmem:v22+s16+$0x0] =	vst.idx.msk $0xffff, v27;
	v22 =	vmul.f32 v29, v26  }
0x1e3: {  	[tilespmem:v21+s16+$0x0] =	vst.idx.msk $0xffff, v28;
	v21 =	vmul.f32 v23, v26  }
0x1e4: {  	s28 =	sadd.s32 $0x300, s21;
	[tilespmem:v24+s16+$0x0] =	vst.idx.msk $0xffff, v22  }
0x1e5: {  	[tilespmem:v25+s16+$0x0] =	vst.idx.msk $0xffff, v21;
	v21 =	vor.u32 s28, v2  }
0x1e6: {  	v23 =	vor.u32 s28, v0;
	v22 =	vld [tilespmem:s24+$0x5C0]  }
0x1e7: {  	v23 =	vand.u32 v16, v23;
	_ =	sdelay $0x1  }
0x1e8: {  	v24 =	vor.u32 s28, v3  }
0x1e9: {  	v26 =	vor.u32 s28, v4;
	v25 =	vbroadcast v20, $0xC  }
0x1ea: {  	v27 =	vshll.u32 v22, $0x18;
	v28 =	vshll.u32 v22, $0x10;
	v29 =	vshll.u32 v22, $0x8  }
0x1eb: {  	v27 =	vshra.s32 v27, $0x18;
	v28 =	vshra.s32 v28, $0x18;
	v29 =	vshra.s32 v29, $0x18  }
0x1ec: {  	v22 =	vshra.s32 v22, $0x18;
	v27 =	vcvt.s32.f32 v27;
	v28 =	vcvt.s32.f32 v28  }
0x1ed: {  	v22 =	vcvt.s32.f32 v22;
	v29 =	vcvt.s32.f32 v29  }
0x1ee: {  	v27 =	vmul.f32 v27, v25  }
0x1ef: {  	v28 =	vmul.f32 v28, v25  }
0x1f0: {  	[tilespmem:v23+s16+$0x0] =	vst.idx.msk $0xffff, v27;
	v23 =	vmul.f32 v29, v25  }
0x1f1: {  	[tilespmem:v21+s16+$0x0] =	vst.idx.msk $0xffff, v28;
	v21 =	vmul.f32 v22, v25  }
0x1f2: {  	[tilespmem:v24+s16+$0x0] =	vst.idx.msk $0xffff, v23  }
0x1f3: {  	s28 =	sadd.s32 $0x340, s21;
	[tilespmem:v26+s16+$0x0] =	vst.idx.msk $0xffff, v21  }
0x1f4: {  	v22 =	vor.u32 s28, v2;
	v21 =	vld [tilespmem:s24+$0x5D0]  }
0x1f5: {  	v23 =	vor.u32 s28, v0  }
0x1f6: {  	v23 =	vand.u32 v17, v23;
	_ =	sdelay $0x1  }
0x1f7: {  	v25 =	vor.u32 s28, v3;
	v24 =	vbroadcast v20, $0xD  }
0x1f8: {  	v28 =	vor.u32 s28, v4;
	v26 =	vshll.u32 v21, $0x18;
	v27 =	vshll.u32 v21, $0x10  }
0x1f9: {  	v29 =	vshll.u32 v21, $0x8;
	v26 =	vshra.s32 v26, $0x18;
	v27 =	vshra.s32 v27, $0x18  }
0x1fa: {  	v29 =	vshra.s32 v29, $0x18;
	v26 =	vcvt.s32.f32 v26;
	v27 =	vcvt.s32.f32 v27  }
0x1fb: {  	v21 =	vshra.s32 v21, $0x18;
	v29 =	vcvt.s32.f32 v29  }
0x1fc: {  	v21 =	vcvt.s32.f32 v21;
	v26 =	vmul.f32 v26, v24  }
0x1fd: {  	v27 =	vmul.f32 v27, v24  }
0x1fe: {  	[tilespmem:v23+s16+$0x0] =	vst.idx.msk $0xffff, v26;
	v23 =	vmul.f32 v29, v24  }
0x1ff: {  	v21 =	vmul.f32 v21, v24;
	[tilespmem:v22+s16+$0x0] =	vst.idx.msk $0xffff, v27  }
0x200: {  	[tilespmem:v25+s16+$0x0] =	vst.idx.msk $0xffff, v23  }
0x201: {  	[tilespmem:v28+s16+$0x0] =	vst.idx.msk $0xffff, v21  }
0x202: {  	s28 =	sadd.s32 $0x380, s21;
	v26 =	vld [tilespmem:s24+$0x5E0]  }
0x203: {  	v21 =	vor.u32 s28, v2  }
0x204: {  	v22 =	vor.u32 s28, v0  }
0x205: {  	v25 =	vand.u32 v18, v22  }
0x206: {  	v22 =	vbroadcast v20, $0xE  }
0x207: {  	v23 =	vor.u32 s28, v3;
	v24 =	vshll.u32 v26, $0x18;
	v27 =	vshll.u32 v26, $0x10  }
.Ltmp0:
0x208: {  	v28 =	vshra.s32 v24, $0x18;
	v27 =	vshra.s32 v27, $0x18;
	v24 =	vor.u32 s28, v4;
	(pc) =	sbr.rel @p0 .LBB2_3-.Ltmp0, $4  }
0x209: {  	v29 =	vshll.u32 v26, $0x8;
	v28 =	vcvt.s32.f32 v28;
	v27 =	vcvt.s32.f32 v27  }
0x20a: {  	v30 =	vshra.s32 v26, $0x18;
	v29 =	vshra.s32 v29, $0x18  }
0x20b: {  	v29 =	vcvt.s32.f32 v29;
	v28 =	vmul.f32 v28, v22  }
0x20c: {  	v26 =	vmul.f32 v27, v22;
	v27 =	vcvt.s32.f32 v30  }
0x20d: {  	_ =	sdelay $0x3  }
0x20e: {  	[tilespmem:v25+s16+$0x0] =	vst.idx.msk $0xffff, v28;
	v54 =	vmul.f32 v29, v22  }
0x20f: {  	[tilespmem:v21+s16+$0x0] =	vst.idx.msk $0xffff, v26;
	v55 =	vmul.f32 v27, v22  }
0x210: {  	[tilespmem:v23+s16+$0x0] =	vst.idx.msk $0xffff, v54  }
0x211: {  	[tilespmem:v24+s16+$0x0] =	vst.idx.msk $0xffff, v55  }
0x212: {  	v21 =	vld [tilespmem:s24+$0x5F0];
	_ =	sdelay $0x2  }
0x213: {  	s21 =	sadd.s32 $0x3C0, s21  }
0x214: {  	v20 =	vbroadcast v20, $0xF;
	v56 =	vor.u32 s21, v2  }
0x215: {  	v57 =	vor.u32 s21, v3;
	v58 =	vor.u32 s21, v0;
	v59 =	vshll.u32 v21, $0x18  }
0x216: {  	v24 =	vand.u32 v19, v58;
	v60 =	vshll.u32 v21, $0x10;
	v25 =	vshra.s32 v59, $0x18  }
0x217: {  	v61 =	vshll.u32 v21, $0x8;
	v26 =	vshra.s32 v60, $0x18;
	v25 =	vcvt.s32.f32 v25  }
0x218: {  	v62 =	vor.u32 s21, v4;
	v27 =	vshra.s32 v61, $0x18;
	v26 =	vcvt.s32.f32 v26  }
0x219: {  	v21 =	vshra.s32 v21, $0x18;
	v27 =	vcvt.s32.f32 v27;
	v25 =	vmul.f32 v25, v20  }
0x21a: {  	v21 =	vcvt.s32.f32 v21;
	v26 =	vmul.f32 v26, v20  }
0x21b: {  	v63 =	vmul.f32 v27, v20;
	[tilespmem:v24+s16+$0x0] =	vst.idx.msk $0xffff, v25  }
0x21c: {  	s18 =	sadd.s32 $0x1, s18;
	v20 =	vmul.f32 v21, v20;
	[tilespmem:v56+s16+$0x0] =	vst.idx.msk $0xffff, v26  }
0x21d: {  	s19 =	sshll.u32 s19, $0x3;
	s28 =	rddreg [dreg:$0x2];
	p0 =	sne.s32 s18, $0x5;
	[tilespmem:v57+s16+$0x0] =	vst.idx.msk $0xffff, v63  }
.Ltmp1:
0x21e: {  	s29 =	simm.s32 $0x0;
	s19 =	sadd.s32 s28, s19;
	[tilespmem:v62+s16+$0x0] =	vst.idx.msk $0xffff, v20;
	(pc) =	sbr.rel @p0 .LBB2_2-.Ltmp1, $4  }
0x21f: {  	[hbm4b:s19+s29] =	stream.linear.scatter [tilespmem:s16], [sflag:$0x3], $0x14000, $0x38;
	[tilespmem:$0x19A00] =	vst v63  }
0x220: {  	_ =	swait.ge [sflag:s9], $0x14000  }
0x221: {  	[sflag:s9] =	ssyncset.done $0x0  }
0x222: {  	[sflag:s9] =	ssyncadd.s32 $0xFFFEC000  }
0x223: {  	s19 =	rddreg [dreg:$0x5]  }
0x224: {  	s18 =	rddreg [dreg:$0x4];
	s19 =	sadd.s32 $0x1, s19  }
0x225: {  	p0 =	sne.s32 s19, s18  }
.Ltmp2:
0x226: {  	_ = 	snop;
	(pc) =	sbr.rel @p0 .LBB2_1-.Ltmp2, $1  }
0x227: {  	_ =	sdelay $0x3  }
0x228: {  	_ =	sfence.sel $0x180000  }
0x229: {  	[bflag:$0x0] =	sbarrier.arrive $0xFFFF  }
0x22a: {  	_ =	strace $0x90000047  }
0x22b: {  	s0 =	stileid.u32;
	[bflag:$0x2] =	sbarrier.arrive $0xFFFF  }
0x22c: {  	p0 =	sne.s32 s0, $0x0;
	s0 =	rddreg [dreg:$0x3]  }
0x22d: {  	s0 =	sadd.s32 @!p0 $0x100000, s0  }
0x22e: {  	[sflag:s0] =	ssyncadd.tile.s32 @!p0 $0x1;
	_ =	shalt  }
.Lfunc_end2:
_tile_overlayer_lowered:
.L_overlay_start_2:
0x22f: {  	(tag) =	ssettag $0x2  }
0x230: {  	s0 =	rddreg [dreg:$0x0];
	s2 =	stileid.u32  }
0x231: {  	s1 =	rddreg [dreg:$0x1];
	p0 =	sne.s32 s2, $0x0  }
0x232: {  	s3 =	rddreg [dreg:$0x2];
	[bflag:$0x3] =	sbarrier.arrive $0xFFFF;
	s2 =	simm.s32 @!p0 $0x1C03  }
0x233: {  	[timem:s3], [sflag:s2] =	dma.local @!p0 [hbm:s0], s1  }
0x234: {  	s0 =	simm.s32 @!p0 $0x3  }
0x235: {  	_ =	swait.ge @!p0 [sflag:s0], s1  }
0x236: {  	s1 =	ssub.s32 @!p0 $0x0, s1;
	[sflag:s0] =	ssyncset.done @!p0 $0x0  }
0x237: {  	[sflag:s0] =	ssyncadd.s32 @!p0 s1  }
0x238: {  	[bflag:$0x3] =	sbarrier.arrive $0xFFFF  }
0x239: {  	_ =	shalt  }

// kernel: sparse-core-data-format-call.cloned.1.call-start
scs
called_computation_lowered:
.L_overlay_start_0:
0x0: {  	s2 =	sld [smem:$0x3FD9]  }
0x1: {  	s3 =	sld [smem:$0x3FFE];
	_ =	sdelay $0x1  }
0x2: {  	s1 =	srdreg.scid  }
0x3: {  	s0 =	sand.u32 $0x1, s1  }
0x4: {  	s18 =	sshll.u32 s0, $0xA;
	s2 =	sadd.s32 s3, s2  }
0x5: {  	s2 =	sadd.s32 s2, s18  }
0x6: {  	[smem:$0x3FC5] =	sst s2  }
0x7: {  	_ = 	snop  }
0x8: {  	s2 =	sld [smem:$0x3FD0];
	(tm) =	ssettm $0x1  }
0x9: {  	s19 =	sld [smem:$0x3FFB];
	_ =	sdelay $0x3  }
0xa: {  	_ =	strace s19  }
0xb: {  	s3 =	sld [smem:$0x3FFC];
	_ =	sdelay $0x3  }
0xc: {  	_ =	strace s3  }
0xd: {  	s3 =	sld [smem:$0x3FFD];
	_ =	sdelay $0x3  }
0xe: {  	_ =	strace s3  }
0xf: {  	_ =	strace $0x8FFFFFFF  }
0x10: {  	s20 =	sld [smem:$0x3FDB];
	_ =	sdelay $0x1  }
0x11: {  	s4 =	simm.s32 $_scs_section_size  }
0x12: {  	s5 =	simm.s32 $_size__tile_overlayer_lowered;
	s6 =	simm.s32 $_tile_overlayer_lowered  }
0x13: {  	s23 =	simm.s32 $0x1BFF;
	s22 =	sshll.u32 s6, $0x1;
	s3 =	sadd.s32 s4, s20  }
0x14: {  	s7 =	simm.s32 $0x0;
	s21 =	sshll.u32 s5, $0x1;
	s5 =	sadd.s32 s22, s3  }
0x15: {  	[timem:s7], [sflag:s23] =	dma.local [hbm:s5], s21  }
0x16: {  	_ =	swait.ge [sflag:s23], s21  }
0x17: {  	s4 =	ssub.s32 $0x0, s21;
	[sflag:s23] =	ssyncset.done $0x0  }
0x18: {  	[sflag:s23] =	ssyncadd.s32 s4;
	_ =	sdelay $0x1  }
0x19: {  	s24 =	simm.s32 $0x1B8B  }
0x1a: {  	_ =	swait.ge [sflag:s24], $0x1  }
0x1b: {  	[sflag:s24] =	ssyncset.done $0x0  }
0x1c: {  	s26 =	simm.s32 $0x1B8E;
	s25 =	sld [smem:$0x3FFE];
	[sflag:s24] =	ssyncadd.s32 $0xFFFFFFFF  }
0x1d: {  	s27 =	simm.s32 $execute0_lowered;
	[smem:$0x3FD2] =	sst s26  }
0x1e: {  	s5 =	sshll.u32 s27, $0x1;
	_ =	strace $0x80000049;
	[dreg:$0x1] =	wrdreg $0xFFFFFFFF  }
0x1f: {  	s28 =	simm.s32 $_size_execute0_lowered;
	s3 =	sadd.s32 s3, s5;
	[dreg:$0x0] =	wrdreg $0x0  }
0x20: {  	s5 =	sshll.u32 s28, $0x1;
	[dreg:$0x2] =	wrdreg s3  }
0x21: {  	[dreg:$0x3] =	wrdreg s5  }
0x22: {  	[dreg:$0x4] =	wrdreg $0xC0  }
0x23: {  	_ =	task [dreg:s7], $0x5FFFF  }
0x24: {  	[dreg:$0x1] =	wrdreg $0xFFFFFFFF  }
0x25: {  	[dreg:$0x0] =	wrdreg $0x60  }
0x26: {  	[dreg:$0x2] =	wrdreg s25  }
0x27: {  	[dreg:$0x3] =	wrdreg s2  }
0x28: {  	[dreg:$0x4] =	wrdreg $0x9  }
0x29: {  	_ =	task.clear_ibuf [dreg:s7], $0x5FFFF;
	_ =	strace $0x90000049  }
0x2a: {  	s29 =	simm.s32 $0x9;
	_ =	strace $0x8000004B  }
0x2b: {  	_ =	swait.ge [sflag:s29], $0x1  }
0x2c: {  	[sflag:s29] =	ssyncadd.s32 $0xFFFFFFFF  }
0x2d: {  	_ =	strace $0x9000004B  }
0x2e: {  	_ =	sfence  }
0x2f: {  	s30 =	sld [smem:$0x0];
	_ =	sdelay $0x2  }
0x30: {  	s31 =	sshll.u32 s1, $0xD;
	s1 =	sshrl.u32 s1, $0x2  }
0x31: {  	s3 =	sand.u32 $0x4000, s31;
	s1 =	sadd.s32 s1, s30  }
0x32: {  	s0 =	sor.u32 s3, s0;
	s1 =	sshll.u32 s1, $0x11  }
0x33: {  	s0 =	sor.u32 s1, s0  }
0x34: {  	s0 =	sadd.s32 $0x8F2B, s0  }
0x35: {  	[sflag:s0] =	ssyncadd.remote.s32 $0x1  }
0x36: {  	_ =	sfence.sel $0xFFFF  }
0x37: {  	[dreg:$0x0] =	wrdreg $0xFFFFFFFF;
	(pc) =	sbr.abs _section_cstart, $3  }
0x38: {  	[dreg:$0x1] =	wrdreg $0xFFFFFFFF  }
0x39: {  	_ =	task.clear_ibuf [dreg:s7], $0x2FFFF;
	_ =	strace $0x9FFFFFFF  }
0x3a: {  	(tm) =	ssettm $0x7FFFFFFF  }
0x3b: {  	_ =	shalt  }
tec
execute0_lowered:
.L_overlay_start_1:
0x0: {  	(tag) =	ssettag $0x1  }
0x1: {  	s0 =	srdreg.scid  }
0x2: {  	s1 =	sshll.u32 s0, $0x4  }
0x3: {  	s0 =	stileid.u32;
	s1 =	sand.u32 $0x10, s1  }
0x4: {  	s1 =	sor.u32 s0, s1  }
0x5: {  	s6 =	rddreg [dreg:$0x0];
	s4 =	simm.s32 $0x1;
	s2 =	sshll.u32 s1, $0x7  }
0x6: {  	s7 =	simm.s32 $0x2;
	s12 =	simm.s32 $0x0;
	s1 =	ssub.s32 $0x1000, s2  }
0x7: {  	s8 =	simm.s32 $0x8000;
	s13 =	simm.s32 $0x0;
	s3 =	sand.u32 $0xF80, s1  }
0x8: {  	s9 =	simm.s32 $0x0;
	s5 =	sshrl.u32 s1, $0xC;
	p0 =	sne.s32 s3, $0x0  }
.Ltmp0:
0x9: {  	s1 =	rddreg [dreg:$0x2];
	s4 =	simm.s32 @!p0 $0x0;
	(pc) =	sbr.rel .LBB1_1-.Ltmp0, $4  }
0xa: {  	s11 =	simm.s32 $0x0;
	s3 =	rddreg [dreg:$0x1];
	s5 =	sadd.s32 s4, s5  }
0xb: {  	_ =	strace $0x8000004A;
	s4 =	simm.s32 $0x1;
	s5 =	smul.u32 $0x32, s5  }
0xc: {  	s6 =	sadd.s32 $0xA00, s6;
	s10 =	smov.u32 s2;
	[sflag:s4] =	ssyncpa.u1 $0x0  }
0xd: {  	p0 =	por $0x0, $0x0;
	[sflag:s7] =	ssyncpa.u1 $0x0;
	s7 =	sor.u32 $0x1, s5  }
.LBB1_4:
0xe: {  	s16 =	sshll.u32 s13, $0x3;
	s17 =	sand.u32 $0x78, s13  }
0xf: {  	s30 =	sand.u32 $0x7E00, s13;
	s12 =	sshll.u32 s12, $0xF;
	s16 =	sand.u32 $0xC00, s16  }
0x10: {  	[tilespmem:s15+$0x810 ss:$0x81] =	vst.msk $0xffff, v2;
	s31 =	sand.u32 $0x7, s13;
	s16 =	sor.u32 s17, s16;
	s17 =	sadd.s32 s3, s30  }
0x11: {  	[tilespmem:s15+$0x1020 ss:$0x81] =	vst.msk $0xffff, v0;
	s13 =	sshll.u32 s31, $0x12;
	s12 =	sadd.s32 s12, s17;
	s16 =	sshrl.u32 s16, $0x3  }
0x12: {  	[tilespmem:s15+$0x0 ss:$0x81] =	vst.msk $0xffff, v1;
	s13 =	sor.u32 $0x400, s13;
	s12 =	sadd.s32 s16, s12  }
0x13: {  	[hbm4b:s12+s13] =	stream.strided.scatter [tilespmem:s14], [sflag:$0x2], $0x2000, s8, s13, $0x20;
	[tilespmem:$0x8080] =	vst v63  }
.LBB1_5:
0x14: {  	s14 =	sadd.s32 $0x1, s9  }
0x15: {  	s12 =	sadd.s32 $0x1000, s10;
	s16 =	smov.u32 s10;
	p2 =	sgt.s32 s14, $0x31  }
0x16: {  	s16 =	smov.u32 @p2 s12  }
0x17: {  	s14 =	simm.s32 @p2 $0x0;
	p2 =	sgt.s32 s16, $0xFFF  }
0x18: {  	s16 =	smov.u32 @p2 s2;
	p2 =	sne.s32 s11, s7  }
.Ltmp1:
0x19: {  	p1 =	slt.u32 s11, $0x2;
	(pc) =	sbr.rel @!p2 .LBB1_6-.Ltmp1, $4  }
0x1a: {  	s15 =	simm.s32 @!p1 $0x2  }
0x1b: {  	s13 =	smov.u32 s10;
	p0 =	por !p0, !p0;
	_ =	swait.ge @!p1 [sflag:s15], $0x2000  }
0x1c: {  	s12 =	smov.u32 s9;
	[sflag:s15] =	ssyncset.done @!p1 $0x0;
	s9 =	smov.u32 s14  }
0x1d: {  	s11 =	sadd.s32 $0x1, s11;
	[sflag:s15] =	ssyncadd.s32 @!p1 $0xFFFFE000;
	s10 =	smov.u32 s16  }
.LBB1_1:
0x1e: {  	p1 =	sge.u32 s11, s5  }
0x1f: {  	s14 =	sand.u32 @!p1 $0x1FFFFFF, s9  }
0x20: {  	s15 =	smulhi.u32 @!p1 $0x4924925, s14;
	_ =	sdelay $0x1  }
0x21: {  	s15 =	smul.u32 @!p1 $0x38, s15  }
0x22: {  	s16 =	sxor.u32 @!p1 $0xFFFFFFFF, s11;
	s17 =	smul.u32 @!p1 $0x380, s10  }
0x23: {  	s31 =	sadd.s32 $0xFFFFFFFF, s11;
	s16 =	sshll.u32 @!p1 s16, $0xD;
	s14 =	ssub.s32 @!p1 s14, s15  }
0x24: {  	s15 =	sand.u32 @!p1 $0x2000, s16;
	s16 =	sadd.s32 @!p1 s6, s17;
	s14 =	sshll.u32 @!p1 s14, $0x4  }
0x25: {  	s17 =	simm.s32 @!p1 $0x1C00;
	s14 =	sadd.s32 @!p1 s14, s16;
	s16 =	simm.s32 @!p1 $0x40  }
0x26: {  	[tilespmem:s15], [sflag:$0x1] =	stream.strided.gather @!p1 [hbm4b:s14+s16], $0x2000, s17, s16, $0x38;
	[tilespmem:$0x8080] =	vst v63  }
0x27: {  	p1 =	sge.u32 s31, s5  }
.Ltmp2:
0x28: {  	_ = 	snop;
	(pc) =	sbr.rel @p1 .LBB1_5-.Ltmp2, $1  }
0x29: {  	_ =	sdelay $0x3  }
0x2a: {  	s14 =	simm.s32 $0x1  }
0x2b: {  	_ =	swait.ge [sflag:s4], $0x2000;
	s14 =	simm.s32 @!p0 $0x0  }
0x2c: {  	[sflag:s4] =	ssyncset.done $0x0;
	s15 =	sshll.u32 s14, $0xD  }
0x2d: {  	[sflag:s4] =	ssyncadd.s32 $0xFFFFE000;
	s18 =	sor.u32 $0x20, s15  }
0x2e: {  	s14 =	smul.u32 $0x8100, s14;
	v3 =	vld [tilespmem:s18+$0x10]  }
0x2f: {  	s30 =	sand.u32 $0x1, s11;
	v2 =	vld [tilespmem:s18+$0xFFFFFFF0]  }
0x30: {  	s15 =	smul.u32 $0x8100, s30;
	s14 =	sshrl.u32 s14, $0x2;
	v0 =	vld [tilespmem:s18+$0x0]  }
0x31: {  	v1 =	vld [tilespmem:s18+$0xFFFFFFE0];
	s16 =	sor.u32 $0x4000, s14  }
0x32: {  	s31 =	sshrl.u32 s15, $0x2;
	s15 =	sadd.s32 $0x0, s16  }
0x33: {  	s17 =	simm.s32 $0x4;
	s18 =	sadd.s32 $0x40, s18;
	s14 =	sor.u32 $0x4000, s31;
	[tilespmem:s15+$0x1830 ss:$0x81] =	vst.msk $0xffff, v3  }
.LBB1_3:
0x34: {  	v3 =	vld [tilespmem:s18+$0x10];
	p1 =	sne.s32 s17, $0x1FC;
	[tilespmem:s15+$0x810 ss:$0x81] =	vst.msk $0xffff, v2;
	s19 =	smov.u32 s17;
	s17 =	sadd.s32 $0x4, s17  }
.Ltmp3:
0x35: {  	v2 =	vld [tilespmem:s18+$0xFFFFFFF0];
	[tilespmem:s15+$0x1020 ss:$0x81] =	vst.msk $0xffff, v0;
	(pc) =	sbr.rel @p1 .LBB1_3-.Ltmp3, $4  }
0x36: {  	v0 =	vld [tilespmem:s18+$0x0];
	[tilespmem:s15+$0x0 ss:$0x81] =	vst.msk $0xffff, v1  }
0x37: {  	s15 =	sshra.s32 s19, $0x2;
	v1 =	vld [tilespmem:s18+$0xFFFFFFE0]  }
0x38: {  	s15 =	sadd.s32 s15, s16  }
0x39: {  	s18 =	sadd.s32 $0x40, s18;
	[tilespmem:s15+$0x1830 ss:$0x81] =	vst.msk $0xffff, v3  }
.Ltmp4:
0x3a: {  	_ = 	snop;
	(pc) =	sbr.rel .LBB1_4-.Ltmp4, $1  }
0x3b: {  	_ =	sdelay $0x3  }
.LBB1_6:
0x3c: {  	_ =	sfence.sel $0x180000  }
0x3d: {  	s2 =	simm.s32 $0x1;
	[bflag:$0x0] =	sbarrier.arrive $0xFFFF  }
0x3e: {  	s31 =	simm.s32 $0x2;
	[sflag:s2] =	ssyncpa.u1 $0x1  }
0x3f: {  	[sflag:s31] =	ssyncpa.u1 $0x1  }
0x40: {  	p0 =	sne.s32 s0, $0x0;
	_ =	strace $0x9000004A  }
0x41: {  	s0 =	sadd.s32 @!p0 $0x100000, s1;
	[bflag:$0x2] =	sbarrier.arrive $0xFFFF  }
0x42: {  	[sflag:s0] =	ssyncadd.tile.s32 @!p0 $0x1;
	_ =	shalt  }
.Lfunc_end1:
_tile_overlayer_lowered:
.L_overlay_start_2:
0x43: {  	(tag) =	ssettag $0x2  }
0x44: {  	s0 =	rddreg [dreg:$0x0];
	s2 =	stileid.u32  }
0x45: {  	s1 =	rddreg [dreg:$0x1];
	p0 =	sne.s32 s2, $0x0  }
0x46: {  	s3 =	rddreg [dreg:$0x2];
	[bflag:$0x3] =	sbarrier.arrive $0xFFFF;
	s2 =	simm.s32 @!p0 $0x1C01  }
0x47: {  	[timem:s3], [sflag:s2] =	dma.local @!p0 [hbm:s0], s1  }
0x48: {  	s0 =	simm.s32 @!p0 $0x1  }
0x49: {  	_ =	swait.ge @!p0 [sflag:s0], s1  }
0x4a: {  	s1 =	ssub.s32 @!p0 $0x0, s1;
	[sflag:s0] =	ssyncset.done @!p0 $0x0  }
0x4b: {  	[sflag:s0] =	ssyncadd.s32 @!p0 s1  }
0x4c: {  	[bflag:$0x3] =	sbarrier.arrive $0xFFFF  }
0x4d: {  	_ =	shalt  }

</sc_bundles>
